<compile_context>
chip_gen: v7x
topology: tpu7x:2x2x1
jax: 0.10.2.dev20260603
libtpu: 0.0.44.dev20260713+nightly
codegen_flags: <defaults>
</compile_context>

<pallas_src>
import functools

import jax
import jax.numpy as jnp
from jax import lax
from jax.experimental import pallas as pl
from jax.experimental.pallas import tpu as pltpu
from jax.experimental.pallas import tpu_sc as plsc

N_NODES = 10000
E_EDGES = 320000
D = 128
B = 64
FP_DIM = 1024
N_CELLS = 100

NW = 32
K = 128
NCH = 80
E_PAD = NW * NCH * K
DEN_PAD = 10240
AGG_PAD = 10240


def _tc_pre_body(emb_ref, wg_ref, as_ref, ad_ref, ctl_ref, wctl_ref,
                 h_ref, hs_ref, hd_ref, ctlp_ref):
    h = jnp.dot(emb_ref[...], wg_ref[...],
                preferred_element_type=jnp.float32,
                precision=lax.Precision.HIGHEST)
    h_ref[...] = h
    hs_ref[...] = jnp.sum(h * as_ref[...], axis=1, keepdims=True)
    hd_ref[...] = jnp.sum(h * ad_ref[...], axis=1, keepdims=True)
    ctlp_ref[...] = jnp.dot(ctl_ref[...], wctl_ref[...],
                            preferred_element_type=jnp.float32,
                            precision=lax.Precision.HIGHEST)


def _tc_pre(node_emb, W_g, a_s, a_d, ctl, W_ctl):
    return pl.pallas_call(
        _tc_pre_body,
        out_shape=(
            jax.ShapeDtypeStruct((N_NODES, D), jnp.float32),
            jax.ShapeDtypeStruct((N_NODES, 1), jnp.float32),
            jax.ShapeDtypeStruct((N_NODES, 1), jnp.float32),
            jax.ShapeDtypeStruct((B, D), jnp.float32),
        ),
    )(node_emb, W_g, a_s.reshape(1, D), a_d.reshape(1, D), ctl, W_ctl)


def _sc_kernel_body(h_hbm, edges_hbm, hs_hbm, hd_hbm,
                    fp8_hbm, drug_fp_hbm,
                    agg_out, den_out, fp_out,
                    hs_v, hd_v, edges_v, ee_v, rows_v,
                    zden_v, fpi_v, fpbuf_v, agg_sh, den_sh, sem):
    cid = lax.axis_index("c")
    sid = lax.axis_index("s")
    wid = cid * 16 + sid

    z16f = jnp.zeros((16,), jnp.float32)

    def _zrow(r, carry):
        for d8 in range(8):
            rows_v[r, pl.ds(16 * d8, 16)] = z16f
        return carry
    lax.fori_loop(0, K, _zrow, 0)

    def _zden(i, carry):
        zden_v[pl.ds(i * 16, 16)] = z16f
        return carry
    lax.fori_loop(0, 40, _zden, 0)

    base = sid * 640
    for k in range(5):
        pltpu.sync_copy(rows_v, agg_sh.at[pl.ds(base + 128 * k, 128)])
    pltpu.sync_copy(zden_v, den_sh.at[pl.ds(sid * 640, 640)])

    pltpu.sync_copy(hs_hbm, hs_v)
    pltpu.sync_copy(hd_hbm, hd_v)

    pltpu.sync_copy(drug_fp_hbm, fpi_v)
    gbase = wid * 16
    gv = gbase + lax.iota(jnp.int32, 16)
    q = lax.shift_right_logical(gv, 3)
    rem = lax.bitwise_and(gv, 7)
    fpi16 = plsc.load_gather(fpi_v, [q]) * 8 + rem
    pltpu.async_copy(fp8_hbm.at[fpi16], fpbuf_v, sem).wait()
    pltpu.sync_copy(fpbuf_v, fp_out.at[pl.ds(gbase, 16)])

    plsc.subcore_barrier()

    def _chunk(ch, carry):
        pltpu.sync_copy(edges_hbm.at[wid * NCH + ch], edges_v)
        pltpu.async_copy(h_hbm.at[edges_v.at[0]], rows_v, sem).wait()
        for g in range(8):
            s16 = edges_v[0, pl.ds(16 * g, 16)]
            d16 = edges_v[1, pl.ds(16 * g, 16)]
            w16 = plsc.bitcast(edges_v[2, pl.ds(16 * g, 16)], jnp.float32)
            a = plsc.load_gather(hs_v, [s16])
            b = plsc.load_gather(hd_v, [d16])
            x = a + b
            e = jnp.where(x >= 0, x, x * jnp.float32(0.2))
            ee_v[pl.ds(16 * g, 16)] = jnp.exp(e) * w16

        def _scale(g, carry2):
            for j in range(16):
                r = g * 16 + j
                sp = plsc.load_gather(
                    ee_v, [jnp.broadcast_to(r.astype(jnp.int32), (16,))])
                for d8 in range(8):
                    sl = pl.ds(16 * d8, 16)
                    rows_v[r, sl] = rows_v[r, sl] * sp
            return carry2
        lax.fori_loop(0, 8, _scale, 0)

        pltpu.sync_copy(rows_v, agg_sh.at[edges_v.at[1]], add=True)
        pltpu.sync_copy(ee_v, den_sh.at[edges_v.at[1]], add=True)
        return carry

    lax.fori_loop(0, NCH, _chunk, 0)

    plsc.subcore_barrier()

    @pl.when(sid == 0)
    def _copy_out():
        pltpu.sync_copy(agg_sh.at[pl.ds(0, N_NODES)], agg_out.at[cid])
        pltpu.sync_copy(den_sh, den_out.at[cid])


def _sc_edge(h, edges, hs, hd, fp8, drug_fp):
    mesh = plsc.VectorSubcoreMesh(core_axis_name="c", subcore_axis_name="s")
    kern = pl.kernel(
        _sc_kernel_body, mesh=mesh,
        out_type=(
            jax.ShapeDtypeStruct((2, N_NODES, D), jnp.float32),
            jax.ShapeDtypeStruct((2, DEN_PAD), jnp.float32),
            jax.ShapeDtypeStruct((B * 8, D), jnp.float32),
        ),
        scratch_types=[
            pltpu.VMEM((N_NODES,), jnp.float32),
            pltpu.VMEM((N_NODES,), jnp.float32),
            pltpu.VMEM((3, K), jnp.int32),
            pltpu.VMEM((K,), jnp.float32),
            pltpu.VMEM((K, D), jnp.float32),
            pltpu.VMEM((640,), jnp.float32),
            pltpu.VMEM((B,), jnp.int32),
            pltpu.VMEM((16, D), jnp.float32),
            pltpu.VMEM_SHARED((AGG_PAD, D), jnp.float32),
            pltpu.VMEM_SHARED((DEN_PAD,), jnp.float32),
            pltpu.SemaphoreType.DMA,
        ],
        compiler_params=pltpu.CompilerParams(needs_layout_passes=False),
    )
    return kern(h, edges, hs, hd, fp8, drug_fp)


def _tc_post_body(aggp_ref, denp_ref, dt_ref, ctlp_ref, ci_ref, cell_ref,
                  fpf_ref, wfp_ref, wout_ref, out_ref):
    agg = aggp_ref[0] + aggp_ref[1]
    den = denp_ref[0] + denp_ref[1] + jnp.float32(1e-9)
    g = agg / den
    gene = jnp.where(g > 0, g, jnp.exp(g) - 1.0)
    dt_emb = jnp.dot(dt_ref[...], gene,
                     preferred_element_type=jnp.float32,
                     precision=lax.Precision.HIGHEST)
    ci = ci_ref[...]
    oh = (ci == lax.broadcasted_iota(jnp.int32, (B, N_CELLS), 1))
    cell_emb = jnp.dot(oh.astype(jnp.float32), cell_ref[...],
                       preferred_element_type=jnp.float32,
                       precision=lax.Precision.HIGHEST)
    fp_emb = jnp.dot(fpf_ref[...], wfp_ref[...],
                     preferred_element_type=jnp.float32,
                     precision=lax.Precision.HIGHEST)
    z = jnp.maximum(ctlp_ref[...] + dt_emb + cell_emb + fp_emb, 0.0)
    out_ref[...] = jnp.dot(z, wout_ref[...],
                           preferred_element_type=jnp.float32,
                           precision=lax.Precision.HIGHEST)


def _tc_post(aggp, denp_col, drug_targets, ctl_proj, cell_idx, cell_table,
             fp_feat, W_fp, W_out):
    return pl.pallas_call(
        _tc_post_body,
        out_shape=jax.ShapeDtypeStruct((B, N_NODES), jnp.float32),
    )(aggp, denp_col, drug_targets, ctl_proj, cell_idx, cell_table,
      fp_feat, W_fp, W_out)


def kernel(ctl, drug_targets, cell_idx, drug_fp, edge_index, edge_weight,
           fp_table, node_emb, W_g, a_s, a_d, W_ctl, W_fp, cell_table, W_out):
    h, hs, hd, ctl_proj = _tc_pre(node_emb, W_g, a_s, a_d, ctl, W_ctl)

    src = edge_index[0]
    dst = edge_index[1]
    pad = E_PAD - E_EDGES
    srcp = jnp.concatenate(
        [src, jnp.zeros((pad,), jnp.int32)]).reshape(NW * NCH, 1, K)
    dstp = jnp.concatenate(
        [dst, jnp.zeros((pad,), jnp.int32)]).reshape(NW * NCH, 1, K)
    wp = lax.bitcast_convert_type(
        jnp.concatenate([edge_weight, jnp.zeros((pad,), jnp.float32)]),
        jnp.int32).reshape(NW * NCH, 1, K)
    edges = jnp.concatenate([srcp, dstp, wp], axis=1)

    aggp, denp, fp8_rows = _sc_edge(
        h, edges, hs.reshape(N_NODES), hd.reshape(N_NODES),
        fp_table.reshape(2000 * 8, D), drug_fp.astype(jnp.int32))

    fp_feat = fp8_rows.reshape(B, FP_DIM)
    denp_col = denp[:, :N_NODES].reshape(2, N_NODES, 1)
    out = _tc_post(aggp, denp_col, drug_targets, ctl_proj,
                   cell_idx.astype(jnp.int32).reshape(B, 1), cell_table,
                   fp_feat, W_fp, W_out)
    return out

# --- scband reference (transcript-rebuilt; emitter-appended) ---
"""Pipeline reference for scband-gatwrapper-sparse-9268539424773 (READ-ONLY COPY).

The authoritative reference and input builder live on the scoring server;
editing this copy changes nothing except your own understanding.
"""

import jax, jax.numpy as jnp
import numpy as np

N_NODES = 10000
E = 320000
D = 128
N_CELLS = 100
N_DRUGS = 2000
FP_DIM = 1024
B = 64


def setup_inputs(seed: int = 0) -> dict:
    key = jax.random.key(seed)
    ks = jax.random.split(key, 16)
    ctl = jax.random.normal(ks[0], (B, N_NODES), dtype=jnp.float32)
    drug_targets = jax.random.uniform(ks[1], (B, N_NODES), dtype=jnp.float32)
    cell_idx = jax.random.randint(ks[2], (B,), 0, N_CELLS, dtype=jnp.int32)
    drug_fp = jax.random.randint(ks[3], (B,), 0, N_DRUGS, dtype=jnp.int32)
    # constructor-time constants of the wrapper
    edge_index = jax.random.randint(ks[4], (2, E), 0, N_NODES, dtype=jnp.int32)
    edge_weight = jax.random.uniform(ks[5], (E,), dtype=jnp.float32)
    fp_table = jax.random.normal(ks[6], (N_DRUGS, FP_DIM), dtype=jnp.float32) * 0.02
    # learned parameters of the inner single-layer GAT model
    node_emb = jax.random.normal(ks[7], (N_NODES, D), dtype=jnp.float32) * 0.02
    W_g = jax.random.normal(ks[8], (D, D), dtype=jnp.float32) * 0.05
    a_s = jax.random.normal(ks[9], (D,), dtype=jnp.float32) * 0.05
    a_d = jax.random.normal(ks[10], (D,), dtype=jnp.float32) * 0.05
    W_ctl = jax.random.normal(ks[11], (N_NODES, D), dtype=jnp.float32) * 0.01
    W_fp = jax.random.normal(ks[12], (FP_DIM, D), dtype=jnp.float32) * 0.02
    cell_table = jax.random.normal(ks[13], (N_CELLS, D), dtype=jnp.float32) * 0.02
    W_out = jax.random.normal(ks[14], (D, N_NODES), dtype=jnp.float32) * 0.02
    return {"ctl": ctl, "drug_targets": drug_targets, "cell_idx": cell_idx,
            "drug_fp": drug_fp, "edge_index": edge_index, "edge_weight": edge_weight,
            "fp_table": fp_table, "node_emb": node_emb, "W_g": W_g, "a_s": a_s,
            "a_d": a_d, "W_ctl": W_ctl, "W_fp": W_fp, "cell_table": cell_table,
            "W_out": W_out}


def reference(ctl, drug_targets, cell_idx, drug_fp, edge_index, edge_weight,
              fp_table, node_emb, W_g, a_s, a_d, W_ctl, W_fp, cell_table, W_out):
    # --- wrapper behavior: gather fingerprint rows for integer 1-D drug_fp ---
    drug_fp_feat = jnp.take(fp_table, drug_fp, axis=0)  # [B, FP_DIM]
    cell_idx = cell_idx.astype(jnp.int32)
    src = edge_index[0]
    dst = edge_index[1]
    # --- inner GAT: single-head attention over the gene graph ---
    h = node_emb @ W_g                                   # [N, D]
    e = jax.nn.leaky_relu((h @ a_s)[src] + (h @ a_d)[dst], negative_slope=0.2)  # [E]
    m = jax.ops.segment_max(e, dst, num_segments=N_NODES)
    m = jnp.where(jnp.isfinite(m), m, 0.0)
    ee = jnp.exp(e - m[dst]) * edge_weight               # [E]
    denom = jax.ops.segment_sum(ee, dst, num_segments=N_NODES) + 1e-9
    alpha = ee / denom[dst]                              # [E]
    agg = jax.ops.segment_sum(alpha[:, None] * h[src], dst, num_segments=N_NODES)
    gene_emb = jax.nn.elu(agg)                           # [N, D]
    # --- readout conditioned on control expr, drug targets, cell and fp ---
    ctl_proj = ctl @ W_ctl                               # [B, D]
    dt_emb = drug_targets @ gene_emb                     # [B, D]
    cell_emb = jnp.take(cell_table, cell_idx, axis=0)    # [B, D]
    fp_emb = drug_fp_feat @ W_fp                         # [B, D]
    z = jax.nn.relu(ctl_proj + dt_emb + cell_emb + fp_emb)
    return z @ W_out                                     # [B, N]

if __name__ == "__main__":
    import jax
    _d = setup_inputs()
    print(jax.jit(kernel)(*tuple(_d.values())))

</pallas_src>

<mosaic_0001>
#map = affine_map<(d0, d1) -> (0, 0)>
#map1 = affine_map<(d0, d1) -> (0, 0, 0)>
#map2 = affine_map<(d0, d1) -> (0)>
module attributes {stable_mosaic.version = 14 : i64} {
  func.func @_sc_kernel_body(%arg0: i32, %arg1: i32, %arg2: memref<10000x128xf32, #tpu.memory_space<hbm>>, %arg3: memref<2560x3x128xi32, #tpu.memory_space<hbm>>, %arg4: memref<10000xf32, #tpu.memory_space<hbm>>, %arg5: memref<10000xf32, #tpu.memory_space<hbm>>, %arg6: memref<16000x128xf32, #tpu.memory_space<hbm>>, %arg7: memref<64xi32, #tpu.memory_space<hbm>>, %arg8: memref<2x10000x128xf32, #tpu.memory_space<hbm>>, %arg9: memref<2x10240xf32, #tpu.memory_space<hbm>>, %arg10: memref<512x128xf32, #tpu.memory_space<hbm>>, %arg11: memref<10000xf32, #tpu.memory_space<vmem>>, %arg12: memref<10000xf32, #tpu.memory_space<vmem>>, %arg13: memref<3x128xi32, #tpu.memory_space<vmem>>, %arg14: memref<128xf32, #tpu.memory_space<vmem>>, %arg15: memref<128x128xf32, #tpu.memory_space<vmem>>, %arg16: memref<640xf32, #tpu.memory_space<vmem>>, %arg17: memref<64xi32, #tpu.memory_space<vmem>>, %arg18: memref<16x128xf32, #tpu.memory_space<vmem>>, %arg19: memref<10240x128xf32, #tpu.memory_space<vmem_shared>>, %arg20: memref<10240xf32, #tpu.memory_space<vmem_shared>>, %arg21: memref<!tpu.dma_semaphore, #tpu.memory_space<semaphore_mem>>) attributes {dimension_semantics = [#tpu.dimension_semantics<core_parallel>, #tpu.dimension_semantics<subcore_parallel>], iteration_bounds = array<i64: 2, 16>, scalar_prefetch = 0 : i64, scratch_operands = 11 : i64, tpu.core_type = #tpu.core_type<sc_vector_subcore>, window_params = [{transform_indices = #map}, {transform_indices = #map1}, {transform_indices = #map2}, {transform_indices = #map2}, {transform_indices = #map}, {transform_indices = #map2}, {transform_indices = #map1}, {transform_indices = #map}, {transform_indices = #map}]} {
    %mul3A = arith.constant 16 : i32
    %mul3A_0 = arith.muli %arg0, %mul3A : i32
    %add3A = arith.addi %mul3A_0, %arg1 : i32
    %broadcast_in_dim3A = arith.constant 0.000000e+00 : f32
    %broadcast_in_dim3A_1 = vector.broadcast %broadcast_in_dim3A : f32 to vector<16xf32>
    %scan3A = arith.constant 0 : i32
    %scan3A_2 = arith.constant 0 : i32
    %scan3A_3 = arith.constant 128 : i32
    %scan3A_4 = arith.addi %scan3A_2, %scan3A_3 : i32
    %scan3A_5 = arith.constant 1 : i32
    scf.for %scan3A_52 = %scan3A_2 to %scan3A_4 step %scan3A_5  : i32 {
      %swap3A = arith.index_cast %scan3A_52 : i32 to index
      %swap3A_53 = arith.constant 0 : index
      %swap3A_54 = tpu.vector_load %arg15[%swap3A, %swap3A_53] {strides = array<i32>} : memref<128x128xf32, #tpu.memory_space<vmem>>, vector<16xf32>,
      tpu.vector_store %arg15[%swap3A, %swap3A_53], %broadcast_in_dim3A_1 {strides = array<i32>} : memref<128x128xf32, #tpu.memory_space<vmem>>, vector<16xf32>,
      %swap3A_55 = arith.index_cast %scan3A_52 : i32 to index
      %swap3A_56 = arith.constant 16 : index
      %swap3A_57 = tpu.vector_load %arg15[%swap3A_55, %swap3A_56] {strides = array<i32>} : memref<128x128xf32, #tpu.memory_space<vmem>>, vector<16xf32>,
      tpu.vector_store %arg15[%swap3A_55, %swap3A_56], %broadcast_in_dim3A_1 {strides = array<i32>} : memref<128x128xf32, #tpu.memory_space<vmem>>, vector<16xf32>,
      %swap3A_58 = arith.index_cast %scan3A_52 : i32 to index
      %swap3A_59 = arith.constant 32 : index
      %swap3A_60 = tpu.vector_load %arg15[%swap3A_58, %swap3A_59] {strides = array<i32>} : memref<128x128xf32, #tpu.memory_space<vmem>>, vector<16xf32>,
      tpu.vector_store %arg15[%swap3A_58, %swap3A_59], %broadcast_in_dim3A_1 {strides = array<i32>} : memref<128x128xf32, #tpu.memory_space<vmem>>, vector<16xf32>,
      %swap3A_61 = arith.index_cast %scan3A_52 : i32 to index
      %swap3A_62 = arith.constant 48 : index
      %swap3A_63 = tpu.vector_load %arg15[%swap3A_61, %swap3A_62] {strides = array<i32>} : memref<128x128xf32, #tpu.memory_space<vmem>>, vector<16xf32>,
      tpu.vector_store %arg15[%swap3A_61, %swap3A_62], %broadcast_in_dim3A_1 {strides = array<i32>} : memref<128x128xf32, #tpu.memory_space<vmem>>, vector<16xf32>,
      %swap3A_64 = arith.index_cast %scan3A_52 : i32 to index
      %swap3A_65 = arith.constant 64 : index
      %swap3A_66 = tpu.vector_load %arg15[%swap3A_64, %swap3A_65] {strides = array<i32>} : memref<128x128xf32, #tpu.memory_space<vmem>>, vector<16xf32>,
      tpu.vector_store %arg15[%swap3A_64, %swap3A_65], %broadcast_in_dim3A_1 {strides = array<i32>} : memref<128x128xf32, #tpu.memory_space<vmem>>, vector<16xf32>,
      %swap3A_67 = arith.index_cast %scan3A_52 : i32 to index
      %swap3A_68 = arith.constant 80 : index
      %swap3A_69 = tpu.vector_load %arg15[%swap3A_67, %swap3A_68] {strides = array<i32>} : memref<128x128xf32, #tpu.memory_space<vmem>>, vector<16xf32>,
      tpu.vector_store %arg15[%swap3A_67, %swap3A_68], %broadcast_in_dim3A_1 {strides = array<i32>} : memref<128x128xf32, #tpu.memory_space<vmem>>, vector<16xf32>,
      %swap3A_70 = arith.index_cast %scan3A_52 : i32 to index
      %swap3A_71 = arith.constant 96 : index
      %swap3A_72 = tpu.vector_load %arg15[%swap3A_70, %swap3A_71] {strides = array<i32>} : memref<128x128xf32, #tpu.memory_space<vmem>>, vector<16xf32>,
      tpu.vector_store %arg15[%swap3A_70, %swap3A_71], %broadcast_in_dim3A_1 {strides = array<i32>} : memref<128x128xf32, #tpu.memory_space<vmem>>, vector<16xf32>,
      %swap3A_73 = arith.index_cast %scan3A_52 : i32 to index
      %swap3A_74 = arith.constant 112 : index
      %swap3A_75 = tpu.vector_load %arg15[%swap3A_73, %swap3A_74] {strides = array<i32>} : memref<128x128xf32, #tpu.memory_space<vmem>>, vector<16xf32>,
      tpu.vector_store %arg15[%swap3A_73, %swap3A_74], %broadcast_in_dim3A_1 {strides = array<i32>} : memref<128x128xf32, #tpu.memory_space<vmem>>, vector<16xf32>,
    }
    %scan3A_6 = arith.constant 128 : i32
    %scan3A_7 = arith.constant 0 : i32
    %scan3A_8 = arith.constant 0 : i32
    %scan3A_9 = arith.constant 40 : i32
    %scan3A_10 = arith.addi %scan3A_8, %scan3A_9 : i32
    %scan3A_11 = arith.constant 1 : i32
    scf.for %scan3A_52 = %scan3A_8 to %scan3A_10 step %scan3A_11  : i32 {
      %mul3A_53 = arith.constant 16 : i32
      %mul3A_54 = arith.muli %scan3A_52, %mul3A_53 : i32
      %swap3A = arith.index_cast %mul3A_54 : i32 to index
      %swap3A_55 = tpu.vector_load %arg16[%swap3A] {strides = array<i32>} : memref<640xf32, #tpu.memory_space<vmem>>, vector<16xf32>,
      tpu.vector_store %arg16[%swap3A], %broadcast_in_dim3A_1 {strides = array<i32>} : memref<640xf32, #tpu.memory_space<vmem>>, vector<16xf32>,
    }
    %scan3A_12 = arith.constant 40 : i32
    %mul3A_13 = arith.constant 640 : i32
    %mul3A_14 = arith.muli %arg1, %mul3A_13 : i32
    %add3A_15 = arith.constant 0 : i32
    %add3A_16 = arith.addi %mul3A_14, %add3A_15 : i32
    "tpu.region"() ({
      %run_scoped3A = tpu.sem_alloc : memref<!tpu.dma_semaphore, #tpu.memory_space<semaphore_mem>>
      %dma_start3A_52 = arith.constant 0 : i32
      %dma_start3A_53 = tpu.memref_slice %arg19[%add3A_16, %dma_start3A_52] : memref<10240x128xf32, #tpu.memory_space<vmem_shared>> -> memref<128x128xf32, #tpu.memory_space<vmem_shared>>
      %dma_start3A_54 = arith.constant 0 : i32
      %dma_start3A_55 = tpu.memref_slice %arg19[%add3A_16, %dma_start3A_54] : memref<10240x128xf32, #tpu.memory_space<vmem_shared>> -> memref<128x128xf32, #tpu.memory_space<vmem_shared>>
      tpu.enqueue_dma source(%arg15 : memref<128x128xf32, #tpu.memory_space<vmem>>) target(%dma_start3A_55 : memref<128x128xf32, #tpu.memory_space<vmem_shared>>) target_semaphore(%run_scoped3A : memref<!tpu.dma_semaphore, #tpu.memory_space<semaphore_mem>>)
      %dma_wait3A_56 = arith.constant 0 : i32
      %dma_wait3A_57 = tpu.memref_slice %arg19[%add3A_16, %dma_wait3A_56] : memref<10240x128xf32, #tpu.memory_space<vmem_shared>> -> memref<128x128xf32, #tpu.memory_space<vmem_shared>>
      %dma_wait3A_58 = arith.constant 0 : i32
      %dma_wait3A_59 = tpu.memref_slice %arg19[%add3A_16, %dma_wait3A_58] : memref<10240x128xf32, #tpu.memory_space<vmem_shared>> -> memref<128x128xf32, #tpu.memory_space<vmem_shared>>
      tpu.wait_dma2 semaphore(%run_scoped3A : memref<!tpu.dma_semaphore, #tpu.memory_space<semaphore_mem>>) src(%arg15 : memref<128x128xf32, #tpu.memory_space<vmem>>) dst(%dma_wait3A_59 : memref<128x128xf32, #tpu.memory_space<vmem_shared>>)
      tpu.yield
    }) : () -> ()
    %add3A_17 = arith.constant 128 : i32
    %add3A_18 = arith.addi %mul3A_14, %add3A_17 : i32
    "tpu.region"() ({
      %run_scoped3A = tpu.sem_alloc : memref<!tpu.dma_semaphore, #tpu.memory_space<semaphore_mem>>
      %dma_start3A_52 = arith.constant 0 : i32
      %dma_start3A_53 = tpu.memref_slice %arg19[%add3A_18, %dma_start3A_52] : memref<10240x128xf32, #tpu.memory_space<vmem_shared>> -> memref<128x128xf32, #tpu.memory_space<vmem_shared>>
      %dma_start3A_54 = arith.constant 0 : i32
      %dma_start3A_55 = tpu.memref_slice %arg19[%add3A_18, %dma_start3A_54] : memref<10240x128xf32, #tpu.memory_space<vmem_shared>> -> memref<128x128xf32, #tpu.memory_space<vmem_shared>>
      tpu.enqueue_dma source(%arg15 : memref<128x128xf32, #tpu.memory_space<vmem>>) target(%dma_start3A_55 : memref<128x128xf32, #tpu.memory_space<vmem_shared>>) target_semaphore(%run_scoped3A : memref<!tpu.dma_semaphore, #tpu.memory_space<semaphore_mem>>)
      %dma_wait3A_56 = arith.constant 0 : i32
      %dma_wait3A_57 = tpu.memref_slice %arg19[%add3A_18, %dma_wait3A_56] : memref<10240x128xf32, #tpu.memory_space<vmem_shared>> -> memref<128x128xf32, #tpu.memory_space<vmem_shared>>
      %dma_wait3A_58 = arith.constant 0 : i32
      %dma_wait3A_59 = tpu.memref_slice %arg19[%add3A_18, %dma_wait3A_58] : memref<10240x128xf32, #tpu.memory_space<vmem_shared>> -> memref<128x128xf32, #tpu.memory_space<vmem_shared>>
      tpu.wait_dma2 semaphore(%run_scoped3A : memref<!tpu.dma_semaphore, #tpu.memory_space<semaphore_mem>>) src(%arg15 : memref<128x128xf32, #tpu.memory_space<vmem>>) dst(%dma_wait3A_59 : memref<128x128xf32, #tpu.memory_space<vmem_shared>>)
      tpu.yield
    }) : () -> ()
    %add3A_19 = arith.constant 256 : i32
    %add3A_20 = arith.addi %mul3A_14, %add3A_19 : i32
    "tpu.region"() ({
      %run_scoped3A = tpu.sem_alloc : memref<!tpu.dma_semaphore, #tpu.memory_space<semaphore_mem>>
      %dma_start3A_52 = arith.constant 0 : i32
      %dma_start3A_53 = tpu.memref_slice %arg19[%add3A_20, %dma_start3A_52] : memref<10240x128xf32, #tpu.memory_space<vmem_shared>> -> memref<128x128xf32, #tpu.memory_space<vmem_shared>>
      %dma_start3A_54 = arith.constant 0 : i32
      %dma_start3A_55 = tpu.memref_slice %arg19[%add3A_20, %dma_start3A_54] : memref<10240x128xf32, #tpu.memory_space<vmem_shared>> -> memref<128x128xf32, #tpu.memory_space<vmem_shared>>
      tpu.enqueue_dma source(%arg15 : memref<128x128xf32, #tpu.memory_space<vmem>>) target(%dma_start3A_55 : memref<128x128xf32, #tpu.memory_space<vmem_shared>>) target_semaphore(%run_scoped3A : memref<!tpu.dma_semaphore, #tpu.memory_space<semaphore_mem>>)
      %dma_wait3A_56 = arith.constant 0 : i32
      %dma_wait3A_57 = tpu.memref_slice %arg19[%add3A_20, %dma_wait3A_56] : memref<10240x128xf32, #tpu.memory_space<vmem_shared>> -> memref<128x128xf32, #tpu.memory_space<vmem_shared>>
      %dma_wait3A_58 = arith.constant 0 : i32
      %dma_wait3A_59 = tpu.memref_slice %arg19[%add3A_20, %dma_wait3A_58] : memref<10240x128xf32, #tpu.memory_space<vmem_shared>> -> memref<128x128xf32, #tpu.memory_space<vmem_shared>>
      tpu.wait_dma2 semaphore(%run_scoped3A : memref<!tpu.dma_semaphore, #tpu.memory_space<semaphore_mem>>) src(%arg15 : memref<128x128xf32, #tpu.memory_space<vmem>>) dst(%dma_wait3A_59 : memref<128x128xf32, #tpu.memory_space<vmem_shared>>)
      tpu.yield
    }) : () -> ()
    %add3A_21 = arith.constant 384 : i32
    %add3A_22 = arith.addi %mul3A_14, %add3A_21 : i32
    "tpu.region"() ({
      %run_scoped3A = tpu.sem_alloc : memref<!tpu.dma_semaphore, #tpu.memory_space<semaphore_mem>>
      %dma_start3A_52 = arith.constant 0 : i32
      %dma_start3A_53 = tpu.memref_slice %arg19[%add3A_22, %dma_start3A_52] : memref<10240x128xf32, #tpu.memory_space<vmem_shared>> -> memref<128x128xf32, #tpu.memory_space<vmem_shared>>
      %dma_start3A_54 = arith.constant 0 : i32
      %dma_start3A_55 = tpu.memref_slice %arg19[%add3A_22, %dma_start3A_54] : memref<10240x128xf32, #tpu.memory_space<vmem_shared>> -> memref<128x128xf32, #tpu.memory_space<vmem_shared>>
      tpu.enqueue_dma source(%arg15 : memref<128x128xf32, #tpu.memory_space<vmem>>) target(%dma_start3A_55 : memref<128x128xf32, #tpu.memory_space<vmem_shared>>) target_semaphore(%run_scoped3A : memref<!tpu.dma_semaphore, #tpu.memory_space<semaphore_mem>>)
      %dma_wait3A_56 = arith.constant 0 : i32
      %dma_wait3A_57 = tpu.memref_slice %arg19[%add3A_22, %dma_wait3A_56] : memref<10240x128xf32, #tpu.memory_space<vmem_shared>> -> memref<128x128xf32, #tpu.memory_space<vmem_shared>>
      %dma_wait3A_58 = arith.constant 0 : i32
      %dma_wait3A_59 = tpu.memref_slice %arg19[%add3A_22, %dma_wait3A_58] : memref<10240x128xf32, #tpu.memory_space<vmem_shared>> -> memref<128x128xf32, #tpu.memory_space<vmem_shared>>
      tpu.wait_dma2 semaphore(%run_scoped3A : memref<!tpu.dma_semaphore, #tpu.memory_space<semaphore_mem>>) src(%arg15 : memref<128x128xf32, #tpu.memory_space<vmem>>) dst(%dma_wait3A_59 : memref<128x128xf32, #tpu.memory_space<vmem_shared>>)
      tpu.yield
    }) : () -> ()
    %add3A_23 = arith.constant 512 : i32
    %add3A_24 = arith.addi %mul3A_14, %add3A_23 : i32
    "tpu.region"() ({
      %run_scoped3A = tpu.sem_alloc : memref<!tpu.dma_semaphore, #tpu.memory_space<semaphore_mem>>
      %dma_start3A_52 = arith.constant 0 : i32
      %dma_start3A_53 = tpu.memref_slice %arg19[%add3A_24, %dma_start3A_52] : memref<10240x128xf32, #tpu.memory_space<vmem_shared>> -> memref<128x128xf32, #tpu.memory_space<vmem_shared>>
      %dma_start3A_54 = arith.constant 0 : i32
      %dma_start3A_55 = tpu.memref_slice %arg19[%add3A_24, %dma_start3A_54] : memref<10240x128xf32, #tpu.memory_space<vmem_shared>> -> memref<128x128xf32, #tpu.memory_space<vmem_shared>>
      tpu.enqueue_dma source(%arg15 : memref<128x128xf32, #tpu.memory_space<vmem>>) target(%dma_start3A_55 : memref<128x128xf32, #tpu.memory_space<vmem_shared>>) target_semaphore(%run_scoped3A : memref<!tpu.dma_semaphore, #tpu.memory_space<semaphore_mem>>)
      %dma_wait3A_56 = arith.constant 0 : i32
      %dma_wait3A_57 = tpu.memref_slice %arg19[%add3A_24, %dma_wait3A_56] : memref<10240x128xf32, #tpu.memory_space<vmem_shared>> -> memref<128x128xf32, #tpu.memory_space<vmem_shared>>
      %dma_wait3A_58 = arith.constant 0 : i32
      %dma_wait3A_59 = tpu.memref_slice %arg19[%add3A_24, %dma_wait3A_58] : memref<10240x128xf32, #tpu.memory_space<vmem_shared>> -> memref<128x128xf32, #tpu.memory_space<vmem_shared>>
      tpu.wait_dma2 semaphore(%run_scoped3A : memref<!tpu.dma_semaphore, #tpu.memory_space<semaphore_mem>>) src(%arg15 : memref<128x128xf32, #tpu.memory_space<vmem>>) dst(%dma_wait3A_59 : memref<128x128xf32, #tpu.memory_space<vmem_shared>>)
      tpu.yield
    }) : () -> ()
    %mul3A_25 = arith.constant 640 : i32
    %mul3A_26 = arith.muli %arg1, %mul3A_25 : i32
    "tpu.region"() ({
      %run_scoped3A = tpu.sem_alloc : memref<!tpu.dma_semaphore, #tpu.memory_space<semaphore_mem>>
      %dma_start3A_52 = tpu.memref_slice %arg20[%mul3A_26] : memref<10240xf32, #tpu.memory_space<vmem_shared>> -> memref<640xf32, #tpu.memory_space<vmem_shared>>
      %dma_start3A_53 = tpu.memref_slice %arg20[%mul3A_26] : memref<10240xf32, #tpu.memory_space<vmem_shared>> -> memref<640xf32, #tpu.memory_space<vmem_shared>>
      tpu.enqueue_dma source(%arg16 : memref<640xf32, #tpu.memory_space<vmem>>) target(%dma_start3A_53 : memref<640xf32, #tpu.memory_space<vmem_shared>>) target_semaphore(%run_scoped3A : memref<!tpu.dma_semaphore, #tpu.memory_space<semaphore_mem>>)
      %dma_wait3A_54 = tpu.memref_slice %arg20[%mul3A_26] : memref<10240xf32, #tpu.memory_space<vmem_shared>> -> memref<640xf32, #tpu.memory_space<vmem_shared>>
      %dma_wait3A_55 = tpu.memref_slice %arg20[%mul3A_26] : memref<10240xf32, #tpu.memory_space<vmem_shared>> -> memref<640xf32, #tpu.memory_space<vmem_shared>>
      tpu.wait_dma2 semaphore(%run_scoped3A : memref<!tpu.dma_semaphore, #tpu.memory_space<semaphore_mem>>) src(%arg16 : memref<640xf32, #tpu.memory_space<vmem>>) dst(%dma_wait3A_55 : memref<640xf32, #tpu.memory_space<vmem_shared>>)
      tpu.yield
    }) : () -> ()
    "tpu.region"() ({
      %run_scoped3A = tpu.sem_alloc : memref<!tpu.dma_semaphore, #tpu.memory_space<semaphore_mem>>
      tpu.enqueue_dma source(%arg4 : memref<10000xf32, #tpu.memory_space<hbm>>) target(%arg11 : memref<10000xf32, #tpu.memory_space<vmem>>) target_semaphore(%run_scoped3A : memref<!tpu.dma_semaphore, #tpu.memory_space<semaphore_mem>>)
      tpu.wait_dma2 semaphore(%run_scoped3A : memref<!tpu.dma_semaphore, #tpu.memory_space<semaphore_mem>>) src(%arg4 : memref<10000xf32, #tpu.memory_space<hbm>>) dst(%arg11 : memref<10000xf32, #tpu.memory_space<vmem>>)
      tpu.yield
    }) : () -> ()
    "tpu.region"() ({
      %run_scoped3A = tpu.sem_alloc : memref<!tpu.dma_semaphore, #tpu.memory_space<semaphore_mem>>
      tpu.enqueue_dma source(%arg5 : memref<10000xf32, #tpu.memory_space<hbm>>) target(%arg12 : memref<10000xf32, #tpu.memory_space<vmem>>) target_semaphore(%run_scoped3A : memref<!tpu.dma_semaphore, #tpu.memory_space<semaphore_mem>>)
      tpu.wait_dma2 semaphore(%run_scoped3A : memref<!tpu.dma_semaphore, #tpu.memory_space<semaphore_mem>>) src(%arg5 : memref<10000xf32, #tpu.memory_space<hbm>>) dst(%arg12 : memref<10000xf32, #tpu.memory_space<vmem>>)
      tpu.yield
    }) : () -> ()
    "tpu.region"() ({
      %run_scoped3A = tpu.sem_alloc : memref<!tpu.dma_semaphore, #tpu.memory_space<semaphore_mem>>
      tpu.enqueue_dma source(%arg7 : memref<64xi32, #tpu.memory_space<hbm>>) target(%arg17 : memref<64xi32, #tpu.memory_space<vmem>>) target_semaphore(%run_scoped3A : memref<!tpu.dma_semaphore, #tpu.memory_space<semaphore_mem>>)
      tpu.wait_dma2 semaphore(%run_scoped3A : memref<!tpu.dma_semaphore, #tpu.memory_space<semaphore_mem>>) src(%arg7 : memref<64xi32, #tpu.memory_space<hbm>>) dst(%arg17 : memref<64xi32, #tpu.memory_space<vmem>>)
      tpu.yield
    }) : () -> ()
    %mul3A_27 = arith.constant 16 : i32
    %mul3A_28 = arith.muli %add3A, %mul3A_27 : i32
    %iota3A = tpu.iota {dimensions = array<i32: 0>} : vector<16xi32>
    %add3A_29 = vector.broadcast %mul3A_28 : i32 to vector<16xi32>
    %add3A_30 = arith.addi %add3A_29, %iota3A : vector<16xi32>
    %shift_right_logical3A = arith.constant 3 : i32
    %shift_right_logical3A_31 = vector.broadcast %shift_right_logical3A : i32 to vector<16xi32>
    %shift_right_logical3A_32 = arith.shrui %add3A_30, %shift_right_logical3A_31 : vector<16xi32>
    %and3A = arith.constant 7 : i32
    %and3A_33 = vector.broadcast %and3A : i32 to vector<16xi32>
    %and3A_34 = arith.andi %add3A_30, %and3A_33 : vector<16xi32>
    %gather3A = tpu.vector_load_idx %arg17[%shift_right_logical3A_32] : memref<64xi32, #tpu.memory_space<vmem>>[vector<16xi32>], vector<16xi32>,
    %mul3A_35 = arith.constant 8 : i32
    %mul3A_36 = vector.broadcast %mul3A_35 : i32 to vector<16xi32>
    %mul3A_37 = arith.muli %gather3A, %mul3A_36 : vector<16xi32>
    %add3A_38 = arith.addi %mul3A_37, %and3A_34 : vector<16xi32>
    %dma_start3A = arith.constant 0 : i32
    %dma_start3A_39 = arith.constant 0 : i32
    %dma_start3A_40 = tpu.memref_slice %arg6[%dma_start3A, %dma_start3A_39] : memref<16000x128xf32, #tpu.memory_space<hbm>> -> memref<16000x128xf32, #tpu.memory_space<hbm>>
    tpu.enqueue_indirect_dma source(%dma_start3A_40 : memref<16000x128xf32, #tpu.memory_space<hbm>>) target(%arg18 : memref<16x128xf32, #tpu.memory_space<vmem>>) offsets(%add3A_38 : vector<16xi32>) semaphore(%arg21 : memref<!tpu.dma_semaphore, #tpu.memory_space<semaphore_mem>>)
    %dma_wait3A = arith.constant 0 : i32
    %dma_wait3A_41 = arith.constant 0 : i32
    %dma_wait3A_42 = tpu.memref_slice %arg6[%dma_wait3A, %dma_wait3A_41] : memref<16000x128xf32, #tpu.memory_space<hbm>> -> memref<16000x128xf32, #tpu.memory_space<hbm>>
    tpu.wait_indirect_dma semaphore(%arg21 : memref<!tpu.dma_semaphore, #tpu.memory_space<semaphore_mem>>) src(%dma_wait3A_42 : memref<16000x128xf32, #tpu.memory_space<hbm>>) dst(%arg18 : memref<16x128xf32, #tpu.memory_space<vmem>>)
    "tpu.region"() ({
      %run_scoped3A = tpu.sem_alloc : memref<!tpu.dma_semaphore, #tpu.memory_space<semaphore_mem>>
      %dma_start3A_52 = arith.constant 0 : i32
      %dma_start3A_53 = tpu.memref_slice %arg10[%mul3A_28, %dma_start3A_52] : memref<512x128xf32, #tpu.memory_space<hbm>> -> memref<16x128xf32, #tpu.memory_space<hbm>>
      %dma_start3A_54 = arith.constant 0 : i32
      %dma_start3A_55 = tpu.memref_slice %arg10[%mul3A_28, %dma_start3A_54] : memref<512x128xf32, #tpu.memory_space<hbm>> -> memref<16x128xf32, #tpu.memory_space<hbm>>
      tpu.enqueue_dma source(%arg18 : memref<16x128xf32, #tpu.memory_space<vmem>>) target(%dma_start3A_55 : memref<16x128xf32, #tpu.memory_space<hbm>>) target_semaphore(%run_scoped3A : memref<!tpu.dma_semaphore, #tpu.memory_space<semaphore_mem>>)
      %dma_wait3A_56 = arith.constant 0 : i32
      %dma_wait3A_57 = tpu.memref_slice %arg10[%mul3A_28, %dma_wait3A_56] : memref<512x128xf32, #tpu.memory_space<hbm>> -> memref<16x128xf32, #tpu.memory_space<hbm>>
      %dma_wait3A_58 = arith.constant 0 : i32
      %dma_wait3A_59 = tpu.memref_slice %arg10[%mul3A_28, %dma_wait3A_58] : memref<512x128xf32, #tpu.memory_space<hbm>> -> memref<16x128xf32, #tpu.memory_space<hbm>>
      tpu.wait_dma2 semaphore(%run_scoped3A : memref<!tpu.dma_semaphore, #tpu.memory_space<semaphore_mem>>) src(%arg18 : memref<16x128xf32, #tpu.memory_space<vmem>>) dst(%dma_wait3A_59 : memref<16x128xf32, #tpu.memory_space<hbm>>)
      tpu.yield
    }) : () -> ()
    %barrier3A = arith.constant 0 : index
    tpu.barrier barrier_id(%barrier3A)
    %scan3A_43 = arith.constant 0 : i32
    %scan3A_44 = arith.constant 0 : i32
    %scan3A_45 = arith.constant 80 : i32
    %scan3A_46 = arith.addi %scan3A_44, %scan3A_45 : i32
    %scan3A_47 = arith.constant 1 : i32
    scf.for %scan3A_52 = %scan3A_44 to %scan3A_46 step %scan3A_47  : i32 {
      %mul3A_53 = arith.constant 80 : i32
      %mul3A_54 = arith.muli %add3A, %mul3A_53 : i32
      %add3A_55 = arith.addi %mul3A_54, %scan3A_52 : i32
      "tpu.region"() ({
        %run_scoped3A_287 = tpu.sem_alloc : memref<!tpu.dma_semaphore, #tpu.memory_space<semaphore_mem>>
        %dma_start3A_288 = arith.constant 0 : i32
        %dma_start3A_289 = arith.constant 0 : i32
        %dma_start3A_290 = tpu.memref_slice %arg3[%add3A_55, %dma_start3A_288, %dma_start3A_289] : memref<2560x3x128xi32, #tpu.memory_space<hbm>> -> memref<1x3x128xi32, #tpu.memory_space<hbm>>
        %dma_start3A_291 = tpu.memref_squeeze %dma_start3A_290 : memref<1x3x128xi32, #tpu.memory_space<hbm>> -> memref<3x128xi32, #tpu.memory_space<hbm>>
        %dma_start3A_292 = arith.constant 0 : i32
        %dma_start3A_293 = arith.constant 0 : i32
        %dma_start3A_294 = tpu.memref_slice %arg3[%add3A_55, %dma_start3A_292, %dma_start3A_293] : memref<2560x3x128xi32, #tpu.memory_space<hbm>> -> memref<1x3x128xi32, #tpu.memory_space<hbm>>
        %dma_start3A_295 = tpu.memref_squeeze %dma_start3A_294 : memref<1x3x128xi32, #tpu.memory_space<hbm>> -> memref<3x128xi32, #tpu.memory_space<hbm>>
        tpu.enqueue_dma source(%dma_start3A_295 : memref<3x128xi32, #tpu.memory_space<hbm>>) target(%arg13 : memref<3x128xi32, #tpu.memory_space<vmem>>) target_semaphore(%run_scoped3A_287 : memref<!tpu.dma_semaphore, #tpu.memory_space<semaphore_mem>>)
        %dma_wait3A_296 = arith.constant 0 : i32
        %dma_wait3A_297 = arith.constant 0 : i32
        %dma_wait3A_298 = tpu.memref_slice %arg3[%add3A_55, %dma_wait3A_296, %dma_wait3A_297] : memref<2560x3x128xi32, #tpu.memory_space<hbm>> -> memref<1x3x128xi32, #tpu.memory_space<hbm>>
        %dma_wait3A_299 = tpu.memref_squeeze %dma_wait3A_298 : memref<1x3x128xi32, #tpu.memory_space<hbm>> -> memref<3x128xi32, #tpu.memory_space<hbm>>
        %dma_wait3A_300 = arith.constant 0 : i32
        %dma_wait3A_301 = arith.constant 0 : i32
        %dma_wait3A_302 = tpu.memref_slice %arg3[%add3A_55, %dma_wait3A_300, %dma_wait3A_301] : memref<2560x3x128xi32, #tpu.memory_space<hbm>> -> memref<1x3x128xi32, #tpu.memory_space<hbm>>
        %dma_wait3A_303 = tpu.memref_squeeze %dma_wait3A_302 : memref<1x3x128xi32, #tpu.memory_space<hbm>> -> memref<3x128xi32, #tpu.memory_space<hbm>>
        tpu.wait_dma2 semaphore(%run_scoped3A_287 : memref<!tpu.dma_semaphore, #tpu.memory_space<semaphore_mem>>) src(%dma_wait3A_303 : memref<3x128xi32, #tpu.memory_space<hbm>>) dst(%arg13 : memref<3x128xi32, #tpu.memory_space<vmem>>)
        tpu.yield
      }) : () -> ()
      %dma_start3A_56 = arith.constant 0 : i32
      %dma_start3A_57 = arith.constant 0 : i32
      %dma_start3A_58 = tpu.memref_slice %arg13[%dma_start3A_56, %dma_start3A_57] : memref<3x128xi32, #tpu.memory_space<vmem>> -> memref<1x128xi32, #tpu.memory_space<vmem>>
      %dma_start3A_59 = tpu.memref_squeeze %dma_start3A_58 : memref<1x128xi32, #tpu.memory_space<vmem>> -> memref<128xi32, #tpu.memory_space<vmem>>
      %dma_start3A_60 = arith.constant 0 : i32
      %dma_start3A_61 = arith.constant 0 : i32
      %dma_start3A_62 = tpu.memref_slice %arg2[%dma_start3A_60, %dma_start3A_61] : memref<10000x128xf32, #tpu.memory_space<hbm>> -> memref<10000x128xf32, #tpu.memory_space<hbm>>
      tpu.enqueue_indirect_dma source(%dma_start3A_62 : memref<10000x128xf32, #tpu.memory_space<hbm>>) target(%arg15 : memref<128x128xf32, #tpu.memory_space<vmem>>) offsets(%dma_start3A_59 : memref<128xi32, #tpu.memory_space<vmem>>) semaphore(%arg21 : memref<!tpu.dma_semaphore, #tpu.memory_space<semaphore_mem>>)
      %dma_wait3A_63 = arith.constant 0 : i32
      %dma_wait3A_64 = arith.constant 0 : i32
      %dma_wait3A_65 = tpu.memref_slice %arg13[%dma_wait3A_63, %dma_wait3A_64] : memref<3x128xi32, #tpu.memory_space<vmem>> -> memref<1x128xi32, #tpu.memory_space<vmem>>
      %dma_wait3A_66 = tpu.memref_squeeze %dma_wait3A_65 : memref<1x128xi32, #tpu.memory_space<vmem>> -> memref<128xi32, #tpu.memory_space<vmem>>
      %dma_wait3A_67 = arith.constant 0 : i32
      %dma_wait3A_68 = arith.constant 0 : i32
      %dma_wait3A_69 = tpu.memref_slice %arg2[%dma_wait3A_67, %dma_wait3A_68] : memref<10000x128xf32, #tpu.memory_space<hbm>> -> memref<10000x128xf32, #tpu.memory_space<hbm>>
      tpu.wait_indirect_dma semaphore(%arg21 : memref<!tpu.dma_semaphore, #tpu.memory_space<semaphore_mem>>) src(%dma_wait3A_69 : memref<10000x128xf32, #tpu.memory_space<hbm>>) dst(%arg15 : memref<128x128xf32, #tpu.memory_space<vmem>>)
      %get3A = arith.constant 0 : i32
      %get3A_70 = arith.index_cast %get3A : i32 to index
      %get3A_71 = arith.constant 0 : index
      %get3A_72 = tpu.vector_load %arg13[%get3A_70, %get3A_71] {strides = array<i32>} : memref<3x128xi32, #tpu.memory_space<vmem>>, vector<16xi32>,
      %get3A_73 = arith.constant 1 : i32
      %get3A_74 = arith.index_cast %get3A_73 : i32 to index
      %get3A_75 = arith.constant 0 : index
      %get3A_76 = tpu.vector_load %arg13[%get3A_74, %get3A_75] {strides = array<i32>} : memref<3x128xi32, #tpu.memory_space<vmem>>, vector<16xi32>,
      %get3A_77 = arith.constant 2 : i32
      %get3A_78 = arith.index_cast %get3A_77 : i32 to index
      %get3A_79 = arith.constant 0 : index
      %get3A_80 = tpu.vector_load %arg13[%get3A_78, %get3A_79] {strides = array<i32>} : memref<3x128xi32, #tpu.memory_space<vmem>>, vector<16xi32>,
      %bitcast3A = vector.bitcast %get3A_80 : vector<16xi32> to vector<16xf32>
      %gather3A_81 = tpu.vector_load_idx %arg11[%get3A_72] : memref<10000xf32, #tpu.memory_space<vmem>>[vector<16xi32>], vector<16xf32>,
      %gather3A_82 = tpu.vector_load_idx %arg12[%get3A_76] : memref<10000xf32, #tpu.memory_space<vmem>>[vector<16xi32>], vector<16xf32>,
      %add3A_83 = arith.addf %gather3A_81, %gather3A_82 : vector<16xf32>
      %ge3A = arith.constant 0.000000e+00 : f32
      %ge3A_84 = vector.broadcast %ge3A : f32 to vector<16xf32>
      %ge3A_85 = arith.cmpf oge, %add3A_83, %ge3A_84 : vector<16xf32>
      %mul3A_86 = arith.constant 2.000000e-01 : f32
      %mul3A_87 = vector.broadcast %mul3A_86 : f32 to vector<16xf32>
      %mul3A_88 = arith.mulf %add3A_83, %mul3A_87 : vector<16xf32>
      %select_n3A = arith.select %ge3A_85, %add3A_83, %mul3A_88 : vector<16xi1>, vector<16xf32>
      %exp3A = math.exp %select_n3A : vector<16xf32>
      %mul3A_89 = arith.mulf %exp3A, %bitcast3A : vector<16xf32>
      %swap3A = arith.constant 0 : index
      %swap3A_90 = tpu.vector_load %arg14[%swap3A] {strides = array<i32>} : memref<128xf32, #tpu.memory_space<vmem>>, vector<16xf32>,
      tpu.vector_store %arg14[%swap3A], %mul3A_89 {strides = array<i32>} : memref<128xf32, #tpu.memory_space<vmem>>, vector<16xf32>,
      %get3A_91 = arith.constant 0 : i32
      %get3A_92 = arith.index_cast %get3A_91 : i32 to index
      %get3A_93 = arith.constant 16 : index
      %get3A_94 = tpu.vector_load %arg13[%get3A_92, %get3A_93] {strides = array<i32>} : memref<3x128xi32, #tpu.memory_space<vmem>>, vector<16xi32>,
      %get3A_95 = arith.constant 1 : i32
      %get3A_96 = arith.index_cast %get3A_95 : i32 to index
      %get3A_97 = arith.constant 16 : index
      %get3A_98 = tpu.vector_load %arg13[%get3A_96, %get3A_97] {strides = array<i32>} : memref<3x128xi32, #tpu.memory_space<vmem>>, vector<16xi32>,
      %get3A_99 = arith.constant 2 : i32
      %get3A_100 = arith.index_cast %get3A_99 : i32 to index
      %get3A_101 = arith.constant 16 : index
      %get3A_102 = tpu.vector_load %arg13[%get3A_100, %get3A_101] {strides = array<i32>} : memref<3x128xi32, #tpu.memory_space<vmem>>, vector<16xi32>,
      %bitcast3A_103 = vector.bitcast %get3A_102 : vector<16xi32> to vector<16xf32>
      %gather3A_104 = tpu.vector_load_idx %arg11[%get3A_94] : memref<10000xf32, #tpu.memory_space<vmem>>[vector<16xi32>], vector<16xf32>,
      %gather3A_105 = tpu.vector_load_idx %arg12[%get3A_98] : memref<10000xf32, #tpu.memory_space<vmem>>[vector<16xi32>], vector<16xf32>,
      %add3A_106 = arith.addf %gather3A_104, %gather3A_105 : vector<16xf32>
      %ge3A_107 = arith.constant 0.000000e+00 : f32
      %ge3A_108 = vector.broadcast %ge3A_107 : f32 to vector<16xf32>
      %ge3A_109 = arith.cmpf oge, %add3A_106, %ge3A_108 : vector<16xf32>
      %mul3A_110 = arith.constant 2.000000e-01 : f32
      %mul3A_111 = vector.broadcast %mul3A_110 : f32 to vector<16xf32>
      %mul3A_112 = arith.mulf %add3A_106, %mul3A_111 : vector<16xf32>
      %select_n3A_113 = arith.select %ge3A_109, %add3A_106, %mul3A_112 : vector<16xi1>, vector<16xf32>
      %exp3A_114 = math.exp %select_n3A_113 : vector<16xf32>
      %mul3A_115 = arith.mulf %exp3A_114, %bitcast3A_103 : vector<16xf32>
      %swap3A_116 = arith.constant 16 : index
      %swap3A_117 = tpu.vector_load %arg14[%swap3A_116] {strides = array<i32>} : memref<128xf32, #tpu.memory_space<vmem>>, vector<16xf32>,
      tpu.vector_store %arg14[%swap3A_116], %mul3A_115 {strides = array<i32>} : memref<128xf32, #tpu.memory_space<vmem>>, vector<16xf32>,
      %get3A_118 = arith.constant 0 : i32
      %get3A_119 = arith.index_cast %get3A_118 : i32 to index
      %get3A_120 = arith.constant 32 : index
      %get3A_121 = tpu.vector_load %arg13[%get3A_119, %get3A_120] {strides = array<i32>} : memref<3x128xi32, #tpu.memory_space<vmem>>, vector<16xi32>,
      %get3A_122 = arith.constant 1 : i32
      %get3A_123 = arith.index_cast %get3A_122 : i32 to index
      %get3A_124 = arith.constant 32 : index
      %get3A_125 = tpu.vector_load %arg13[%get3A_123, %get3A_124] {strides = array<i32>} : memref<3x128xi32, #tpu.memory_space<vmem>>, vector<16xi32>,
      %get3A_126 = arith.constant 2 : i32
      %get3A_127 = arith.index_cast %get3A_126 : i32 to index
      %get3A_128 = arith.constant 32 : index
      %get3A_129 = tpu.vector_load %arg13[%get3A_127, %get3A_128] {strides = array<i32>} : memref<3x128xi32, #tpu.memory_space<vmem>>, vector<16xi32>,
      %bitcast3A_130 = vector.bitcast %get3A_129 : vector<16xi32> to vector<16xf32>
      %gather3A_131 = tpu.vector_load_idx %arg11[%get3A_121] : memref<10000xf32, #tpu.memory_space<vmem>>[vector<16xi32>], vector<16xf32>,
      %gather3A_132 = tpu.vector_load_idx %arg12[%get3A_125] : memref<10000xf32, #tpu.memory_space<vmem>>[vector<16xi32>], vector<16xf32>,
      %add3A_133 = arith.addf %gather3A_131, %gather3A_132 : vector<16xf32>
      %ge3A_134 = arith.constant 0.000000e+00 : f32
      %ge3A_135 = vector.broadcast %ge3A_134 : f32 to vector<16xf32>
      %ge3A_136 = arith.cmpf oge, %add3A_133, %ge3A_135 : vector<16xf32>
      %mul3A_137 = arith.constant 2.000000e-01 : f32
      %mul3A_138 = vector.broadcast %mul3A_137 : f32 to vector<16xf32>
      %mul3A_139 = arith.mulf %add3A_133, %mul3A_138 : vector<16xf32>
      %select_n3A_140 = arith.select %ge3A_136, %add3A_133, %mul3A_139 : vector<16xi1>, vector<16xf32>
      %exp3A_141 = math.exp %select_n3A_140 : vector<16xf32>
      %mul3A_142 = arith.mulf %exp3A_141, %bitcast3A_130 : vector<16xf32>
      %swap3A_143 = arith.constant 32 : index
      %swap3A_144 = tpu.vector_load %arg14[%swap3A_143] {strides = array<i32>} : memref<128xf32, #tpu.memory_space<vmem>>, vector<16xf32>,
      tpu.vector_store %arg14[%swap3A_143], %mul3A_142 {strides = array<i32>} : memref<128xf32, #tpu.memory_space<vmem>>, vector<16xf32>,
      %get3A_145 = arith.constant 0 : i32
      %get3A_146 = arith.index_cast %get3A_145 : i32 to index
      %get3A_147 = arith.constant 48 : index
      %get3A_148 = tpu.vector_load %arg13[%get3A_146, %get3A_147] {strides = array<i32>} : memref<3x128xi32, #tpu.memory_space<vmem>>, vector<16xi32>,
      %get3A_149 = arith.constant 1 : i32
      %get3A_150 = arith.index_cast %get3A_149 : i32 to index
      %get3A_151 = arith.constant 48 : index
      %get3A_152 = tpu.vector_load %arg13[%get3A_150, %get3A_151] {strides = array<i32>} : memref<3x128xi32, #tpu.memory_space<vmem>>, vector<16xi32>,
      %get3A_153 = arith.constant 2 : i32
      %get3A_154 = arith.index_cast %get3A_153 : i32 to index
      %get3A_155 = arith.constant 48 : index
      %get3A_156 = tpu.vector_load %arg13[%get3A_154, %get3A_155] {strides = array<i32>} : memref<3x128xi32, #tpu.memory_space<vmem>>, vector<16xi32>,
      %bitcast3A_157 = vector.bitcast %get3A_156 : vector<16xi32> to vector<16xf32>
      %gather3A_158 = tpu.vector_load_idx %arg11[%get3A_148] : memref<10000xf32, #tpu.memory_space<vmem>>[vector<16xi32>], vector<16xf32>,
      %gather3A_159 = tpu.vector_load_idx %arg12[%get3A_152] : memref<10000xf32, #tpu.memory_space<vmem>>[vector<16xi32>], vector<16xf32>,
      %add3A_160 = arith.addf %gather3A_158, %gather3A_159 : vector<16xf32>
      %ge3A_161 = arith.constant 0.000000e+00 : f32
      %ge3A_162 = vector.broadcast %ge3A_161 : f32 to vector<16xf32>
      %ge3A_163 = arith.cmpf oge, %add3A_160, %ge3A_162 : vector<16xf32>
      %mul3A_164 = arith.constant 2.000000e-01 : f32
      %mul3A_165 = vector.broadcast %mul3A_164 : f32 to vector<16xf32>
      %mul3A_166 = arith.mulf %add3A_160, %mul3A_165 : vector<16xf32>
      %select_n3A_167 = arith.select %ge3A_163, %add3A_160, %mul3A_166 : vector<16xi1>, vector<16xf32>
      %exp3A_168 = math.exp %select_n3A_167 : vector<16xf32>
      %mul3A_169 = arith.mulf %exp3A_168, %bitcast3A_157 : vector<16xf32>
      %swap3A_170 = arith.constant 48 : index
      %swap3A_171 = tpu.vector_load %arg14[%swap3A_170] {strides = array<i32>} : memref<128xf32, #tpu.memory_space<vmem>>, vector<16xf32>,
      tpu.vector_store %arg14[%swap3A_170], %mul3A_169 {strides = array<i32>} : memref<128xf32, #tpu.memory_space<vmem>>, vector<16xf32>,
      %get3A_172 = arith.constant 0 : i32
      %get3A_173 = arith.index_cast %get3A_172 : i32 to index
      %get3A_174 = arith.constant 64 : index
      %get3A_175 = tpu.vector_load %arg13[%get3A_173, %get3A_174] {strides = array<i32>} : memref<3x128xi32, #tpu.memory_space<vmem>>, vector<16xi32>,
      %get3A_176 = arith.constant 1 : i32
      %get3A_177 = arith.index_cast %get3A_176 : i32 to index
      %get3A_178 = arith.constant 64 : index
      %get3A_179 = tpu.vector_load %arg13[%get3A_177, %get3A_178] {strides = array<i32>} : memref<3x128xi32, #tpu.memory_space<vmem>>, vector<16xi32>,
      %get3A_180 = arith.constant 2 : i32
      %get3A_181 = arith.index_cast %get3A_180 : i32 to index
      %get3A_182 = arith.constant 64 : index
      %get3A_183 = tpu.vector_load %arg13[%get3A_181, %get3A_182] {strides = array<i32>} : memref<3x128xi32, #tpu.memory_space<vmem>>, vector<16xi32>,
      %bitcast3A_184 = vector.bitcast %get3A_183 : vector<16xi32> to vector<16xf32>
      %gather3A_185 = tpu.vector_load_idx %arg11[%get3A_175] : memref<10000xf32, #tpu.memory_space<vmem>>[vector<16xi32>], vector<16xf32>,
      %gather3A_186 = tpu.vector_load_idx %arg12[%get3A_179] : memref<10000xf32, #tpu.memory_space<vmem>>[vector<16xi32>], vector<16xf32>,
      %add3A_187 = arith.addf %gather3A_185, %gather3A_186 : vector<16xf32>
      %ge3A_188 = arith.constant 0.000000e+00 : f32
      %ge3A_189 = vector.broadcast %ge3A_188 : f32 to vector<16xf32>
      %ge3A_190 = arith.cmpf oge, %add3A_187, %ge3A_189 : vector<16xf32>
      %mul3A_191 = arith.constant 2.000000e-01 : f32
      %mul3A_192 = vector.broadcast %mul3A_191 : f32 to vector<16xf32>
      %mul3A_193 = arith.mulf %add3A_187, %mul3A_192 : vector<16xf32>
      %select_n3A_194 = arith.select %ge3A_190, %add3A_187, %mul3A_193 : vector<16xi1>, vector<16xf32>
      %exp3A_195 = math.exp %select_n3A_194 : vector<16xf32>
      %mul3A_196 = arith.mulf %exp3A_195, %bitcast3A_184 : vector<16xf32>
      %swap3A_197 = arith.constant 64 : index
      %swap3A_198 = tpu.vector_load %arg14[%swap3A_197] {strides = array<i32>} : memref<128xf32, #tpu.memory_space<vmem>>, vector<16xf32>,
      tpu.vector_store %arg14[%swap3A_197], %mul3A_196 {strides = array<i32>} : memref<128xf32, #tpu.memory_space<vmem>>, vector<16xf32>,
      %get3A_199 = arith.constant 0 : i32
      %get3A_200 = arith.index_cast %get3A_199 : i32 to index
      %get3A_201 = arith.constant 80 : index
      %get3A_202 = tpu.vector_load %arg13[%get3A_200, %get3A_201] {strides = array<i32>} : memref<3x128xi32, #tpu.memory_space<vmem>>, vector<16xi32>,
      %get3A_203 = arith.constant 1 : i32
      %get3A_204 = arith.index_cast %get3A_203 : i32 to index
      %get3A_205 = arith.constant 80 : index
      %get3A_206 = tpu.vector_load %arg13[%get3A_204, %get3A_205] {strides = array<i32>} : memref<3x128xi32, #tpu.memory_space<vmem>>, vector<16xi32>,
      %get3A_207 = arith.constant 2 : i32
      %get3A_208 = arith.index_cast %get3A_207 : i32 to index
      %get3A_209 = arith.constant 80 : index
      %get3A_210 = tpu.vector_load %arg13[%get3A_208, %get3A_209] {strides = array<i32>} : memref<3x128xi32, #tpu.memory_space<vmem>>, vector<16xi32>,
      %bitcast3A_211 = vector.bitcast %get3A_210 : vector<16xi32> to vector<16xf32>
      %gather3A_212 = tpu.vector_load_idx %arg11[%get3A_202] : memref<10000xf32, #tpu.memory_space<vmem>>[vector<16xi32>], vector<16xf32>,
      %gather3A_213 = tpu.vector_load_idx %arg12[%get3A_206] : memref<10000xf32, #tpu.memory_space<vmem>>[vector<16xi32>], vector<16xf32>,
      %add3A_214 = arith.addf %gather3A_212, %gather3A_213 : vector<16xf32>
      %ge3A_215 = arith.constant 0.000000e+00 : f32
      %ge3A_216 = vector.broadcast %ge3A_215 : f32 to vector<16xf32>
      %ge3A_217 = arith.cmpf oge, %add3A_214, %ge3A_216 : vector<16xf32>
      %mul3A_218 = arith.constant 2.000000e-01 : f32
      %mul3A_219 = vector.broadcast %mul3A_218 : f32 to vector<16xf32>
      %mul3A_220 = arith.mulf %add3A_214, %mul3A_219 : vector<16xf32>
      %select_n3A_221 = arith.select %ge3A_217, %add3A_214, %mul3A_220 : vector<16xi1>, vector<16xf32>
      %exp3A_222 = math.exp %select_n3A_221 : vector<16xf32>
      %mul3A_223 = arith.mulf %exp3A_222, %bitcast3A_211 : vector<16xf32>
      %swap3A_224 = arith.constant 80 : index
      %swap3A_225 = tpu.vector_load %arg14[%swap3A_224] {strides = array<i32>} : memref<128xf32, #tpu.memory_space<vmem>>, vector<16xf32>,
      tpu.vector_store %arg14[%swap3A_224], %mul3A_223 {strides = array<i32>} : memref<128xf32, #tpu.memory_space<vmem>>, vector<16xf32>,
      %get3A_226 = arith.constant 0 : i32
      %get3A_227 = arith.index_cast %get3A_226 : i32 to index
      %get3A_228 = arith.constant 96 : index
      %get3A_229 = tpu.vector_load %arg13[%get3A_227, %get3A_228] {strides = array<i32>} : memref<3x128xi32, #tpu.memory_space<vmem>>, vector<16xi32>,
      %get3A_230 = arith.constant 1 : i32
      %get3A_231 = arith.index_cast %get3A_230 : i32 to index
      %get3A_232 = arith.constant 96 : index
      %get3A_233 = tpu.vector_load %arg13[%get3A_231, %get3A_232] {strides = array<i32>} : memref<3x128xi32, #tpu.memory_space<vmem>>, vector<16xi32>,
      %get3A_234 = arith.constant 2 : i32
      %get3A_235 = arith.index_cast %get3A_234 : i32 to index
      %get3A_236 = arith.constant 96 : index
      %get3A_237 = tpu.vector_load %arg13[%get3A_235, %get3A_236] {strides = array<i32>} : memref<3x128xi32, #tpu.memory_space<vmem>>, vector<16xi32>,
      %bitcast3A_238 = vector.bitcast %get3A_237 : vector<16xi32> to vector<16xf32>
      %gather3A_239 = tpu.vector_load_idx %arg11[%get3A_229] : memref<10000xf32, #tpu.memory_space<vmem>>[vector<16xi32>], vector<16xf32>,
      %gather3A_240 = tpu.vector_load_idx %arg12[%get3A_233] : memref<10000xf32, #tpu.memory_space<vmem>>[vector<16xi32>], vector<16xf32>,
      %add3A_241 = arith.addf %gather3A_239, %gather3A_240 : vector<16xf32>
      %ge3A_242 = arith.constant 0.000000e+00 : f32
      %ge3A_243 = vector.broadcast %ge3A_242 : f32 to vector<16xf32>
      %ge3A_244 = arith.cmpf oge, %add3A_241, %ge3A_243 : vector<16xf32>
      %mul3A_245 = arith.constant 2.000000e-01 : f32
      %mul3A_246 = vector.broadcast %mul3A_245 : f32 to vector<16xf32>
      %mul3A_247 = arith.mulf %add3A_241, %mul3A_246 : vector<16xf32>
      %select_n3A_248 = arith.select %ge3A_244, %add3A_241, %mul3A_247 : vector<16xi1>, vector<16xf32>
      %exp3A_249 = math.exp %select_n3A_248 : vector<16xf32>
      %mul3A_250 = arith.mulf %exp3A_249, %bitcast3A_238 : vector<16xf32>
      %swap3A_251 = arith.constant 96 : index
      %swap3A_252 = tpu.vector_load %arg14[%swap3A_251] {strides = array<i32>} : memref<128xf32, #tpu.memory_space<vmem>>, vector<16xf32>,
      tpu.vector_store %arg14[%swap3A_251], %mul3A_250 {strides = array<i32>} : memref<128xf32, #tpu.memory_space<vmem>>, vector<16xf32>,
      %get3A_253 = arith.constant 0 : i32
      %get3A_254 = arith.index_cast %get3A_253 : i32 to index
      %get3A_255 = arith.constant 112 : index
      %get3A_256 = tpu.vector_load %arg13[%get3A_254, %get3A_255] {strides = array<i32>} : memref<3x128xi32, #tpu.memory_space<vmem>>, vector<16xi32>,
      %get3A_257 = arith.constant 1 : i32
      %get3A_258 = arith.index_cast %get3A_257 : i32 to index
      %get3A_259 = arith.constant 112 : index
      %get3A_260 = tpu.vector_load %arg13[%get3A_258, %get3A_259] {strides = array<i32>} : memref<3x128xi32, #tpu.memory_space<vmem>>, vector<16xi32>,
      %get3A_261 = arith.constant 2 : i32
      %get3A_262 = arith.index_cast %get3A_261 : i32 to index
      %get3A_263 = arith.constant 112 : index
      %get3A_264 = tpu.vector_load %arg13[%get3A_262, %get3A_263] {strides = array<i32>} : memref<3x128xi32, #tpu.memory_space<vmem>>, vector<16xi32>,
      %bitcast3A_265 = vector.bitcast %get3A_264 : vector<16xi32> to vector<16xf32>
      %gather3A_266 = tpu.vector_load_idx %arg11[%get3A_256] : memref<10000xf32, #tpu.memory_space<vmem>>[vector<16xi32>], vector<16xf32>,
      %gather3A_267 = tpu.vector_load_idx %arg12[%get3A_260] : memref<10000xf32, #tpu.memory_space<vmem>>[vector<16xi32>], vector<16xf32>,
      %add3A_268 = arith.addf %gather3A_266, %gather3A_267 : vector<16xf32>
      %ge3A_269 = arith.constant 0.000000e+00 : f32
      %ge3A_270 = vector.broadcast %ge3A_269 : f32 to vector<16xf32>
      %ge3A_271 = arith.cmpf oge, %add3A_268, %ge3A_270 : vector<16xf32>
      %mul3A_272 = arith.constant 2.000000e-01 : f32
      %mul3A_273 = vector.broadcast %mul3A_272 : f32 to vector<16xf32>
      %mul3A_274 = arith.mulf %add3A_268, %mul3A_273 : vector<16xf32>
      %select_n3A_275 = arith.select %ge3A_271, %add3A_268, %mul3A_274 : vector<16xi1>, vector<16xf32>
      %exp3A_276 = math.exp %select_n3A_275 : vector<16xf32>
      %mul3A_277 = arith.mulf %exp3A_276, %bitcast3A_265 : vector<16xf32>
      %swap3A_278 = arith.constant 112 : index
      %swap3A_279 = tpu.vector_load %arg14[%swap3A_278] {strides = array<i32>} : memref<128xf32, #tpu.memory_space<vmem>>, vector<16xf32>,
      tpu.vector_store %arg14[%swap3A_278], %mul3A_277 {strides = array<i32>} : memref<128xf32, #tpu.memory_space<vmem>>, vector<16xf32>,
      %scan3A_280 = arith.constant 0 : i32
      %scan3A_281 = arith.constant 0 : i32
      %scan3A_282 = arith.constant 8 : i32
      %scan3A_283 = arith.addi %scan3A_281, %scan3A_282 : i32
      %scan3A_284 = arith.constant 1 : i32
      scf.for %scan3A_287 = %scan3A_281 to %scan3A_283 step %scan3A_284  : i32 {
        %mul3A_288 = arith.constant 16 : i32
        %mul3A_289 = arith.muli %scan3A_287, %mul3A_288 : i32
        %add3A_290 = arith.constant 0 : i32
        %add3A_291 = arith.addi %mul3A_289, %add3A_290 : i32
        %broadcast_in_dim3A_292 = vector.broadcast %add3A_291 : i32 to vector<16xi32>
        %gather3A_293 = tpu.vector_load_idx %arg14[%broadcast_in_dim3A_292] : memref<128xf32, #tpu.memory_space<vmem>>[vector<16xi32>], vector<16xf32>,
        %get3A_294 = arith.index_cast %add3A_291 : i32 to index
        %get3A_295 = arith.constant 0 : index
        %get3A_296 = tpu.vector_load %arg15[%get3A_294, %get3A_295] {strides = array<i32>} : memref<128x128xf32, #tpu.memory_space<vmem>>, vector<16xf32>,
        %mul3A_297 = arith.mulf %get3A_296, %gather3A_293 : vector<16xf32>
        %swap3A_298 = arith.index_cast %add3A_291 : i32 to index
        %swap3A_299 = arith.constant 0 : index
        %swap3A_300 = tpu.vector_load %arg15[%swap3A_298, %swap3A_299] {strides = array<i32>} : memref<128x128xf32, #tpu.memory_space<vmem>>, vector<16xf32>,
        tpu.vector_store %arg15[%swap3A_298, %swap3A_299], %mul3A_297 {strides = array<i32>} : memref<128x128xf32, #tpu.memory_space<vmem>>, vector<16xf32>,
        %get3A_301 = arith.index_cast %add3A_291 : i32 to index
        %get3A_302 = arith.constant 16 : index
        %get3A_303 = tpu.vector_load %arg15[%get3A_301, %get3A_302] {strides = array<i32>} : memref<128x128xf32, #tpu.memory_space<vmem>>, vector<16xf32>,
        %mul3A_304 = arith.mulf %get3A_303, %gather3A_293 : vector<16xf32>
        %swap3A_305 = arith.index_cast %add3A_291 : i32 to index
        %swap3A_306 = arith.constant 16 : index
        %swap3A_307 = tpu.vector_load %arg15[%swap3A_305, %swap3A_306] {strides = array<i32>} : memref<128x128xf32, #tpu.memory_space<vmem>>, vector<16xf32>,
        tpu.vector_store %arg15[%swap3A_305, %swap3A_306], %mul3A_304 {strides = array<i32>} : memref<128x128xf32, #tpu.memory_space<vmem>>, vector<16xf32>,
        %get3A_308 = arith.index_cast %add3A_291 : i32 to index
        %get3A_309 = arith.constant 32 : index
        %get3A_310 = tpu.vector_load %arg15[%get3A_308, %get3A_309] {strides = array<i32>} : memref<128x128xf32, #tpu.memory_space<vmem>>, vector<16xf32>,
        %mul3A_311 = arith.mulf %get3A_310, %gather3A_293 : vector<16xf32>
        %swap3A_312 = arith.index_cast %add3A_291 : i32 to index
        %swap3A_313 = arith.constant 32 : index
        %swap3A_314 = tpu.vector_load %arg15[%swap3A_312, %swap3A_313] {strides = array<i32>} : memref<128x128xf32, #tpu.memory_space<vmem>>, vector<16xf32>,
        tpu.vector_store %arg15[%swap3A_312, %swap3A_313], %mul3A_311 {strides = array<i32>} : memref<128x128xf32, #tpu.memory_space<vmem>>, vector<16xf32>,
        %get3A_315 = arith.index_cast %add3A_291 : i32 to index
        %get3A_316 = arith.constant 48 : index
        %get3A_317 = tpu.vector_load %arg15[%get3A_315, %get3A_316] {strides = array<i32>} : memref<128x128xf32, #tpu.memory_space<vmem>>, vector<16xf32>,
        %mul3A_318 = arith.mulf %get3A_317, %gather3A_293 : vector<16xf32>
        %swap3A_319 = arith.index_cast %add3A_291 : i32 to index
        %swap3A_320 = arith.constant 48 : index
        %swap3A_321 = tpu.vector_load %arg15[%swap3A_319, %swap3A_320] {strides = array<i32>} : memref<128x128xf32, #tpu.memory_space<vmem>>, vector<16xf32>,
        tpu.vector_store %arg15[%swap3A_319, %swap3A_320], %mul3A_318 {strides = array<i32>} : memref<128x128xf32, #tpu.memory_space<vmem>>, vector<16xf32>,
        %get3A_322 = arith.index_cast %add3A_291 : i32 to index
        %get3A_323 = arith.constant 64 : index
        %get3A_324 = tpu.vector_load %arg15[%get3A_322, %get3A_323] {strides = array<i32>} : memref<128x128xf32, #tpu.memory_space<vmem>>, vector<16xf32>,
        %mul3A_325 = arith.mulf %get3A_324, %gather3A_293 : vector<16xf32>
        %swap3A_326 = arith.index_cast %add3A_291 : i32 to index
        %swap3A_327 = arith.constant 64 : index
        %swap3A_328 = tpu.vector_load %arg15[%swap3A_326, %swap3A_327] {strides = array<i32>} : memref<128x128xf32, #tpu.memory_space<vmem>>, vector<16xf32>,
        tpu.vector_store %arg15[%swap3A_326, %swap3A_327], %mul3A_325 {strides = array<i32>} : memref<128x128xf32, #tpu.memory_space<vmem>>, vector<16xf32>,
        %get3A_329 = arith.index_cast %add3A_291 : i32 to index
        %get3A_330 = arith.constant 80 : index
        %get3A_331 = tpu.vector_load %arg15[%get3A_329, %get3A_330] {strides = array<i32>} : memref<128x128xf32, #tpu.memory_space<vmem>>, vector<16xf32>,
        %mul3A_332 = arith.mulf %get3A_331, %gather3A_293 : vector<16xf32>
        %swap3A_333 = arith.index_cast %add3A_291 : i32 to index
        %swap3A_334 = arith.constant 80 : index
        %swap3A_335 = tpu.vector_load %arg15[%swap3A_333, %swap3A_334] {strides = array<i32>} : memref<128x128xf32, #tpu.memory_space<vmem>>, vector<16xf32>,
        tpu.vector_store %arg15[%swap3A_333, %swap3A_334], %mul3A_332 {strides = array<i32>} : memref<128x128xf32, #tpu.memory_space<vmem>>, vector<16xf32>,
        %get3A_336 = arith.index_cast %add3A_291 : i32 to index
        %get3A_337 = arith.constant 96 : index
        %get3A_338 = tpu.vector_load %arg15[%get3A_336, %get3A_337] {strides = array<i32>} : memref<128x128xf32, #tpu.memory_space<vmem>>, vector<16xf32>,
        %mul3A_339 = arith.mulf %get3A_338, %gather3A_293 : vector<16xf32>
        %swap3A_340 = arith.index_cast %add3A_291 : i32 to index
        %swap3A_341 = arith.constant 96 : index
        %swap3A_342 = tpu.vector_load %arg15[%swap3A_340, %swap3A_341] {strides = array<i32>} : memref<128x128xf32, #tpu.memory_space<vmem>>, vector<16xf32>,
        tpu.vector_store %arg15[%swap3A_340, %swap3A_341], %mul3A_339 {strides = array<i32>} : memref<128x128xf32, #tpu.memory_space<vmem>>, vector<16xf32>,
        %get3A_343 = arith.index_cast %add3A_291 : i32 to index
        %get3A_344 = arith.constant 112 : index
        %get3A_345 = tpu.vector_load %arg15[%get3A_343, %get3A_344] {strides = array<i32>} : memref<128x128xf32, #tpu.memory_space<vmem>>, vector<16xf32>,
        %mul3A_346 = arith.mulf %get3A_345, %gather3A_293 : vector<16xf32>
        %swap3A_347 = arith.index_cast %add3A_291 : i32 to index
        %swap3A_348 = arith.constant 112 : index
        %swap3A_349 = tpu.vector_load %arg15[%swap3A_347, %swap3A_348] {strides = array<i32>} : memref<128x128xf32, #tpu.memory_space<vmem>>, vector<16xf32>,
        tpu.vector_store %arg15[%swap3A_347, %swap3A_348], %mul3A_346 {strides = array<i32>} : memref<128x128xf32, #tpu.memory_space<vmem>>, vector<16xf32>,
        %mul3A_350 = arith.constant 16 : i32
        %mul3A_351 = arith.muli %scan3A_287, %mul3A_350 : i32
        %add3A_352 = arith.constant 1 : i32
        %add3A_353 = arith.addi %mul3A_351, %add3A_352 : i32
        %broadcast_in_dim3A_354 = vector.broadcast %add3A_353 : i32 to vector<16xi32>
        %gather3A_355 = tpu.vector_load_idx %arg14[%broadcast_in_dim3A_354] : memref<128xf32, #tpu.memory_space<vmem>>[vector<16xi32>], vector<16xf32>,
        %get3A_356 = arith.index_cast %add3A_353 : i32 to index
        %get3A_357 = arith.constant 0 : index
        %get3A_358 = tpu.vector_load %arg15[%get3A_356, %get3A_357] {strides = array<i32>} : memref<128x128xf32, #tpu.memory_space<vmem>>, vector<16xf32>,
        %mul3A_359 = arith.mulf %get3A_358, %gather3A_355 : vector<16xf32>
        %swap3A_360 = arith.index_cast %add3A_353 : i32 to index
        %swap3A_361 = arith.constant 0 : index
        %swap3A_362 = tpu.vector_load %arg15[%swap3A_360, %swap3A_361] {strides = array<i32>} : memref<128x128xf32, #tpu.memory_space<vmem>>, vector<16xf32>,
        tpu.vector_store %arg15[%swap3A_360, %swap3A_361], %mul3A_359 {strides = array<i32>} : memref<128x128xf32, #tpu.memory_space<vmem>>, vector<16xf32>,
        %get3A_363 = arith.index_cast %add3A_353 : i32 to index
        %get3A_364 = arith.constant 16 : index
        %get3A_365 = tpu.vector_load %arg15[%get3A_363, %get3A_364] {strides = array<i32>} : memref<128x128xf32, #tpu.memory_space<vmem>>, vector<16xf32>,
        %mul3A_366 = arith.mulf %get3A_365, %gather3A_355 : vector<16xf32>
        %swap3A_367 = arith.index_cast %add3A_353 : i32 to index
        %swap3A_368 = arith.constant 16 : index
        %swap3A_369 = tpu.vector_load %arg15[%swap3A_367, %swap3A_368] {strides = array<i32>} : memref<128x128xf32, #tpu.memory_space<vmem>>, vector<16xf32>,
        tpu.vector_store %arg15[%swap3A_367, %swap3A_368], %mul3A_366 {strides = array<i32>} : memref<128x128xf32, #tpu.memory_space<vmem>>, vector<16xf32>,
        %get3A_370 = arith.index_cast %add3A_353 : i32 to index
        %get3A_371 = arith.constant 32 : index
        %get3A_372 = tpu.vector_load %arg15[%get3A_370, %get3A_371] {strides = array<i32>} : memref<128x128xf32, #tpu.memory_space<vmem>>, vector<16xf32>,
        %mul3A_373 = arith.mulf %get3A_372, %gather3A_355 : vector<16xf32>
        %swap3A_374 = arith.index_cast %add3A_353 : i32 to index
        %swap3A_375 = arith.constant 32 : index
        %swap3A_376 = tpu.vector_load %arg15[%swap3A_374, %swap3A_375] {strides = array<i32>} : memref<128x128xf32, #tpu.memory_space<vmem>>, vector<16xf32>,
        tpu.vector_store %arg15[%swap3A_374, %swap3A_375], %mul3A_373 {strides = array<i32>} : memref<128x128xf32, #tpu.memory_space<vmem>>, vector<16xf32>,
        %get3A_377 = arith.index_cast %add3A_353 : i32 to index
        %get3A_378 = arith.constant 48 : index
        %get3A_379 = tpu.vector_load %arg15[%get3A_377, %get3A_378] {strides = array<i32>} : memref<128x128xf32, #tpu.memory_space<vmem>>, vector<16xf32>,
        %mul3A_380 = arith.mulf %get3A_379, %gather3A_355 : vector<16xf32>
        %swap3A_381 = arith.index_cast %add3A_353 : i32 to index
        %swap3A_382 = arith.constant 48 : index
        %swap3A_383 = tpu.vector_load %arg15[%swap3A_381, %swap3A_382] {strides = array<i32>} : memref<128x128xf32, #tpu.memory_space<vmem>>, vector<16xf32>,
        tpu.vector_store %arg15[%swap3A_381, %swap3A_382], %mul3A_380 {strides = array<i32>} : memref<128x128xf32, #tpu.memory_space<vmem>>, vector<16xf32>,
        %get3A_384 = arith.index_cast %add3A_353 : i32 to index
        %get3A_385 = arith.constant 64 : index
        %get3A_386 = tpu.vector_load %arg15[%get3A_384, %get3A_385] {strides = array<i32>} : memref<128x128xf32, #tpu.memory_space<vmem>>, vector<16xf32>,
        %mul3A_387 = arith.mulf %get3A_386, %gather3A_355 : vector<16xf32>
        %swap3A_388 = arith.index_cast %add3A_353 : i32 to index
        %swap3A_389 = arith.constant 64 : index
        %swap3A_390 = tpu.vector_load %arg15[%swap3A_388, %swap3A_389] {strides = array<i32>} : memref<128x128xf32, #tpu.memory_space<vmem>>, vector<16xf32>,
        tpu.vector_store %arg15[%swap3A_388, %swap3A_389], %mul3A_387 {strides = array<i32>} : memref<128x128xf32, #tpu.memory_space<vmem>>, vector<16xf32>,
        %get3A_391 = arith.index_cast %add3A_353 : i32 to index
        %get3A_392 = arith.constant 80 : index
        %get3A_393 = tpu.vector_load %arg15[%get3A_391, %get3A_392] {strides = array<i32>} : memref<128x128xf32, #tpu.memory_space<vmem>>, vector<16xf32>,
        %mul3A_394 = arith.mulf %get3A_393, %gather3A_355 : vector<16xf32>
        %swap3A_395 = arith.index_cast %add3A_353 : i32 to index
        %swap3A_396 = arith.constant 80 : index
        %swap3A_397 = tpu.vector_load %arg15[%swap3A_395, %swap3A_396] {strides = array<i32>} : memref<128x128xf32, #tpu.memory_space<vmem>>, vector<16xf32>,
        tpu.vector_store %arg15[%swap3A_395, %swap3A_396], %mul3A_394 {strides = array<i32>} : memref<128x128xf32, #tpu.memory_space<vmem>>, vector<16xf32>,
        %get3A_398 = arith.index_cast %add3A_353 : i32 to index
        %get3A_399 = arith.constant 96 : index
        %get3A_400 = tpu.vector_load %arg15[%get3A_398, %get3A_399] {strides = array<i32>} : memref<128x128xf32, #tpu.memory_space<vmem>>, vector<16xf32>,
        %mul3A_401 = arith.mulf %get3A_400, %gather3A_355 : vector<16xf32>
        %swap3A_402 = arith.index_cast %add3A_353 : i32 to index
        %swap3A_403 = arith.constant 96 : index
        %swap3A_404 = tpu.vector_load %arg15[%swap3A_402, %swap3A_403] {strides = array<i32>} : memref<128x128xf32, #tpu.memory_space<vmem>>, vector<16xf32>,
        tpu.vector_store %arg15[%swap3A_402, %swap3A_403], %mul3A_401 {strides = array<i32>} : memref<128x128xf32, #tpu.memory_space<vmem>>, vector<16xf32>,
        %get3A_405 = arith.index_cast %add3A_353 : i32 to index
        %get3A_406 = arith.constant 112 : index
        %get3A_407 = tpu.vector_load %arg15[%get3A_405, %get3A_406] {strides = array<i32>} : memref<128x128xf32, #tpu.memory_space<vmem>>, vector<16xf32>,
        %mul3A_408 = arith.mulf %get3A_407, %gather3A_355 : vector<16xf32>
        %swap3A_409 = arith.index_cast %add3A_353 : i32 to index
        %swap3A_410 = arith.constant 112 : index
        %swap3A_411 = tpu.vector_load %arg15[%swap3A_409, %swap3A_410] {strides = array<i32>} : memref<128x128xf32, #tpu.memory_space<vmem>>, vector<16xf32>,
        tpu.vector_store %arg15[%swap3A_409, %swap3A_410], %mul3A_408 {strides = array<i32>} : memref<128x128xf32, #tpu.memory_space<vmem>>, vector<16xf32>,
        %mul3A_412 = arith.constant 16 : i32
        %mul3A_413 = arith.muli %scan3A_287, %mul3A_412 : i32
        %add3A_414 = arith.constant 2 : i32
        %add3A_415 = arith.addi %mul3A_413, %add3A_414 : i32
        %broadcast_in_dim3A_416 = vector.broadcast %add3A_415 : i32 to vector<16xi32>
        %gather3A_417 = tpu.vector_load_idx %arg14[%broadcast_in_dim3A_416] : memref<128xf32, #tpu.memory_space<vmem>>[vector<16xi32>], vector<16xf32>,
        %get3A_418 = arith.index_cast %add3A_415 : i32 to index
        %get3A_419 = arith.constant 0 : index
        %get3A_420 = tpu.vector_load %arg15[%get3A_418, %get3A_419] {strides = array<i32>} : memref<128x128xf32, #tpu.memory_space<vmem>>, vector<16xf32>,
        %mul3A_421 = arith.mulf %get3A_420, %gather3A_417 : vector<16xf32>
        %swap3A_422 = arith.index_cast %add3A_415 : i32 to index
        %swap3A_423 = arith.constant 0 : index
        %swap3A_424 = tpu.vector_load %arg15[%swap3A_422, %swap3A_423] {strides = array<i32>} : memref<128x128xf32, #tpu.memory_space<vmem>>, vector<16xf32>,
        tpu.vector_store %arg15[%swap3A_422, %swap3A_423], %mul3A_421 {strides = array<i32>} : memref<128x128xf32, #tpu.memory_space<vmem>>, vector<16xf32>,
        %get3A_425 = arith.index_cast %add3A_415 : i32 to index
        %get3A_426 = arith.constant 16 : index
        %get3A_427 = tpu.vector_load %arg15[%get3A_425, %get3A_426] {strides = array<i32>} : memref<128x128xf32, #tpu.memory_space<vmem>>, vector<16xf32>,
        %mul3A_428 = arith.mulf %get3A_427, %gather3A_417 : vector<16xf32>
        %swap3A_429 = arith.index_cast %add3A_415 : i32 to index
        %swap3A_430 = arith.constant 16 : index
        %swap3A_431 = tpu.vector_load %arg15[%swap3A_429, %swap3A_430] {strides = array<i32>} : memref<128x128xf32, #tpu.memory_space<vmem>>, vector<16xf32>,
        tpu.vector_store %arg15[%swap3A_429, %swap3A_430], %mul3A_428 {strides = array<i32>} : memref<128x128xf32, #tpu.memory_space<vmem>>, vector<16xf32>,
        %get3A_432 = arith.index_cast %add3A_415 : i32 to index
        %get3A_433 = arith.constant 32 : index
        %get3A_434 = tpu.vector_load %arg15[%get3A_432, %get3A_433] {strides = array<i32>} : memref<128x128xf32, #tpu.memory_space<vmem>>, vector<16xf32>,
        %mul3A_435 = arith.mulf %get3A_434, %gather3A_417 : vector<16xf32>
        %swap3A_436 = arith.index_cast %add3A_415 : i32 to index
        %swap3A_437 = arith.constant 32 : index
        %swap3A_438 = tpu.vector_load %arg15[%swap3A_436, %swap3A_437] {strides = array<i32>} : memref<128x128xf32, #tpu.memory_space<vmem>>, vector<16xf32>,
        tpu.vector_store %arg15[%swap3A_436, %swap3A_437], %mul3A_435 {strides = array<i32>} : memref<128x128xf32, #tpu.memory_space<vmem>>, vector<16xf32>,
        %get3A_439 = arith.index_cast %add3A_415 : i32 to index
        %get3A_440 = arith.constant 48 : index
        %get3A_441 = tpu.vector_load %arg15[%get3A_439, %get3A_440] {strides = array<i32>} : memref<128x128xf32, #tpu.memory_space<vmem>>, vector<16xf32>,
        %mul3A_442 = arith.mulf %get3A_441, %gather3A_417 : vector<16xf32>
        %swap3A_443 = arith.index_cast %add3A_415 : i32 to index
        %swap3A_444 = arith.constant 48 : index
        %swap3A_445 = tpu.vector_load %arg15[%swap3A_443, %swap3A_444] {strides = array<i32>} : memref<128x128xf32, #tpu.memory_space<vmem>>, vector<16xf32>,
        tpu.vector_store %arg15[%swap3A_443, %swap3A_444], %mul3A_442 {strides = array<i32>} : memref<128x128xf32, #tpu.memory_space<vmem>>, vector<16xf32>,
        %get3A_446 = arith.index_cast %add3A_415 : i32 to index
        %get3A_447 = arith.constant 64 : index
        %get3A_448 = tpu.vector_load %arg15[%get3A_446, %get3A_447] {strides = array<i32>} : memref<128x128xf32, #tpu.memory_space<vmem>>, vector<16xf32>,
        %mul3A_449 = arith.mulf %get3A_448, %gather3A_417 : vector<16xf32>
        %swap3A_450 = arith.index_cast %add3A_415 : i32 to index
        %swap3A_451 = arith.constant 64 : index
        %swap3A_452 = tpu.vector_load %arg15[%swap3A_450, %swap3A_451] {strides = array<i32>} : memref<128x128xf32, #tpu.memory_space<vmem>>, vector<16xf32>,
        tpu.vector_store %arg15[%swap3A_450, %swap3A_451], %mul3A_449 {strides = array<i32>} : memref<128x128xf32, #tpu.memory_space<vmem>>, vector<16xf32>,
        %get3A_453 = arith.index_cast %add3A_415 : i32 to index
        %get3A_454 = arith.constant 80 : index
        %get3A_455 = tpu.vector_load %arg15[%get3A_453, %get3A_454] {strides = array<i32>} : memref<128x128xf32, #tpu.memory_space<vmem>>, vector<16xf32>,
        %mul3A_456 = arith.mulf %get3A_455, %gather3A_417 : vector<16xf32>
        %swap3A_457 = arith.index_cast %add3A_415 : i32 to index
        %swap3A_458 = arith.constant 80 : index
        %swap3A_459 = tpu.vector_load %arg15[%swap3A_457, %swap3A_458] {strides = array<i32>} : memref<128x128xf32, #tpu.memory_space<vmem>>, vector<16xf32>,
        tpu.vector_store %arg15[%swap3A_457, %swap3A_458], %mul3A_456 {strides = array<i32>} : memref<128x128xf32, #tpu.memory_space<vmem>>, vector<16xf32>,
        %get3A_460 = arith.index_cast %add3A_415 : i32 to index
        %get3A_461 = arith.constant 96 : index
        %get3A_462 = tpu.vector_load %arg15[%get3A_460, %get3A_461] {strides = array<i32>} : memref<128x128xf32, #tpu.memory_space<vmem>>, vector<16xf32>,
        %mul3A_463 = arith.mulf %get3A_462, %gather3A_417 : vector<16xf32>
        %swap3A_464 = arith.index_cast %add3A_415 : i32 to index
        %swap3A_465 = arith.constant 96 : index
        %swap3A_466 = tpu.vector_load %arg15[%swap3A_464, %swap3A_465] {strides = array<i32>} : memref<128x128xf32, #tpu.memory_space<vmem>>, vector<16xf32>,
        tpu.vector_store %arg15[%swap3A_464, %swap3A_465], %mul3A_463 {strides = array<i32>} : memref<128x128xf32, #tpu.memory_space<vmem>>, vector<16xf32>,
        %get3A_467 = arith.index_cast %add3A_415 : i32 to index
        %get3A_468 = arith.constant 112 : index
        %get3A_469 = tpu.vector_load %arg15[%get3A_467, %get3A_468] {strides = array<i32>} : memref<128x128xf32, #tpu.memory_space<vmem>>, vector<16xf32>,
        %mul3A_470 = arith.mulf %get3A_469, %gather3A_417 : vector<16xf32>
        %swap3A_471 = arith.index_cast %add3A_415 : i32 to index
        %swap3A_472 = arith.constant 112 : index
        %swap3A_473 = tpu.vector_load %arg15[%swap3A_471, %swap3A_472] {strides = array<i32>} : memref<128x128xf32, #tpu.memory_space<vmem>>, vector<16xf32>,
        tpu.vector_store %arg15[%swap3A_471, %swap3A_472], %mul3A_470 {strides = array<i32>} : memref<128x128xf32, #tpu.memory_space<vmem>>, vector<16xf32>,
        %mul3A_474 = arith.constant 16 : i32
        %mul3A_475 = arith.muli %scan3A_287, %mul3A_474 : i32
        %add3A_476 = arith.constant 3 : i32
        %add3A_477 = arith.addi %mul3A_475, %add3A_476 : i32
        %broadcast_in_dim3A_478 = vector.broadcast %add3A_477 : i32 to vector<16xi32>
        %gather3A_479 = tpu.vector_load_idx %arg14[%broadcast_in_dim3A_478] : memref<128xf32, #tpu.memory_space<vmem>>[vector<16xi32>], vector<16xf32>,
        %get3A_480 = arith.index_cast %add3A_477 : i32 to index
        %get3A_481 = arith.constant 0 : index
        %get3A_482 = tpu.vector_load %arg15[%get3A_480, %get3A_481] {strides = array<i32>} : memref<128x128xf32, #tpu.memory_space<vmem>>, vector<16xf32>,
        %mul3A_483 = arith.mulf %get3A_482, %gather3A_479 : vector<16xf32>
        %swap3A_484 = arith.index_cast %add3A_477 : i32 to index
        %swap3A_485 = arith.constant 0 : index
        %swap3A_486 = tpu.vector_load %arg15[%swap3A_484, %swap3A_485] {strides = array<i32>} : memref<128x128xf32, #tpu.memory_space<vmem>>, vector<16xf32>,
        tpu.vector_store %arg15[%swap3A_484, %swap3A_485], %mul3A_483 {strides = array<i32>} : memref<128x128xf32, #tpu.memory_space<vmem>>, vector<16xf32>,
        %get3A_487 = arith.index_cast %add3A_477 : i32 to index
        %get3A_488 = arith.constant 16 : index
        %get3A_489 = tpu.vector_load %arg15[%get3A_487, %get3A_488] {strides = array<i32>} : memref<128x128xf32, #tpu.memory_space<vmem>>, vector<16xf32>,
        %mul3A_490 = arith.mulf %get3A_489, %gather3A_479 : vector<16xf32>
        %swap3A_491 = arith.index_cast %add3A_477 : i32 to index
        %swap3A_492 = arith.constant 16 : index
        %swap3A_493 = tpu.vector_load %arg15[%swap3A_491, %swap3A_492] {strides = array<i32>} : memref<128x128xf32, #tpu.memory_space<vmem>>, vector<16xf32>,
        tpu.vector_store %arg15[%swap3A_491, %swap3A_492], %mul3A_490 {strides = array<i32>} : memref<128x128xf32, #tpu.memory_space<vmem>>, vector<16xf32>,
        %get3A_494 = arith.index_cast %add3A_477 : i32 to index
        %get3A_495 = arith.constant 32 : index
        %get3A_496 = tpu.vector_load %arg15[%get3A_494, %get3A_495] {strides = array<i32>} : memref<128x128xf32, #tpu.memory_space<vmem>>, vector<16xf32>,
        %mul3A_497 = arith.mulf %get3A_496, %gather3A_479 : vector<16xf32>
        %swap3A_498 = arith.index_cast %add3A_477 : i32 to index
        %swap3A_499 = arith.constant 32 : index
        %swap3A_500 = tpu.vector_load %arg15[%swap3A_498, %swap3A_499] {strides = array<i32>} : memref<128x128xf32, #tpu.memory_space<vmem>>, vector<16xf32>,
        tpu.vector_store %arg15[%swap3A_498, %swap3A_499], %mul3A_497 {strides = array<i32>} : memref<128x128xf32, #tpu.memory_space<vmem>>, vector<16xf32>,
        %get3A_501 = arith.index_cast %add3A_477 : i32 to index
        %get3A_502 = arith.constant 48 : index
        %get3A_503 = tpu.vector_load %arg15[%get3A_501, %get3A_502] {strides = array<i32>} : memref<128x128xf32, #tpu.memory_space<vmem>>, vector<16xf32>,
        %mul3A_504 = arith.mulf %get3A_503, %gather3A_479 : vector<16xf32>
        %swap3A_505 = arith.index_cast %add3A_477 : i32 to index
        %swap3A_506 = arith.constant 48 : index
        %swap3A_507 = tpu.vector_load %arg15[%swap3A_505, %swap3A_506] {strides = array<i32>} : memref<128x128xf32, #tpu.memory_space<vmem>>, vector<16xf32>,
        tpu.vector_store %arg15[%swap3A_505, %swap3A_506], %mul3A_504 {strides = array<i32>} : memref<128x128xf32, #tpu.memory_space<vmem>>, vector<16xf32>,
        %get3A_508 = arith.index_cast %add3A_477 : i32 to index
        %get3A_509 = arith.constant 64 : index
        %get3A_510 = tpu.vector_load %arg15[%get3A_508, %get3A_509] {strides = array<i32>} : memref<128x128xf32, #tpu.memory_space<vmem>>, vector<16xf32>,
        %mul3A_511 = arith.mulf %get3A_510, %gather3A_479 : vector<16xf32>
        %swap3A_512 = arith.index_cast %add3A_477 : i32 to index
        %swap3A_513 = arith.constant 64 : index
        %swap3A_514 = tpu.vector_load %arg15[%swap3A_512, %swap3A_513] {strides = array<i32>} : memref<128x128xf32, #tpu.memory_space<vmem>>, vector<16xf32>,
        tpu.vector_store %arg15[%swap3A_512, %swap3A_513], %mul3A_511 {strides = array<i32>} : memref<128x128xf32, #tpu.memory_space<vmem>>, vector<16xf32>,
        %get3A_515 = arith.index_cast %add3A_477 : i32 to index
        %get3A_516 = arith.constant 80 : index
        %get3A_517 = tpu.vector_load %arg15[%get3A_515, %get3A_516] {strides = array<i32>} : memref<128x128xf32, #tpu.memory_space<vmem>>, vector<16xf32>,
        %mul3A_518 = arith.mulf %get3A_517, %gather3A_479 : vector<16xf32>
        %swap3A_519 = arith.index_cast %add3A_477 : i32 to index
        %swap3A_520 = arith.constant 80 : index
        %swap3A_521 = tpu.vector_load %arg15[%swap3A_519, %swap3A_520] {strides = array<i32>} : memref<128x128xf32, #tpu.memory_space<vmem>>, vector<16xf32>,
        tpu.vector_store %arg15[%swap3A_519, %swap3A_520], %mul3A_518 {strides = array<i32>} : memref<128x128xf32, #tpu.memory_space<vmem>>, vector<16xf32>,
        %get3A_522 = arith.index_cast %add3A_477 : i32 to index
        %get3A_523 = arith.constant 96 : index
        %get3A_524 = tpu.vector_load %arg15[%get3A_522, %get3A_523] {strides = array<i32>} : memref<128x128xf32, #tpu.memory_space<vmem>>, vector<16xf32>,
        %mul3A_525 = arith.mulf %get3A_524, %gather3A_479 : vector<16xf32>
        %swap3A_526 = arith.index_cast %add3A_477 : i32 to index
        %swap3A_527 = arith.constant 96 : index
        %swap3A_528 = tpu.vector_load %arg15[%swap3A_526, %swap3A_527] {strides = array<i32>} : memref<128x128xf32, #tpu.memory_space<vmem>>, vector<16xf32>,
        tpu.vector_store %arg15[%swap3A_526, %swap3A_527], %mul3A_525 {strides = array<i32>} : memref<128x128xf32, #tpu.memory_space<vmem>>, vector<16xf32>,
        %get3A_529 = arith.index_cast %add3A_477 : i32 to index
        %get3A_530 = arith.constant 112 : index
        %get3A_531 = tpu.vector_load %arg15[%get3A_529, %get3A_530] {strides = array<i32>} : memref<128x128xf32, #tpu.memory_space<vmem>>, vector<16xf32>,
        %mul3A_532 = arith.mulf %get3A_531, %gather3A_479 : vector<16xf32>
        %swap3A_533 = arith.index_cast %add3A_477 : i32 to index
        %swap3A_534 = arith.constant 112 : index
        %swap3A_535 = tpu.vector_load %arg15[%swap3A_533, %swap3A_534] {strides = array<i32>} : memref<128x128xf32, #tpu.memory_space<vmem>>, vector<16xf32>,
        tpu.vector_store %arg15[%swap3A_533, %swap3A_534], %mul3A_532 {strides = array<i32>} : memref<128x128xf32, #tpu.memory_space<vmem>>, vector<16xf32>,
        %mul3A_536 = arith.constant 16 : i32
        %mul3A_537 = arith.muli %scan3A_287, %mul3A_536 : i32
        %add3A_538 = arith.constant 4 : i32
        %add3A_539 = arith.addi %mul3A_537, %add3A_538 : i32
        %broadcast_in_dim3A_540 = vector.broadcast %add3A_539 : i32 to vector<16xi32>
        %gather3A_541 = tpu.vector_load_idx %arg14[%broadcast_in_dim3A_540] : memref<128xf32, #tpu.memory_space<vmem>>[vector<16xi32>], vector<16xf32>,
        %get3A_542 = arith.index_cast %add3A_539 : i32 to index
        %get3A_543 = arith.constant 0 : index
        %get3A_544 = tpu.vector_load %arg15[%get3A_542, %get3A_543] {strides = array<i32>} : memref<128x128xf32, #tpu.memory_space<vmem>>, vector<16xf32>,
        %mul3A_545 = arith.mulf %get3A_544, %gather3A_541 : vector<16xf32>
        %swap3A_546 = arith.index_cast %add3A_539 : i32 to index
        %swap3A_547 = arith.constant 0 : index
        %swap3A_548 = tpu.vector_load %arg15[%swap3A_546, %swap3A_547] {strides = array<i32>} : memref<128x128xf32, #tpu.memory_space<vmem>>, vector<16xf32>,
        tpu.vector_store %arg15[%swap3A_546, %swap3A_547], %mul3A_545 {strides = array<i32>} : memref<128x128xf32, #tpu.memory_space<vmem>>, vector<16xf32>,
        %get3A_549 = arith.index_cast %add3A_539 : i32 to index
        %get3A_550 = arith.constant 16 : index
        %get3A_551 = tpu.vector_load %arg15[%get3A_549, %get3A_550] {strides = array<i32>} : memref<128x128xf32, #tpu.memory_space<vmem>>, vector<16xf32>,
        %mul3A_552 = arith.mulf %get3A_551, %gather3A_541 : vector<16xf32>
        %swap3A_553 = arith.index_cast %add3A_539 : i32 to index
        %swap3A_554 = arith.constant 16 : index
        %swap3A_555 = tpu.vector_load %arg15[%swap3A_553, %swap3A_554] {strides = array<i32>} : memref<128x128xf32, #tpu.memory_space<vmem>>, vector<16xf32>,
        tpu.vector_store %arg15[%swap3A_553, %swap3A_554], %mul3A_552 {strides = array<i32>} : memref<128x128xf32, #tpu.memory_space<vmem>>, vector<16xf32>,
        %get3A_556 = arith.index_cast %add3A_539 : i32 to index
        %get3A_557 = arith.constant 32 : index
        %get3A_558 = tpu.vector_load %arg15[%get3A_556, %get3A_557] {strides = array<i32>} : memref<128x128xf32, #tpu.memory_space<vmem>>, vector<16xf32>,
        %mul3A_559 = arith.mulf %get3A_558, %gather3A_541 : vector<16xf32>
        %swap3A_560 = arith.index_cast %add3A_539 : i32 to index
        %swap3A_561 = arith.constant 32 : index
        %swap3A_562 = tpu.vector_load %arg15[%swap3A_560, %swap3A_561] {strides = array<i32>} : memref<128x128xf32, #tpu.memory_space<vmem>>, vector<16xf32>,
        tpu.vector_store %arg15[%swap3A_560, %swap3A_561], %mul3A_559 {strides = array<i32>} : memref<128x128xf32, #tpu.memory_space<vmem>>, vector<16xf32>,
        %get3A_563 = arith.index_cast %add3A_539 : i32 to index
        %get3A_564 = arith.constant 48 : index
        %get3A_565 = tpu.vector_load %arg15[%get3A_563, %get3A_564] {strides = array<i32>} : memref<128x128xf32, #tpu.memory_space<vmem>>, vector<16xf32>,
        %mul3A_566 = arith.mulf %get3A_565, %gather3A_541 : vector<16xf32>
        %swap3A_567 = arith.index_cast %add3A_539 : i32 to index
        %swap3A_568 = arith.constant 48 : index
        %swap3A_569 = tpu.vector_load %arg15[%swap3A_567, %swap3A_568] {strides = array<i32>} : memref<128x128xf32, #tpu.memory_space<vmem>>, vector<16xf32>,
        tpu.vector_store %arg15[%swap3A_567, %swap3A_568], %mul3A_566 {strides = array<i32>} : memref<128x128xf32, #tpu.memory_space<vmem>>, vector<16xf32>,
        %get3A_570 = arith.index_cast %add3A_539 : i32 to index
        %get3A_571 = arith.constant 64 : index
        %get3A_572 = tpu.vector_load %arg15[%get3A_570, %get3A_571] {strides = array<i32>} : memref<128x128xf32, #tpu.memory_space<vmem>>, vector<16xf32>,
        %mul3A_573 = arith.mulf %get3A_572, %gather3A_541 : vector<16xf32>
        %swap3A_574 = arith.index_cast %add3A_539 : i32 to index
        %swap3A_575 = arith.constant 64 : index
        %swap3A_576 = tpu.vector_load %arg15[%swap3A_574, %swap3A_575] {strides = array<i32>} : memref<128x128xf32, #tpu.memory_space<vmem>>, vector<16xf32>,
        tpu.vector_store %arg15[%swap3A_574, %swap3A_575], %mul3A_573 {strides = array<i32>} : memref<128x128xf32, #tpu.memory_space<vmem>>, vector<16xf32>,
        %get3A_577 = arith.index_cast %add3A_539 : i32 to index
        %get3A_578 = arith.constant 80 : index
        %get3A_579 = tpu.vector_load %arg15[%get3A_577, %get3A_578] {strides = array<i32>} : memref<128x128xf32, #tpu.memory_space<vmem>>, vector<16xf32>,
        %mul3A_580 = arith.mulf %get3A_579, %gather3A_541 : vector<16xf32>
        %swap3A_581 = arith.index_cast %add3A_539 : i32 to index
        %swap3A_582 = arith.constant 80 : index
        %swap3A_583 = tpu.vector_load %arg15[%swap3A_581, %swap3A_582] {strides = array<i32>} : memref<128x128xf32, #tpu.memory_space<vmem>>, vector<16xf32>,
        tpu.vector_store %arg15[%swap3A_581, %swap3A_582], %mul3A_580 {strides = array<i32>} : memref<128x128xf32, #tpu.memory_space<vmem>>, vector<16xf32>,
        %get3A_584 = arith.index_cast %add3A_539 : i32 to index
        %get3A_585 = arith.constant 96 : index
        %get3A_586 = tpu.vector_load %arg15[%get3A_584, %get3A_585] {strides = array<i32>} : memref<128x128xf32, #tpu.memory_space<vmem>>, vector<16xf32>,
        %mul3A_587 = arith.mulf %get3A_586, %gather3A_541 : vector<16xf32>
        %swap3A_588 = arith.index_cast %add3A_539 : i32 to index
        %swap3A_589 = arith.constant 96 : index
        %swap3A_590 = tpu.vector_load %arg15[%swap3A_588, %swap3A_589] {strides = array<i32>} : memref<128x128xf32, #tpu.memory_space<vmem>>, vector<16xf32>,
        tpu.vector_store %arg15[%swap3A_588, %swap3A_589], %mul3A_587 {strides = array<i32>} : memref<128x128xf32, #tpu.memory_space<vmem>>, vector<16xf32>,
        %get3A_591 = arith.index_cast %add3A_539 : i32 to index
        %get3A_592 = arith.constant 112 : index
        %get3A_593 = tpu.vector_load %arg15[%get3A_591, %get3A_592] {strides = array<i32>} : memref<128x128xf32, #tpu.memory_space<vmem>>, vector<16xf32>,
        %mul3A_594 = arith.mulf %get3A_593, %gather3A_541 : vector<16xf32>
        %swap3A_595 = arith.index_cast %add3A_539 : i32 to index
        %swap3A_596 = arith.constant 112 : index
        %swap3A_597 = tpu.vector_load %arg15[%swap3A_595, %swap3A_596] {strides = array<i32>} : memref<128x128xf32, #tpu.memory_space<vmem>>, vector<16xf32>,
        tpu.vector_store %arg15[%swap3A_595, %swap3A_596], %mul3A_594 {strides = array<i32>} : memref<128x128xf32, #tpu.memory_space<vmem>>, vector<16xf32>,
        %mul3A_598 = arith.constant 16 : i32
        %mul3A_599 = arith.muli %scan3A_287, %mul3A_598 : i32
        %add3A_600 = arith.constant 5 : i32
        %add3A_601 = arith.addi %mul3A_599, %add3A_600 : i32
        %broadcast_in_dim3A_602 = vector.broadcast %add3A_601 : i32 to vector<16xi32>
        %gather3A_603 = tpu.vector_load_idx %arg14[%broadcast_in_dim3A_602] : memref<128xf32, #tpu.memory_space<vmem>>[vector<16xi32>], vector<16xf32>,
        %get3A_604 = arith.index_cast %add3A_601 : i32 to index
        %get3A_605 = arith.constant 0 : index
        %get3A_606 = tpu.vector_load %arg15[%get3A_604, %get3A_605] {strides = array<i32>} : memref<128x128xf32, #tpu.memory_space<vmem>>, vector<16xf32>,
        %mul3A_607 = arith.mulf %get3A_606, %gather3A_603 : vector<16xf32>
        %swap3A_608 = arith.index_cast %add3A_601 : i32 to index
        %swap3A_609 = arith.constant 0 : index
        %swap3A_610 = tpu.vector_load %arg15[%swap3A_608, %swap3A_609] {strides = array<i32>} : memref<128x128xf32, #tpu.memory_space<vmem>>, vector<16xf32>,
        tpu.vector_store %arg15[%swap3A_608, %swap3A_609], %mul3A_607 {strides = array<i32>} : memref<128x128xf32, #tpu.memory_space<vmem>>, vector<16xf32>,
        %get3A_611 = arith.index_cast %add3A_601 : i32 to index
        %get3A_612 = arith.constant 16 : index
        %get3A_613 = tpu.vector_load %arg15[%get3A_611, %get3A_612] {strides = array<i32>} : memref<128x128xf32, #tpu.memory_space<vmem>>, vector<16xf32>,
        %mul3A_614 = arith.mulf %get3A_613, %gather3A_603 : vector<16xf32>
        %swap3A_615 = arith.index_cast %add3A_601 : i32 to index
        %swap3A_616 = arith.constant 16 : index
        %swap3A_617 = tpu.vector_load %arg15[%swap3A_615, %swap3A_616] {strides = array<i32>} : memref<128x128xf32, #tpu.memory_space<vmem>>, vector<16xf32>,
        tpu.vector_store %arg15[%swap3A_615, %swap3A_616], %mul3A_614 {strides = array<i32>} : memref<128x128xf32, #tpu.memory_space<vmem>>, vector<16xf32>,
        %get3A_618 = arith.index_cast %add3A_601 : i32 to index
        %get3A_619 = arith.constant 32 : index
        %get3A_620 = tpu.vector_load %arg15[%get3A_618, %get3A_619] {strides = array<i32>} : memref<128x128xf32, #tpu.memory_space<vmem>>, vector<16xf32>,
        %mul3A_621 = arith.mulf %get3A_620, %gather3A_603 : vector<16xf32>
        %swap3A_622 = arith.index_cast %add3A_601 : i32 to index
        %swap3A_623 = arith.constant 32 : index
        %swap3A_624 = tpu.vector_load %arg15[%swap3A_622, %swap3A_623] {strides = array<i32>} : memref<128x128xf32, #tpu.memory_space<vmem>>, vector<16xf32>,
        tpu.vector_store %arg15[%swap3A_622, %swap3A_623], %mul3A_621 {strides = array<i32>} : memref<128x128xf32, #tpu.memory_space<vmem>>, vector<16xf32>,
        %get3A_625 = arith.index_cast %add3A_601 : i32 to index
        %get3A_626 = arith.constant 48 : index
        %get3A_627 = tpu.vector_load %arg15[%get3A_625, %get3A_626] {strides = array<i32>} : memref<128x128xf32, #tpu.memory_space<vmem>>, vector<16xf32>,
        %mul3A_628 = arith.mulf %get3A_627, %gather3A_603 : vector<16xf32>
        %swap3A_629 = arith.index_cast %add3A_601 : i32 to index
        %swap3A_630 = arith.constant 48 : index
        %swap3A_631 = tpu.vector_load %arg15[%swap3A_629, %swap3A_630] {strides = array<i32>} : memref<128x128xf32, #tpu.memory_space<vmem>>, vector<16xf32>,
        tpu.vector_store %arg15[%swap3A_629, %swap3A_630], %mul3A_628 {strides = array<i32>} : memref<128x128xf32, #tpu.memory_space<vmem>>, vector<16xf32>,
        %get3A_632 = arith.index_cast %add3A_601 : i32 to index
        %get3A_633 = arith.constant 64 : index
        %get3A_634 = tpu.vector_load %arg15[%get3A_632, %get3A_633] {strides = array<i32>} : memref<128x128xf32, #tpu.memory_space<vmem>>, vector<16xf32>,
        %mul3A_635 = arith.mulf %get3A_634, %gather3A_603 : vector<16xf32>
        %swap3A_636 = arith.index_cast %add3A_601 : i32 to index
        %swap3A_637 = arith.constant 64 : index
        %swap3A_638 = tpu.vector_load %arg15[%swap3A_636, %swap3A_637] {strides = array<i32>} : memref<128x128xf32, #tpu.memory_space<vmem>>, vector<16xf32>,
        tpu.vector_store %arg15[%swap3A_636, %swap3A_637], %mul3A_635 {strides = array<i32>} : memref<128x128xf32, #tpu.memory_space<vmem>>, vector<16xf32>,
        %get3A_639 = arith.index_cast %add3A_601 : i32 to index
        %get3A_640 = arith.constant 80 : index
        %get3A_641 = tpu.vector_load %arg15[%get3A_639, %get3A_640] {strides = array<i32>} : memref<128x128xf32, #tpu.memory_space<vmem>>, vector<16xf32>,
        %mul3A_642 = arith.mulf %get3A_641, %gather3A_603 : vector<16xf32>
        %swap3A_643 = arith.index_cast %add3A_601 : i32 to index
        %swap3A_644 = arith.constant 80 : index
        %swap3A_645 = tpu.vector_load %arg15[%swap3A_643, %swap3A_644] {strides = array<i32>} : memref<128x128xf32, #tpu.memory_space<vmem>>, vector<16xf32>,
        tpu.vector_store %arg15[%swap3A_643, %swap3A_644], %mul3A_642 {strides = array<i32>} : memref<128x128xf32, #tpu.memory_space<vmem>>, vector<16xf32>,
        %get3A_646 = arith.index_cast %add3A_601 : i32 to index
        %get3A_647 = arith.constant 96 : index
        %get3A_648 = tpu.vector_load %arg15[%get3A_646, %get3A_647] {strides = array<i32>} : memref<128x128xf32, #tpu.memory_space<vmem>>, vector<16xf32>,
        %mul3A_649 = arith.mulf %get3A_648, %gather3A_603 : vector<16xf32>
        %swap3A_650 = arith.index_cast %add3A_601 : i32 to index
        %swap3A_651 = arith.constant 96 : index
        %swap3A_652 = tpu.vector_load %arg15[%swap3A_650, %swap3A_651] {strides = array<i32>} : memref<128x128xf32, #tpu.memory_space<vmem>>, vector<16xf32>,
        tpu.vector_store %arg15[%swap3A_650, %swap3A_651], %mul3A_649 {strides = array<i32>} : memref<128x128xf32, #tpu.memory_space<vmem>>, vector<16xf32>,
        %get3A_653 = arith.index_cast %add3A_601 : i32 to index
        %get3A_654 = arith.constant 112 : index
        %get3A_655 = tpu.vector_load %arg15[%get3A_653, %get3A_654] {strides = array<i32>} : memref<128x128xf32, #tpu.memory_space<vmem>>, vector<16xf32>,
        %mul3A_656 = arith.mulf %get3A_655, %gather3A_603 : vector<16xf32>
        %swap3A_657 = arith.index_cast %add3A_601 : i32 to index
        %swap3A_658 = arith.constant 112 : index
        %swap3A_659 = tpu.vector_load %arg15[%swap3A_657, %swap3A_658] {strides = array<i32>} : memref<128x128xf32, #tpu.memory_space<vmem>>, vector<16xf32>,
        tpu.vector_store %arg15[%swap3A_657, %swap3A_658], %mul3A_656 {strides = array<i32>} : memref<128x128xf32, #tpu.memory_space<vmem>>, vector<16xf32>,
        %mul3A_660 = arith.constant 16 : i32
        %mul3A_661 = arith.muli %scan3A_287, %mul3A_660 : i32
        %add3A_662 = arith.constant 6 : i32
        %add3A_663 = arith.addi %mul3A_661, %add3A_662 : i32
        %broadcast_in_dim3A_664 = vector.broadcast %add3A_663 : i32 to vector<16xi32>
        %gather3A_665 = tpu.vector_load_idx %arg14[%broadcast_in_dim3A_664] : memref<128xf32, #tpu.memory_space<vmem>>[vector<16xi32>], vector<16xf32>,
        %get3A_666 = arith.index_cast %add3A_663 : i32 to index
        %get3A_667 = arith.constant 0 : index
        %get3A_668 = tpu.vector_load %arg15[%get3A_666, %get3A_667] {strides = array<i32>} : memref<128x128xf32, #tpu.memory_space<vmem>>, vector<16xf32>,
        %mul3A_669 = arith.mulf %get3A_668, %gather3A_665 : vector<16xf32>
        %swap3A_670 = arith.index_cast %add3A_663 : i32 to index
        %swap3A_671 = arith.constant 0 : index
        %swap3A_672 = tpu.vector_load %arg15[%swap3A_670, %swap3A_671] {strides = array<i32>} : memref<128x128xf32, #tpu.memory_space<vmem>>, vector<16xf32>,
        tpu.vector_store %arg15[%swap3A_670, %swap3A_671], %mul3A_669 {strides = array<i32>} : memref<128x128xf32, #tpu.memory_space<vmem>>, vector<16xf32>,
        %get3A_673 = arith.index_cast %add3A_663 : i32 to index
        %get3A_674 = arith.constant 16 : index
        %get3A_675 = tpu.vector_load %arg15[%get3A_673, %get3A_674] {strides = array<i32>} : memref<128x128xf32, #tpu.memory_space<vmem>>, vector<16xf32>,
        %mul3A_676 = arith.mulf %get3A_675, %gather3A_665 : vector<16xf32>
        %swap3A_677 = arith.index_cast %add3A_663 : i32 to index
        %swap3A_678 = arith.constant 16 : index
        %swap3A_679 = tpu.vector_load %arg15[%swap3A_677, %swap3A_678] {strides = array<i32>} : memref<128x128xf32, #tpu.memory_space<vmem>>, vector<16xf32>,
        tpu.vector_store %arg15[%swap3A_677, %swap3A_678], %mul3A_676 {strides = array<i32>} : memref<128x128xf32, #tpu.memory_space<vmem>>, vector<16xf32>,
        %get3A_680 = arith.index_cast %add3A_663 : i32 to index
        %get3A_681 = arith.constant 32 : index
        %get3A_682 = tpu.vector_load %arg15[%get3A_680, %get3A_681] {strides = array<i32>} : memref<128x128xf32, #tpu.memory_space<vmem>>, vector<16xf32>,
        %mul3A_683 = arith.mulf %get3A_682, %gather3A_665 : vector<16xf32>
        %swap3A_684 = arith.index_cast %add3A_663 : i32 to index
        %swap3A_685 = arith.constant 32 : index
        %swap3A_686 = tpu.vector_load %arg15[%swap3A_684, %swap3A_685] {strides = array<i32>} : memref<128x128xf32, #tpu.memory_space<vmem>>, vector<16xf32>,
        tpu.vector_store %arg15[%swap3A_684, %swap3A_685], %mul3A_683 {strides = array<i32>} : memref<128x128xf32, #tpu.memory_space<vmem>>, vector<16xf32>,
        %get3A_687 = arith.index_cast %add3A_663 : i32 to index
        %get3A_688 = arith.constant 48 : index
        %get3A_689 = tpu.vector_load %arg15[%get3A_687, %get3A_688] {strides = array<i32>} : memref<128x128xf32, #tpu.memory_space<vmem>>, vector<16xf32>,
        %mul3A_690 = arith.mulf %get3A_689, %gather3A_665 : vector<16xf32>
        %swap3A_691 = arith.index_cast %add3A_663 : i32 to index
        %swap3A_692 = arith.constant 48 : index
        %swap3A_693 = tpu.vector_load %arg15[%swap3A_691, %swap3A_692] {strides = array<i32>} : memref<128x128xf32, #tpu.memory_space<vmem>>, vector<16xf32>,
        tpu.vector_store %arg15[%swap3A_691, %swap3A_692], %mul3A_690 {strides = array<i32>} : memref<128x128xf32, #tpu.memory_space<vmem>>, vector<16xf32>,
        %get3A_694 = arith.index_cast %add3A_663 : i32 to index
        %get3A_695 = arith.constant 64 : index
        %get3A_696 = tpu.vector_load %arg15[%get3A_694, %get3A_695] {strides = array<i32>} : memref<128x128xf32, #tpu.memory_space<vmem>>, vector<16xf32>,
        %mul3A_697 = arith.mulf %get3A_696, %gather3A_665 : vector<16xf32>
        %swap3A_698 = arith.index_cast %add3A_663 : i32 to index
        %swap3A_699 = arith.constant 64 : index
        %swap3A_700 = tpu.vector_load %arg15[%swap3A_698, %swap3A_699] {strides = array<i32>} : memref<128x128xf32, #tpu.memory_space<vmem>>, vector<16xf32>,
        tpu.vector_store %arg15[%swap3A_698, %swap3A_699], %mul3A_697 {strides = array<i32>} : memref<128x128xf32, #tpu.memory_space<vmem>>, vector<16xf32>,
        %get3A_701 = arith.index_cast %add3A_663 : i32 to index
        %get3A_702 = arith.constant 80 : index
        %get3A_703 = tpu.vector_load %arg15[%get3A_701, %get3A_702] {strides = array<i32>} : memref<128x128xf32, #tpu.memory_space<vmem>>, vector<16xf32>,
        %mul3A_704 = arith.mulf %get3A_703, %gather3A_665 : vector<16xf32>
        %swap3A_705 = arith.index_cast %add3A_663 : i32 to index
        %swap3A_706 = arith.constant 80 : index
        %swap3A_707 = tpu.vector_load %arg15[%swap3A_705, %swap3A_706] {strides = array<i32>} : memref<128x128xf32, #tpu.memory_space<vmem>>, vector<16xf32>,
        tpu.vector_store %arg15[%swap3A_705, %swap3A_706], %mul3A_704 {strides = array<i32>} : memref<128x128xf32, #tpu.memory_space<vmem>>, vector<16xf32>,
        %get3A_708 = arith.index_cast %add3A_663 : i32 to index
        %get3A_709 = arith.constant 96 : index
        %get3A_710 = tpu.vector_load %arg15[%get3A_708, %get3A_709] {strides = array<i32>} : memref<128x128xf32, #tpu.memory_space<vmem>>, vector<16xf32>,
        %mul3A_711 = arith.mulf %get3A_710, %gather3A_665 : vector<16xf32>
        %swap3A_712 = arith.index_cast %add3A_663 : i32 to index
        %swap3A_713 = arith.constant 96 : index
        %swap3A_714 = tpu.vector_load %arg15[%swap3A_712, %swap3A_713] {strides = array<i32>} : memref<128x128xf32, #tpu.memory_space<vmem>>, vector<16xf32>,
        tpu.vector_store %arg15[%swap3A_712, %swap3A_713], %mul3A_711 {strides = array<i32>} : memref<128x128xf32, #tpu.memory_space<vmem>>, vector<16xf32>,
        %get3A_715 = arith.index_cast %add3A_663 : i32 to index
        %get3A_716 = arith.constant 112 : index
        %get3A_717 = tpu.vector_load %arg15[%get3A_715, %get3A_716] {strides = array<i32>} : memref<128x128xf32, #tpu.memory_space<vmem>>, vector<16xf32>,
        %mul3A_718 = arith.mulf %get3A_717, %gather3A_665 : vector<16xf32>
        %swap3A_719 = arith.index_cast %add3A_663 : i32 to index
        %swap3A_720 = arith.constant 112 : index
        %swap3A_721 = tpu.vector_load %arg15[%swap3A_719, %swap3A_720] {strides = array<i32>} : memref<128x128xf32, #tpu.memory_space<vmem>>, vector<16xf32>,
        tpu.vector_store %arg15[%swap3A_719, %swap3A_720], %mul3A_718 {strides = array<i32>} : memref<128x128xf32, #tpu.memory_space<vmem>>, vector<16xf32>,
        %mul3A_722 = arith.constant 16 : i32
        %mul3A_723 = arith.muli %scan3A_287, %mul3A_722 : i32
        %add3A_724 = arith.constant 7 : i32
        %add3A_725 = arith.addi %mul3A_723, %add3A_724 : i32
        %broadcast_in_dim3A_726 = vector.broadcast %add3A_725 : i32 to vector<16xi32>
        %gather3A_727 = tpu.vector_load_idx %arg14[%broadcast_in_dim3A_726] : memref<128xf32, #tpu.memory_space<vmem>>[vector<16xi32>], vector<16xf32>,
        %get3A_728 = arith.index_cast %add3A_725 : i32 to index
        %get3A_729 = arith.constant 0 : index
        %get3A_730 = tpu.vector_load %arg15[%get3A_728, %get3A_729] {strides = array<i32>} : memref<128x128xf32, #tpu.memory_space<vmem>>, vector<16xf32>,
        %mul3A_731 = arith.mulf %get3A_730, %gather3A_727 : vector<16xf32>
        %swap3A_732 = arith.index_cast %add3A_725 : i32 to index
        %swap3A_733 = arith.constant 0 : index
        %swap3A_734 = tpu.vector_load %arg15[%swap3A_732, %swap3A_733] {strides = array<i32>} : memref<128x128xf32, #tpu.memory_space<vmem>>, vector<16xf32>,
        tpu.vector_store %arg15[%swap3A_732, %swap3A_733], %mul3A_731 {strides = array<i32>} : memref<128x128xf32, #tpu.memory_space<vmem>>, vector<16xf32>,
        %get3A_735 = arith.index_cast %add3A_725 : i32 to index
        %get3A_736 = arith.constant 16 : index
        %get3A_737 = tpu.vector_load %arg15[%get3A_735, %get3A_736] {strides = array<i32>} : memref<128x128xf32, #tpu.memory_space<vmem>>, vector<16xf32>,
        %mul3A_738 = arith.mulf %get3A_737, %gather3A_727 : vector<16xf32>
        %swap3A_739 = arith.index_cast %add3A_725 : i32 to index
        %swap3A_740 = arith.constant 16 : index
        %swap3A_741 = tpu.vector_load %arg15[%swap3A_739, %swap3A_740] {strides = array<i32>} : memref<128x128xf32, #tpu.memory_space<vmem>>, vector<16xf32>,
        tpu.vector_store %arg15[%swap3A_739, %swap3A_740], %mul3A_738 {strides = array<i32>} : memref<128x128xf32, #tpu.memory_space<vmem>>, vector<16xf32>,
        %get3A_742 = arith.index_cast %add3A_725 : i32 to index
        %get3A_743 = arith.constant 32 : index
        %get3A_744 = tpu.vector_load %arg15[%get3A_742, %get3A_743] {strides = array<i32>} : memref<128x128xf32, #tpu.memory_space<vmem>>, vector<16xf32>,
        %mul3A_745 = arith.mulf %get3A_744, %gather3A_727 : vector<16xf32>
        %swap3A_746 = arith.index_cast %add3A_725 : i32 to index
        %swap3A_747 = arith.constant 32 : index
        %swap3A_748 = tpu.vector_load %arg15[%swap3A_746, %swap3A_747] {strides = array<i32>} : memref<128x128xf32, #tpu.memory_space<vmem>>, vector<16xf32>,
        tpu.vector_store %arg15[%swap3A_746, %swap3A_747], %mul3A_745 {strides = array<i32>} : memref<128x128xf32, #tpu.memory_space<vmem>>, vector<16xf32>,
        %get3A_749 = arith.index_cast %add3A_725 : i32 to index
        %get3A_750 = arith.constant 48 : index
        %get3A_751 = tpu.vector_load %arg15[%get3A_749, %get3A_750] {strides = array<i32>} : memref<128x128xf32, #tpu.memory_space<vmem>>, vector<16xf32>,
        %mul3A_752 = arith.mulf %get3A_751, %gather3A_727 : vector<16xf32>
        %swap3A_753 = arith.index_cast %add3A_725 : i32 to index
        %swap3A_754 = arith.constant 48 : index
        %swap3A_755 = tpu.vector_load %arg15[%swap3A_753, %swap3A_754] {strides = array<i32>} : memref<128x128xf32, #tpu.memory_space<vmem>>, vector<16xf32>,
        tpu.vector_store %arg15[%swap3A_753, %swap3A_754], %mul3A_752 {strides = array<i32>} : memref<128x128xf32, #tpu.memory_space<vmem>>, vector<16xf32>,
        %get3A_756 = arith.index_cast %add3A_725 : i32 to index
        %get3A_757 = arith.constant 64 : index
        %get3A_758 = tpu.vector_load %arg15[%get3A_756, %get3A_757] {strides = array<i32>} : memref<128x128xf32, #tpu.memory_space<vmem>>, vector<16xf32>,
        %mul3A_759 = arith.mulf %get3A_758, %gather3A_727 : vector<16xf32>
        %swap3A_760 = arith.index_cast %add3A_725 : i32 to index
        %swap3A_761 = arith.constant 64 : index
        %swap3A_762 = tpu.vector_load %arg15[%swap3A_760, %swap3A_761] {strides = array<i32>} : memref<128x128xf32, #tpu.memory_space<vmem>>, vector<16xf32>,
        tpu.vector_store %arg15[%swap3A_760, %swap3A_761], %mul3A_759 {strides = array<i32>} : memref<128x128xf32, #tpu.memory_space<vmem>>, vector<16xf32>,
        %get3A_763 = arith.index_cast %add3A_725 : i32 to index
        %get3A_764 = arith.constant 80 : index
        %get3A_765 = tpu.vector_load %arg15[%get3A_763, %get3A_764] {strides = array<i32>} : memref<128x128xf32, #tpu.memory_space<vmem>>, vector<16xf32>,
        %mul3A_766 = arith.mulf %get3A_765, %gather3A_727 : vector<16xf32>
        %swap3A_767 = arith.index_cast %add3A_725 : i32 to index
        %swap3A_768 = arith.constant 80 : index
        %swap3A_769 = tpu.vector_load %arg15[%swap3A_767, %swap3A_768] {strides = array<i32>} : memref<128x128xf32, #tpu.memory_space<vmem>>, vector<16xf32>,
        tpu.vector_store %arg15[%swap3A_767, %swap3A_768], %mul3A_766 {strides = array<i32>} : memref<128x128xf32, #tpu.memory_space<vmem>>, vector<16xf32>,
        %get3A_770 = arith.index_cast %add3A_725 : i32 to index
        %get3A_771 = arith.constant 96 : index
        %get3A_772 = tpu.vector_load %arg15[%get3A_770, %get3A_771] {strides = array<i32>} : memref<128x128xf32, #tpu.memory_space<vmem>>, vector<16xf32>,
        %mul3A_773 = arith.mulf %get3A_772, %gather3A_727 : vector<16xf32>
        %swap3A_774 = arith.index_cast %add3A_725 : i32 to index
        %swap3A_775 = arith.constant 96 : index
        %swap3A_776 = tpu.vector_load %arg15[%swap3A_774, %swap3A_775] {strides = array<i32>} : memref<128x128xf32, #tpu.memory_space<vmem>>, vector<16xf32>,
        tpu.vector_store %arg15[%swap3A_774, %swap3A_775], %mul3A_773 {strides = array<i32>} : memref<128x128xf32, #tpu.memory_space<vmem>>, vector<16xf32>,
        %get3A_777 = arith.index_cast %add3A_725 : i32 to index
        %get3A_778 = arith.constant 112 : index
        %get3A_779 = tpu.vector_load %arg15[%get3A_777, %get3A_778] {strides = array<i32>} : memref<128x128xf32, #tpu.memory_space<vmem>>, vector<16xf32>,
        %mul3A_780 = arith.mulf %get3A_779, %gather3A_727 : vector<16xf32>
        %swap3A_781 = arith.index_cast %add3A_725 : i32 to index
        %swap3A_782 = arith.constant 112 : index
        %swap3A_783 = tpu.vector_load %arg15[%swap3A_781, %swap3A_782] {strides = array<i32>} : memref<128x128xf32, #tpu.memory_space<vmem>>, vector<16xf32>,
        tpu.vector_store %arg15[%swap3A_781, %swap3A_782], %mul3A_780 {strides = array<i32>} : memref<128x128xf32, #tpu.memory_space<vmem>>, vector<16xf32>,
        %mul3A_784 = arith.constant 16 : i32
        %mul3A_785 = arith.muli %scan3A_287, %mul3A_784 : i32
        %add3A_786 = arith.constant 8 : i32
        %add3A_787 = arith.addi %mul3A_785, %add3A_786 : i32
        %broadcast_in_dim3A_788 = vector.broadcast %add3A_787 : i32 to vector<16xi32>
        %gather3A_789 = tpu.vector_load_idx %arg14[%broadcast_in_dim3A_788] : memref<128xf32, #tpu.memory_space<vmem>>[vector<16xi32>], vector<16xf32>,
        %get3A_790 = arith.index_cast %add3A_787 : i32 to index
        %get3A_791 = arith.constant 0 : index
        %get3A_792 = tpu.vector_load %arg15[%get3A_790, %get3A_791] {strides = array<i32>} : memref<128x128xf32, #tpu.memory_space<vmem>>, vector<16xf32>,
        %mul3A_793 = arith.mulf %get3A_792, %gather3A_789 : vector<16xf32>
        %swap3A_794 = arith.index_cast %add3A_787 : i32 to index
        %swap3A_795 = arith.constant 0 : index
        %swap3A_796 = tpu.vector_load %arg15[%swap3A_794, %swap3A_795] {strides = array<i32>} : memref<128x128xf32, #tpu.memory_space<vmem>>, vector<16xf32>,
        tpu.vector_store %arg15[%swap3A_794, %swap3A_795], %mul3A_793 {strides = array<i32>} : memref<128x128xf32, #tpu.memory_space<vmem>>, vector<16xf32>,
        %get3A_797 = arith.index_cast %add3A_787 : i32 to index
        %get3A_798 = arith.constant 16 : index
        %get3A_799 = tpu.vector_load %arg15[%get3A_797, %get3A_798] {strides = array<i32>} : memref<128x128xf32, #tpu.memory_space<vmem>>, vector<16xf32>,
        %mul3A_800 = arith.mulf %get3A_799, %gather3A_789 : vector<16xf32>
        %swap3A_801 = arith.index_cast %add3A_787 : i32 to index
        %swap3A_802 = arith.constant 16 : index
        %swap3A_803 = tpu.vector_load %arg15[%swap3A_801, %swap3A_802] {strides = array<i32>} : memref<128x128xf32, #tpu.memory_space<vmem>>, vector<16xf32>,
        tpu.vector_store %arg15[%swap3A_801, %swap3A_802], %mul3A_800 {strides = array<i32>} : memref<128x128xf32, #tpu.memory_space<vmem>>, vector<16xf32>,
        %get3A_804 = arith.index_cast %add3A_787 : i32 to index
        %get3A_805 = arith.constant 32 : index
        %get3A_806 = tpu.vector_load %arg15[%get3A_804, %get3A_805] {strides = array<i32>} : memref<128x128xf32, #tpu.memory_space<vmem>>, vector<16xf32>,
        %mul3A_807 = arith.mulf %get3A_806, %gather3A_789 : vector<16xf32>
        %swap3A_808 = arith.index_cast %add3A_787 : i32 to index
        %swap3A_809 = arith.constant 32 : index
        %swap3A_810 = tpu.vector_load %arg15[%swap3A_808, %swap3A_809] {strides = array<i32>} : memref<128x128xf32, #tpu.memory_space<vmem>>, vector<16xf32>,
        tpu.vector_store %arg15[%swap3A_808, %swap3A_809], %mul3A_807 {strides = array<i32>} : memref<128x128xf32, #tpu.memory_space<vmem>>, vector<16xf32>,
        %get3A_811 = arith.index_cast %add3A_787 : i32 to index
        %get3A_812 = arith.constant 48 : index
        %get3A_813 = tpu.vector_load %arg15[%get3A_811, %get3A_812] {strides = array<i32>} : memref<128x128xf32, #tpu.memory_space<vmem>>, vector<16xf32>,
        %mul3A_814 = arith.mulf %get3A_813, %gather3A_789 : vector<16xf32>
        %swap3A_815 = arith.index_cast %add3A_787 : i32 to index
        %swap3A_816 = arith.constant 48 : index
        %swap3A_817 = tpu.vector_load %arg15[%swap3A_815, %swap3A_816] {strides = array<i32>} : memref<128x128xf32, #tpu.memory_space<vmem>>, vector<16xf32>,
        tpu.vector_store %arg15[%swap3A_815, %swap3A_816], %mul3A_814 {strides = array<i32>} : memref<128x128xf32, #tpu.memory_space<vmem>>, vector<16xf32>,
        %get3A_818 = arith.index_cast %add3A_787 : i32 to index
        %get3A_819 = arith.constant 64 : index
        %get3A_820 = tpu.vector_load %arg15[%get3A_818, %get3A_819] {strides = array<i32>} : memref<128x128xf32, #tpu.memory_space<vmem>>, vector<16xf32>,
        %mul3A_821 = arith.mulf %get3A_820, %gather3A_789 : vector<16xf32>
        %swap3A_822 = arith.index_cast %add3A_787 : i32 to index
        %swap3A_823 = arith.constant 64 : index
        %swap3A_824 = tpu.vector_load %arg15[%swap3A_822, %swap3A_823] {strides = array<i32>} : memref<128x128xf32, #tpu.memory_space<vmem>>, vector<16xf32>,
        tpu.vector_store %arg15[%swap3A_822, %swap3A_823], %mul3A_821 {strides = array<i32>} : memref<128x128xf32, #tpu.memory_space<vmem>>, vector<16xf32>,
        %get3A_825 = arith.index_cast %add3A_787 : i32 to index
        %get3A_826 = arith.constant 80 : index
        %get3A_827 = tpu.vector_load %arg15[%get3A_825, %get3A_826] {strides = array<i32>} : memref<128x128xf32, #tpu.memory_space<vmem>>, vector<16xf32>,
        %mul3A_828 = arith.mulf %get3A_827, %gather3A_789 : vector<16xf32>
        %swap3A_829 = arith.index_cast %add3A_787 : i32 to index
        %swap3A_830 = arith.constant 80 : index
        %swap3A_831 = tpu.vector_load %arg15[%swap3A_829, %swap3A_830] {strides = array<i32>} : memref<128x128xf32, #tpu.memory_space<vmem>>, vector<16xf32>,
        tpu.vector_store %arg15[%swap3A_829, %swap3A_830], %mul3A_828 {strides = array<i32>} : memref<128x128xf32, #tpu.memory_space<vmem>>, vector<16xf32>,
        %get3A_832 = arith.index_cast %add3A_787 : i32 to index
        %get3A_833 = arith.constant 96 : index
        %get3A_834 = tpu.vector_load %arg15[%get3A_832, %get3A_833] {strides = array<i32>} : memref<128x128xf32, #tpu.memory_space<vmem>>, vector<16xf32>,
        %mul3A_835 = arith.mulf %get3A_834, %gather3A_789 : vector<16xf32>
        %swap3A_836 = arith.index_cast %add3A_787 : i32 to index
        %swap3A_837 = arith.constant 96 : index
        %swap3A_838 = tpu.vector_load %arg15[%swap3A_836, %swap3A_837] {strides = array<i32>} : memref<128x128xf32, #tpu.memory_space<vmem>>, vector<16xf32>,
        tpu.vector_store %arg15[%swap3A_836, %swap3A_837], %mul3A_835 {strides = array<i32>} : memref<128x128xf32, #tpu.memory_space<vmem>>, vector<16xf32>,
        %get3A_839 = arith.index_cast %add3A_787 : i32 to index
        %get3A_840 = arith.constant 112 : index
        %get3A_841 = tpu.vector_load %arg15[%get3A_839, %get3A_840] {strides = array<i32>} : memref<128x128xf32, #tpu.memory_space<vmem>>, vector<16xf32>,
        %mul3A_842 = arith.mulf %get3A_841, %gather3A_789 : vector<16xf32>
        %swap3A_843 = arith.index_cast %add3A_787 : i32 to index
        %swap3A_844 = arith.constant 112 : index
        %swap3A_845 = tpu.vector_load %arg15[%swap3A_843, %swap3A_844] {strides = array<i32>} : memref<128x128xf32, #tpu.memory_space<vmem>>, vector<16xf32>,
        tpu.vector_store %arg15[%swap3A_843, %swap3A_844], %mul3A_842 {strides = array<i32>} : memref<128x128xf32, #tpu.memory_space<vmem>>, vector<16xf32>,
        %mul3A_846 = arith.constant 16 : i32
        %mul3A_847 = arith.muli %scan3A_287, %mul3A_846 : i32
        %add3A_848 = arith.constant 9 : i32
        %add3A_849 = arith.addi %mul3A_847, %add3A_848 : i32
        %broadcast_in_dim3A_850 = vector.broadcast %add3A_849 : i32 to vector<16xi32>
        %gather3A_851 = tpu.vector_load_idx %arg14[%broadcast_in_dim3A_850] : memref<128xf32, #tpu.memory_space<vmem>>[vector<16xi32>], vector<16xf32>,
        %get3A_852 = arith.index_cast %add3A_849 : i32 to index
        %get3A_853 = arith.constant 0 : index
        %get3A_854 = tpu.vector_load %arg15[%get3A_852, %get3A_853] {strides = array<i32>} : memref<128x128xf32, #tpu.memory_space<vmem>>, vector<16xf32>,
        %mul3A_855 = arith.mulf %get3A_854, %gather3A_851 : vector<16xf32>
        %swap3A_856 = arith.index_cast %add3A_849 : i32 to index
        %swap3A_857 = arith.constant 0 : index
        %swap3A_858 = tpu.vector_load %arg15[%swap3A_856, %swap3A_857] {strides = array<i32>} : memref<128x128xf32, #tpu.memory_space<vmem>>, vector<16xf32>,
        tpu.vector_store %arg15[%swap3A_856, %swap3A_857], %mul3A_855 {strides = array<i32>} : memref<128x128xf32, #tpu.memory_space<vmem>>, vector<16xf32>,
        %get3A_859 = arith.index_cast %add3A_849 : i32 to index
        %get3A_860 = arith.constant 16 : index
        %get3A_861 = tpu.vector_load %arg15[%get3A_859, %get3A_860] {strides = array<i32>} : memref<128x128xf32, #tpu.memory_space<vmem>>, vector<16xf32>,
        %mul3A_862 = arith.mulf %get3A_861, %gather3A_851 : vector<16xf32>
        %swap3A_863 = arith.index_cast %add3A_849 : i32 to index
        %swap3A_864 = arith.constant 16 : index
        %swap3A_865 = tpu.vector_load %arg15[%swap3A_863, %swap3A_864] {strides = array<i32>} : memref<128x128xf32, #tpu.memory_space<vmem>>, vector<16xf32>,
        tpu.vector_store %arg15[%swap3A_863, %swap3A_864], %mul3A_862 {strides = array<i32>} : memref<128x128xf32, #tpu.memory_space<vmem>>, vector<16xf32>,
        %get3A_866 = arith.index_cast %add3A_849 : i32 to index
        %get3A_867 = arith.constant 32 : index
        %get3A_868 = tpu.vector_load %arg15[%get3A_866, %get3A_867] {strides = array<i32>} : memref<128x128xf32, #tpu.memory_space<vmem>>, vector<16xf32>,
        %mul3A_869 = arith.mulf %get3A_868, %gather3A_851 : vector<16xf32>
        %swap3A_870 = arith.index_cast %add3A_849 : i32 to index
        %swap3A_871 = arith.constant 32 : index
        %swap3A_872 = tpu.vector_load %arg15[%swap3A_870, %swap3A_871] {strides = array<i32>} : memref<128x128xf32, #tpu.memory_space<vmem>>, vector<16xf32>,
        tpu.vector_store %arg15[%swap3A_870, %swap3A_871], %mul3A_869 {strides = array<i32>} : memref<128x128xf32, #tpu.memory_space<vmem>>, vector<16xf32>,
        %get3A_873 = arith.index_cast %add3A_849 : i32 to index
        %get3A_874 = arith.constant 48 : index
        %get3A_875 = tpu.vector_load %arg15[%get3A_873, %get3A_874] {strides = array<i32>} : memref<128x128xf32, #tpu.memory_space<vmem>>, vector<16xf32>,
        %mul3A_876 = arith.mulf %get3A_875, %gather3A_851 : vector<16xf32>
        %swap3A_877 = arith.index_cast %add3A_849 : i32 to index
        %swap3A_878 = arith.constant 48 : index
        %swap3A_879 = tpu.vector_load %arg15[%swap3A_877, %swap3A_878] {strides = array<i32>} : memref<128x128xf32, #tpu.memory_space<vmem>>, vector<16xf32>,
        tpu.vector_store %arg15[%swap3A_877, %swap3A_878], %mul3A_876 {strides = array<i32>} : memref<128x128xf32, #tpu.memory_space<vmem>>, vector<16xf32>,
        %get3A_880 = arith.index_cast %add3A_849 : i32 to index
        %get3A_881 = arith.constant 64 : index
        %get3A_882 = tpu.vector_load %arg15[%get3A_880, %get3A_881] {strides = array<i32>} : memref<128x128xf32, #tpu.memory_space<vmem>>, vector<16xf32>,
        %mul3A_883 = arith.mulf %get3A_882, %gather3A_851 : vector<16xf32>
        %swap3A_884 = arith.index_cast %add3A_849 : i32 to index
        %swap3A_885 = arith.constant 64 : index
        %swap3A_886 = tpu.vector_load %arg15[%swap3A_884, %swap3A_885] {strides = array<i32>} : memref<128x128xf32, #tpu.memory_space<vmem>>, vector<16xf32>,
        tpu.vector_store %arg15[%swap3A_884, %swap3A_885], %mul3A_883 {strides = array<i32>} : memref<128x128xf32, #tpu.memory_space<vmem>>, vector<16xf32>,
        %get3A_887 = arith.index_cast %add3A_849 : i32 to index
        %get3A_888 = arith.constant 80 : index
        %get3A_889 = tpu.vector_load %arg15[%get3A_887, %get3A_888] {strides = array<i32>} : memref<128x128xf32, #tpu.memory_space<vmem>>, vector<16xf32>,
        %mul3A_890 = arith.mulf %get3A_889, %gather3A_851 : vector<16xf32>
        %swap3A_891 = arith.index_cast %add3A_849 : i32 to index
        %swap3A_892 = arith.constant 80 : index
        %swap3A_893 = tpu.vector_load %arg15[%swap3A_891, %swap3A_892] {strides = array<i32>} : memref<128x128xf32, #tpu.memory_space<vmem>>, vector<16xf32>,
        tpu.vector_store %arg15[%swap3A_891, %swap3A_892], %mul3A_890 {strides = array<i32>} : memref<128x128xf32, #tpu.memory_space<vmem>>, vector<16xf32>,
        %get3A_894 = arith.index_cast %add3A_849 : i32 to index
        %get3A_895 = arith.constant 96 : index
        %get3A_896 = tpu.vector_load %arg15[%get3A_894, %get3A_895] {strides = array<i32>} : memref<128x128xf32, #tpu.memory_space<vmem>>, vector<16xf32>,
        %mul3A_897 = arith.mulf %get3A_896, %gather3A_851 : vector<16xf32>
        %swap3A_898 = arith.index_cast %add3A_849 : i32 to index
        %swap3A_899 = arith.constant 96 : index
        %swap3A_900 = tpu.vector_load %arg15[%swap3A_898, %swap3A_899] {strides = array<i32>} : memref<128x128xf32, #tpu.memory_space<vmem>>, vector<16xf32>,
        tpu.vector_store %arg15[%swap3A_898, %swap3A_899], %mul3A_897 {strides = array<i32>} : memref<128x128xf32, #tpu.memory_space<vmem>>, vector<16xf32>,
        %get3A_901 = arith.index_cast %add3A_849 : i32 to index
        %get3A_902 = arith.constant 112 : index
        %get3A_903 = tpu.vector_load %arg15[%get3A_901, %get3A_902] {strides = array<i32>} : memref<128x128xf32, #tpu.memory_space<vmem>>, vector<16xf32>,
        %mul3A_904 = arith.mulf %get3A_903, %gather3A_851 : vector<16xf32>
        %swap3A_905 = arith.index_cast %add3A_849 : i32 to index
        %swap3A_906 = arith.constant 112 : index
        %swap3A_907 = tpu.vector_load %arg15[%swap3A_905, %swap3A_906] {strides = array<i32>} : memref<128x128xf32, #tpu.memory_space<vmem>>, vector<16xf32>,
        tpu.vector_store %arg15[%swap3A_905, %swap3A_906], %mul3A_904 {strides = array<i32>} : memref<128x128xf32, #tpu.memory_space<vmem>>, vector<16xf32>,
        %mul3A_908 = arith.constant 16 : i32
        %mul3A_909 = arith.muli %scan3A_287, %mul3A_908 : i32
        %add3A_910 = arith.constant 10 : i32
        %add3A_911 = arith.addi %mul3A_909, %add3A_910 : i32
        %broadcast_in_dim3A_912 = vector.broadcast %add3A_911 : i32 to vector<16xi32>
        %gather3A_913 = tpu.vector_load_idx %arg14[%broadcast_in_dim3A_912] : memref<128xf32, #tpu.memory_space<vmem>>[vector<16xi32>], vector<16xf32>,
        %get3A_914 = arith.index_cast %add3A_911 : i32 to index
        %get3A_915 = arith.constant 0 : index
        %get3A_916 = tpu.vector_load %arg15[%get3A_914, %get3A_915] {strides = array<i32>} : memref<128x128xf32, #tpu.memory_space<vmem>>, vector<16xf32>,
        %mul3A_917 = arith.mulf %get3A_916, %gather3A_913 : vector<16xf32>
        %swap3A_918 = arith.index_cast %add3A_911 : i32 to index
        %swap3A_919 = arith.constant 0 : index
        %swap3A_920 = tpu.vector_load %arg15[%swap3A_918, %swap3A_919] {strides = array<i32>} : memref<128x128xf32, #tpu.memory_space<vmem>>, vector<16xf32>,
        tpu.vector_store %arg15[%swap3A_918, %swap3A_919], %mul3A_917 {strides = array<i32>} : memref<128x128xf32, #tpu.memory_space<vmem>>, vector<16xf32>,
        %get3A_921 = arith.index_cast %add3A_911 : i32 to index
        %get3A_922 = arith.constant 16 : index
        %get3A_923 = tpu.vector_load %arg15[%get3A_921, %get3A_922] {strides = array<i32>} : memref<128x128xf32, #tpu.memory_space<vmem>>, vector<16xf32>,
        %mul3A_924 = arith.mulf %get3A_923, %gather3A_913 : vector<16xf32>
        %swap3A_925 = arith.index_cast %add3A_911 : i32 to index
        %swap3A_926 = arith.constant 16 : index
        %swap3A_927 = tpu.vector_load %arg15[%swap3A_925, %swap3A_926] {strides = array<i32>} : memref<128x128xf32, #tpu.memory_space<vmem>>, vector<16xf32>,
        tpu.vector_store %arg15[%swap3A_925, %swap3A_926], %mul3A_924 {strides = array<i32>} : memref<128x128xf32, #tpu.memory_space<vmem>>, vector<16xf32>,
        %get3A_928 = arith.index_cast %add3A_911 : i32 to index
        %get3A_929 = arith.constant 32 : index
        %get3A_930 = tpu.vector_load %arg15[%get3A_928, %get3A_929] {strides = array<i32>} : memref<128x128xf32, #tpu.memory_space<vmem>>, vector<16xf32>,
        %mul3A_931 = arith.mulf %get3A_930, %gather3A_913 : vector<16xf32>
        %swap3A_932 = arith.index_cast %add3A_911 : i32 to index
        %swap3A_933 = arith.constant 32 : index
        %swap3A_934 = tpu.vector_load %arg15[%swap3A_932, %swap3A_933] {strides = array<i32>} : memref<128x128xf32, #tpu.memory_space<vmem>>, vector<16xf32>,
        tpu.vector_store %arg15[%swap3A_932, %swap3A_933], %mul3A_931 {strides = array<i32>} : memref<128x128xf32, #tpu.memory_space<vmem>>, vector<16xf32>,
        %get3A_935 = arith.index_cast %add3A_911 : i32 to index
        %get3A_936 = arith.constant 48 : index
        %get3A_937 = tpu.vector_load %arg15[%get3A_935, %get3A_936] {strides = array<i32>} : memref<128x128xf32, #tpu.memory_space<vmem>>, vector<16xf32>,
        %mul3A_938 = arith.mulf %get3A_937, %gather3A_913 : vector<16xf32>
        %swap3A_939 = arith.index_cast %add3A_911 : i32 to index
        %swap3A_940 = arith.constant 48 : index
        %swap3A_941 = tpu.vector_load %arg15[%swap3A_939, %swap3A_940] {strides = array<i32>} : memref<128x128xf32, #tpu.memory_space<vmem>>, vector<16xf32>,
        tpu.vector_store %arg15[%swap3A_939, %swap3A_940], %mul3A_938 {strides = array<i32>} : memref<128x128xf32, #tpu.memory_space<vmem>>, vector<16xf32>,
        %get3A_942 = arith.index_cast %add3A_911 : i32 to index
        %get3A_943 = arith.constant 64 : index
        %get3A_944 = tpu.vector_load %arg15[%get3A_942, %get3A_943] {strides = array<i32>} : memref<128x128xf32, #tpu.memory_space<vmem>>, vector<16xf32>,
        %mul3A_945 = arith.mulf %get3A_944, %gather3A_913 : vector<16xf32>
        %swap3A_946 = arith.index_cast %add3A_911 : i32 to index
        %swap3A_947 = arith.constant 64 : index
        %swap3A_948 = tpu.vector_load %arg15[%swap3A_946, %swap3A_947] {strides = array<i32>} : memref<128x128xf32, #tpu.memory_space<vmem>>, vector<16xf32>,
        tpu.vector_store %arg15[%swap3A_946, %swap3A_947], %mul3A_945 {strides = array<i32>} : memref<128x128xf32, #tpu.memory_space<vmem>>, vector<16xf32>,
        %get3A_949 = arith.index_cast %add3A_911 : i32 to index
        %get3A_950 = arith.constant 80 : index
        %get3A_951 = tpu.vector_load %arg15[%get3A_949, %get3A_950] {strides = array<i32>} : memref<128x128xf32, #tpu.memory_space<vmem>>, vector<16xf32>,
        %mul3A_952 = arith.mulf %get3A_951, %gather3A_913 : vector<16xf32>
        %swap3A_953 = arith.index_cast %add3A_911 : i32 to index
        %swap3A_954 = arith.constant 80 : index
        %swap3A_955 = tpu.vector_load %arg15[%swap3A_953, %swap3A_954] {strides = array<i32>} : memref<128x128xf32, #tpu.memory_space<vmem>>, vector<16xf32>,
        tpu.vector_store %arg15[%swap3A_953, %swap3A_954], %mul3A_952 {strides = array<i32>} : memref<128x128xf32, #tpu.memory_space<vmem>>, vector<16xf32>,
        %get3A_956 = arith.index_cast %add3A_911 : i32 to index
        %get3A_957 = arith.constant 96 : index
        %get3A_958 = tpu.vector_load %arg15[%get3A_956, %get3A_957] {strides = array<i32>} : memref<128x128xf32, #tpu.memory_space<vmem>>, vector<16xf32>,
        %mul3A_959 = arith.mulf %get3A_958, %gather3A_913 : vector<16xf32>
        %swap3A_960 = arith.index_cast %add3A_911 : i32 to index
        %swap3A_961 = arith.constant 96 : index
        %swap3A_962 = tpu.vector_load %arg15[%swap3A_960, %swap3A_961] {strides = array<i32>} : memref<128x128xf32, #tpu.memory_space<vmem>>, vector<16xf32>,
        tpu.vector_store %arg15[%swap3A_960, %swap3A_961], %mul3A_959 {strides = array<i32>} : memref<128x128xf32, #tpu.memory_space<vmem>>, vector<16xf32>,
        %get3A_963 = arith.index_cast %add3A_911 : i32 to index
        %get3A_964 = arith.constant 112 : index
        %get3A_965 = tpu.vector_load %arg15[%get3A_963, %get3A_964] {strides = array<i32>} : memref<128x128xf32, #tpu.memory_space<vmem>>, vector<16xf32>,
        %mul3A_966 = arith.mulf %get3A_965, %gather3A_913 : vector<16xf32>
        %swap3A_967 = arith.index_cast %add3A_911 : i32 to index
        %swap3A_968 = arith.constant 112 : index
        %swap3A_969 = tpu.vector_load %arg15[%swap3A_967, %swap3A_968] {strides = array<i32>} : memref<128x128xf32, #tpu.memory_space<vmem>>, vector<16xf32>,
        tpu.vector_store %arg15[%swap3A_967, %swap3A_968], %mul3A_966 {strides = array<i32>} : memref<128x128xf32, #tpu.memory_space<vmem>>, vector<16xf32>,
        %mul3A_970 = arith.constant 16 : i32
        %mul3A_971 = arith.muli %scan3A_287, %mul3A_970 : i32
        %add3A_972 = arith.constant 11 : i32
        %add3A_973 = arith.addi %mul3A_971, %add3A_972 : i32
        %broadcast_in_dim3A_974 = vector.broadcast %add3A_973 : i32 to vector<16xi32>
        %gather3A_975 = tpu.vector_load_idx %arg14[%broadcast_in_dim3A_974] : memref<128xf32, #tpu.memory_space<vmem>>[vector<16xi32>], vector<16xf32>,
        %get3A_976 = arith.index_cast %add3A_973 : i32 to index
        %get3A_977 = arith.constant 0 : index
        %get3A_978 = tpu.vector_load %arg15[%get3A_976, %get3A_977] {strides = array<i32>} : memref<128x128xf32, #tpu.memory_space<vmem>>, vector<16xf32>,
        %mul3A_979 = arith.mulf %get3A_978, %gather3A_975 : vector<16xf32>
        %swap3A_980 = arith.index_cast %add3A_973 : i32 to index
        %swap3A_981 = arith.constant 0 : index
        %swap3A_982 = tpu.vector_load %arg15[%swap3A_980, %swap3A_981] {strides = array<i32>} : memref<128x128xf32, #tpu.memory_space<vmem>>, vector<16xf32>,
        tpu.vector_store %arg15[%swap3A_980, %swap3A_981], %mul3A_979 {strides = array<i32>} : memref<128x128xf32, #tpu.memory_space<vmem>>, vector<16xf32>,
        %get3A_983 = arith.index_cast %add3A_973 : i32 to index
        %get3A_984 = arith.constant 16 : index
        %get3A_985 = tpu.vector_load %arg15[%get3A_983, %get3A_984] {strides = array<i32>} : memref<128x128xf32, #tpu.memory_space<vmem>>, vector<16xf32>,
        %mul3A_986 = arith.mulf %get3A_985, %gather3A_975 : vector<16xf32>
        %swap3A_987 = arith.index_cast %add3A_973 : i32 to index
        %swap3A_988 = arith.constant 16 : index
        %swap3A_989 = tpu.vector_load %arg15[%swap3A_987, %swap3A_988] {strides = array<i32>} : memref<128x128xf32, #tpu.memory_space<vmem>>, vector<16xf32>,
        tpu.vector_store %arg15[%swap3A_987, %swap3A_988], %mul3A_986 {strides = array<i32>} : memref<128x128xf32, #tpu.memory_space<vmem>>, vector<16xf32>,
        %get3A_990 = arith.index_cast %add3A_973 : i32 to index
        %get3A_991 = arith.constant 32 : index
        %get3A_992 = tpu.vector_load %arg15[%get3A_990, %get3A_991] {strides = array<i32>} : memref<128x128xf32, #tpu.memory_space<vmem>>, vector<16xf32>,
        %mul3A_993 = arith.mulf %get3A_992, %gather3A_975 : vector<16xf32>
        %swap3A_994 = arith.index_cast %add3A_973 : i32 to index
        %swap3A_995 = arith.constant 32 : index
        %swap3A_996 = tpu.vector_load %arg15[%swap3A_994, %swap3A_995] {strides = array<i32>} : memref<128x128xf32, #tpu.memory_space<vmem>>, vector<16xf32>,
        tpu.vector_store %arg15[%swap3A_994, %swap3A_995], %mul3A_993 {strides = array<i32>} : memref<128x128xf32, #tpu.memory_space<vmem>>, vector<16xf32>,
        %get3A_997 = arith.index_cast %add3A_973 : i32 to index
        %get3A_998 = arith.constant 48 : index
        %get3A_999 = tpu.vector_load %arg15[%get3A_997, %get3A_998] {strides = array<i32>} : memref<128x128xf32, #tpu.memory_space<vmem>>, vector<16xf32>,
        %mul3A_1000 = arith.mulf %get3A_999, %gather3A_975 : vector<16xf32>
        %swap3A_1001 = arith.index_cast %add3A_973 : i32 to index
        %swap3A_1002 = arith.constant 48 : index
        %swap3A_1003 = tpu.vector_load %arg15[%swap3A_1001, %swap3A_1002] {strides = array<i32>} : memref<128x128xf32, #tpu.memory_space<vmem>>, vector<16xf32>,
        tpu.vector_store %arg15[%swap3A_1001, %swap3A_1002], %mul3A_1000 {strides = array<i32>} : memref<128x128xf32, #tpu.memory_space<vmem>>, vector<16xf32>,
        %get3A_1004 = arith.index_cast %add3A_973 : i32 to index
        %get3A_1005 = arith.constant 64 : index
        %get3A_1006 = tpu.vector_load %arg15[%get3A_1004, %get3A_1005] {strides = array<i32>} : memref<128x128xf32, #tpu.memory_space<vmem>>, vector<16xf32>,
        %mul3A_1007 = arith.mulf %get3A_1006, %gather3A_975 : vector<16xf32>
        %swap3A_1008 = arith.index_cast %add3A_973 : i32 to index
        %swap3A_1009 = arith.constant 64 : index
        %swap3A_1010 = tpu.vector_load %arg15[%swap3A_1008, %swap3A_1009] {strides = array<i32>} : memref<128x128xf32, #tpu.memory_space<vmem>>, vector<16xf32>,
        tpu.vector_store %arg15[%swap3A_1008, %swap3A_1009], %mul3A_1007 {strides = array<i32>} : memref<128x128xf32, #tpu.memory_space<vmem>>, vector<16xf32>,
        %get3A_1011 = arith.index_cast %add3A_973 : i32 to index
        %get3A_1012 = arith.constant 80 : index
        %get3A_1013 = tpu.vector_load %arg15[%get3A_1011, %get3A_1012] {strides = array<i32>} : memref<128x128xf32, #tpu.memory_space<vmem>>, vector<16xf32>,
        %mul3A_1014 = arith.mulf %get3A_1013, %gather3A_975 : vector<16xf32>
        %swap3A_1015 = arith.index_cast %add3A_973 : i32 to index
        %swap3A_1016 = arith.constant 80 : index
        %swap3A_1017 = tpu.vector_load %arg15[%swap3A_1015, %swap3A_1016] {strides = array<i32>} : memref<128x128xf32, #tpu.memory_space<vmem>>, vector<16xf32>,
        tpu.vector_store %arg15[%swap3A_1015, %swap3A_1016], %mul3A_1014 {strides = array<i32>} : memref<128x128xf32, #tpu.memory_space<vmem>>, vector<16xf32>,
        %get3A_1018 = arith.index_cast %add3A_973 : i32 to index
        %get3A_1019 = arith.constant 96 : index
        %get3A_1020 = tpu.vector_load %arg15[%get3A_1018, %get3A_1019] {strides = array<i32>} : memref<128x128xf32, #tpu.memory_space<vmem>>, vector<16xf32>,
        %mul3A_1021 = arith.mulf %get3A_1020, %gather3A_975 : vector<16xf32>
        %swap3A_1022 = arith.index_cast %add3A_973 : i32 to index
        %swap3A_1023 = arith.constant 96 : index
        %swap3A_1024 = tpu.vector_load %arg15[%swap3A_1022, %swap3A_1023] {strides = array<i32>} : memref<128x128xf32, #tpu.memory_space<vmem>>, vector<16xf32>,
        tpu.vector_store %arg15[%swap3A_1022, %swap3A_1023], %mul3A_1021 {strides = array<i32>} : memref<128x128xf32, #tpu.memory_space<vmem>>, vector<16xf32>,
        %get3A_1025 = arith.index_cast %add3A_973 : i32 to index
        %get3A_1026 = arith.constant 112 : index
        %get3A_1027 = tpu.vector_load %arg15[%get3A_1025, %get3A_1026] {strides = array<i32>} : memref<128x128xf32, #tpu.memory_space<vmem>>, vector<16xf32>,
        %mul3A_1028 = arith.mulf %get3A_1027, %gather3A_975 : vector<16xf32>
        %swap3A_1029 = arith.index_cast %add3A_973 : i32 to index
        %swap3A_1030 = arith.constant 112 : index
        %swap3A_1031 = tpu.vector_load %arg15[%swap3A_1029, %swap3A_1030] {strides = array<i32>} : memref<128x128xf32, #tpu.memory_space<vmem>>, vector<16xf32>,
        tpu.vector_store %arg15[%swap3A_1029, %swap3A_1030], %mul3A_1028 {strides = array<i32>} : memref<128x128xf32, #tpu.memory_space<vmem>>, vector<16xf32>,
        %mul3A_1032 = arith.constant 16 : i32
        %mul3A_1033 = arith.muli %scan3A_287, %mul3A_1032 : i32
        %add3A_1034 = arith.constant 12 : i32
        %add3A_1035 = arith.addi %mul3A_1033, %add3A_1034 : i32
        %broadcast_in_dim3A_1036 = vector.broadcast %add3A_1035 : i32 to vector<16xi32>
        %gather3A_1037 = tpu.vector_load_idx %arg14[%broadcast_in_dim3A_1036] : memref<128xf32, #tpu.memory_space<vmem>>[vector<16xi32>], vector<16xf32>,
        %get3A_1038 = arith.index_cast %add3A_1035 : i32 to index
        %get3A_1039 = arith.constant 0 : index
        %get3A_1040 = tpu.vector_load %arg15[%get3A_1038, %get3A_1039] {strides = array<i32>} : memref<128x128xf32, #tpu.memory_space<vmem>>, vector<16xf32>,
        %mul3A_1041 = arith.mulf %get3A_1040, %gather3A_1037 : vector<16xf32>
        %swap3A_1042 = arith.index_cast %add3A_1035 : i32 to index
        %swap3A_1043 = arith.constant 0 : index
        %swap3A_1044 = tpu.vector_load %arg15[%swap3A_1042, %swap3A_1043] {strides = array<i32>} : memref<128x128xf32, #tpu.memory_space<vmem>>, vector<16xf32>,
        tpu.vector_store %arg15[%swap3A_1042, %swap3A_1043], %mul3A_1041 {strides = array<i32>} : memref<128x128xf32, #tpu.memory_space<vmem>>, vector<16xf32>,
        %get3A_1045 = arith.index_cast %add3A_1035 : i32 to index
        %get3A_1046 = arith.constant 16 : index
        %get3A_1047 = tpu.vector_load %arg15[%get3A_1045, %get3A_1046] {strides = array<i32>} : memref<128x128xf32, #tpu.memory_space<vmem>>, vector<16xf32>,
        %mul3A_1048 = arith.mulf %get3A_1047, %gather3A_1037 : vector<16xf32>
        %swap3A_1049 = arith.index_cast %add3A_1035 : i32 to index
        %swap3A_1050 = arith.constant 16 : index
        %swap3A_1051 = tpu.vector_load %arg15[%swap3A_1049, %swap3A_1050] {strides = array<i32>} : memref<128x128xf32, #tpu.memory_space<vmem>>, vector<16xf32>,
        tpu.vector_store %arg15[%swap3A_1049, %swap3A_1050], %mul3A_1048 {strides = array<i32>} : memref<128x128xf32, #tpu.memory_space<vmem>>, vector<16xf32>,
        %get3A_1052 = arith.index_cast %add3A_1035 : i32 to index
        %get3A_1053 = arith.constant 32 : index
        %get3A_1054 = tpu.vector_load %arg15[%get3A_1052, %get3A_1053] {strides = array<i32>} : memref<128x128xf32, #tpu.memory_space<vmem>>, vector<16xf32>,
        %mul3A_1055 = arith.mulf %get3A_1054, %gather3A_1037 : vector<16xf32>
        %swap3A_1056 = arith.index_cast %add3A_1035 : i32 to index
        %swap3A_1057 = arith.constant 32 : index
        %swap3A_1058 = tpu.vector_load %arg15[%swap3A_1056, %swap3A_1057] {strides = array<i32>} : memref<128x128xf32, #tpu.memory_space<vmem>>, vector<16xf32>,
        tpu.vector_store %arg15[%swap3A_1056, %swap3A_1057], %mul3A_1055 {strides = array<i32>} : memref<128x128xf32, #tpu.memory_space<vmem>>, vector<16xf32>,
        %get3A_1059 = arith.index_cast %add3A_1035 : i32 to index
        %get3A_1060 = arith.constant 48 : index
        %get3A_1061 = tpu.vector_load %arg15[%get3A_1059, %get3A_1060] {strides = array<i32>} : memref<128x128xf32, #tpu.memory_space<vmem>>, vector<16xf32>,
        %mul3A_1062 = arith.mulf %get3A_1061, %gather3A_1037 : vector<16xf32>
        %swap3A_1063 = arith.index_cast %add3A_1035 : i32 to index
        %swap3A_1064 = arith.constant 48 : index
        %swap3A_1065 = tpu.vector_load %arg15[%swap3A_1063, %swap3A_1064] {strides = array<i32>} : memref<128x128xf32, #tpu.memory_space<vmem>>, vector<16xf32>,
        tpu.vector_store %arg15[%swap3A_1063, %swap3A_1064], %mul3A_1062 {strides = array<i32>} : memref<128x128xf32, #tpu.memory_space<vmem>>, vector<16xf32>,
        %get3A_1066 = arith.index_cast %add3A_1035 : i32 to index
        %get3A_1067 = arith.constant 64 : index
        %get3A_1068 = tpu.vector_load %arg15[%get3A_1066, %get3A_1067] {strides = array<i32>} : memref<128x128xf32, #tpu.memory_space<vmem>>, vector<16xf32>,
        %mul3A_1069 = arith.mulf %get3A_1068, %gather3A_1037 : vector<16xf32>
        %swap3A_1070 = arith.index_cast %add3A_1035 : i32 to index
        %swap3A_1071 = arith.constant 64 : index
        %swap3A_1072 = tpu.vector_load %arg15[%swap3A_1070, %swap3A_1071] {strides = array<i32>} : memref<128x128xf32, #tpu.memory_space<vmem>>, vector<16xf32>,
        tpu.vector_store %arg15[%swap3A_1070, %swap3A_1071], %mul3A_1069 {strides = array<i32>} : memref<128x128xf32, #tpu.memory_space<vmem>>, vector<16xf32>,
        %get3A_1073 = arith.index_cast %add3A_1035 : i32 to index
        %get3A_1074 = arith.constant 80 : index
        %get3A_1075 = tpu.vector_load %arg15[%get3A_1073, %get3A_1074] {strides = array<i32>} : memref<128x128xf32, #tpu.memory_space<vmem>>, vector<16xf32>,
        %mul3A_1076 = arith.mulf %get3A_1075, %gather3A_1037 : vector<16xf32>
        %swap3A_1077 = arith.index_cast %add3A_1035 : i32 to index
        %swap3A_1078 = arith.constant 80 : index
        %swap3A_1079 = tpu.vector_load %arg15[%swap3A_1077, %swap3A_1078] {strides = array<i32>} : memref<128x128xf32, #tpu.memory_space<vmem>>, vector<16xf32>,
        tpu.vector_store %arg15[%swap3A_1077, %swap3A_1078], %mul3A_1076 {strides = array<i32>} : memref<128x128xf32, #tpu.memory_space<vmem>>, vector<16xf32>,
        %get3A_1080 = arith.index_cast %add3A_1035 : i32 to index
        %get3A_1081 = arith.constant 96 : index
        %get3A_1082 = tpu.vector_load %arg15[%get3A_1080, %get3A_1081] {strides = array<i32>} : memref<128x128xf32, #tpu.memory_space<vmem>>, vector<16xf32>,
        %mul3A_1083 = arith.mulf %get3A_1082, %gather3A_1037 : vector<16xf32>
        %swap3A_1084 = arith.index_cast %add3A_1035 : i32 to index
        %swap3A_1085 = arith.constant 96 : index
        %swap3A_1086 = tpu.vector_load %arg15[%swap3A_1084, %swap3A_1085] {strides = array<i32>} : memref<128x128xf32, #tpu.memory_space<vmem>>, vector<16xf32>,
        tpu.vector_store %arg15[%swap3A_1084, %swap3A_1085], %mul3A_1083 {strides = array<i32>} : memref<128x128xf32, #tpu.memory_space<vmem>>, vector<16xf32>,
        %get3A_1087 = arith.index_cast %add3A_1035 : i32 to index
        %get3A_1088 = arith.constant 112 : index
        %get3A_1089 = tpu.vector_load %arg15[%get3A_1087, %get3A_1088] {strides = array<i32>} : memref<128x128xf32, #tpu.memory_space<vmem>>, vector<16xf32>,
        %mul3A_1090 = arith.mulf %get3A_1089, %gather3A_1037 : vector<16xf32>
        %swap3A_1091 = arith.index_cast %add3A_1035 : i32 to index
        %swap3A_1092 = arith.constant 112 : index
        %swap3A_1093 = tpu.vector_load %arg15[%swap3A_1091, %swap3A_1092] {strides = array<i32>} : memref<128x128xf32, #tpu.memory_space<vmem>>, vector<16xf32>,
        tpu.vector_store %arg15[%swap3A_1091, %swap3A_1092], %mul3A_1090 {strides = array<i32>} : memref<128x128xf32, #tpu.memory_space<vmem>>, vector<16xf32>,
        %mul3A_1094 = arith.constant 16 : i32
        %mul3A_1095 = arith.muli %scan3A_287, %mul3A_1094 : i32
        %add3A_1096 = arith.constant 13 : i32
        %add3A_1097 = arith.addi %mul3A_1095, %add3A_1096 : i32
        %broadcast_in_dim3A_1098 = vector.broadcast %add3A_1097 : i32 to vector<16xi32>
        %gather3A_1099 = tpu.vector_load_idx %arg14[%broadcast_in_dim3A_1098] : memref<128xf32, #tpu.memory_space<vmem>>[vector<16xi32>], vector<16xf32>,
        %get3A_1100 = arith.index_cast %add3A_1097 : i32 to index
        %get3A_1101 = arith.constant 0 : index
        %get3A_1102 = tpu.vector_load %arg15[%get3A_1100, %get3A_1101] {strides = array<i32>} : memref<128x128xf32, #tpu.memory_space<vmem>>, vector<16xf32>,
        %mul3A_1103 = arith.mulf %get3A_1102, %gather3A_1099 : vector<16xf32>
        %swap3A_1104 = arith.index_cast %add3A_1097 : i32 to index
        %swap3A_1105 = arith.constant 0 : index
        %swap3A_1106 = tpu.vector_load %arg15[%swap3A_1104, %swap3A_1105] {strides = array<i32>} : memref<128x128xf32, #tpu.memory_space<vmem>>, vector<16xf32>,
        tpu.vector_store %arg15[%swap3A_1104, %swap3A_1105], %mul3A_1103 {strides = array<i32>} : memref<128x128xf32, #tpu.memory_space<vmem>>, vector<16xf32>,
        %get3A_1107 = arith.index_cast %add3A_1097 : i32 to index
        %get3A_1108 = arith.constant 16 : index
        %get3A_1109 = tpu.vector_load %arg15[%get3A_1107, %get3A_1108] {strides = array<i32>} : memref<128x128xf32, #tpu.memory_space<vmem>>, vector<16xf32>,
        %mul3A_1110 = arith.mulf %get3A_1109, %gather3A_1099 : vector<16xf32>
        %swap3A_1111 = arith.index_cast %add3A_1097 : i32 to index
        %swap3A_1112 = arith.constant 16 : index
        %swap3A_1113 = tpu.vector_load %arg15[%swap3A_1111, %swap3A_1112] {strides = array<i32>} : memref<128x128xf32, #tpu.memory_space<vmem>>, vector<16xf32>,
        tpu.vector_store %arg15[%swap3A_1111, %swap3A_1112], %mul3A_1110 {strides = array<i32>} : memref<128x128xf32, #tpu.memory_space<vmem>>, vector<16xf32>,
        %get3A_1114 = arith.index_cast %add3A_1097 : i32 to index
        %get3A_1115 = arith.constant 32 : index
        %get3A_1116 = tpu.vector_load %arg15[%get3A_1114, %get3A_1115] {strides = array<i32>} : memref<128x128xf32, #tpu.memory_space<vmem>>, vector<16xf32>,
        %mul3A_1117 = arith.mulf %get3A_1116, %gather3A_1099 : vector<16xf32>
        %swap3A_1118 = arith.index_cast %add3A_1097 : i32 to index
        %swap3A_1119 = arith.constant 32 : index
        %swap3A_1120 = tpu.vector_load %arg15[%swap3A_1118, %swap3A_1119] {strides = array<i32>} : memref<128x128xf32, #tpu.memory_space<vmem>>, vector<16xf32>,
        tpu.vector_store %arg15[%swap3A_1118, %swap3A_1119], %mul3A_1117 {strides = array<i32>} : memref<128x128xf32, #tpu.memory_space<vmem>>, vector<16xf32>,
        %get3A_1121 = arith.index_cast %add3A_1097 : i32 to index
        %get3A_1122 = arith.constant 48 : index
        %get3A_1123 = tpu.vector_load %arg15[%get3A_1121, %get3A_1122] {strides = array<i32>} : memref<128x128xf32, #tpu.memory_space<vmem>>, vector<16xf32>,
        %mul3A_1124 = arith.mulf %get3A_1123, %gather3A_1099 : vector<16xf32>
        %swap3A_1125 = arith.index_cast %add3A_1097 : i32 to index
        %swap3A_1126 = arith.constant 48 : index
        %swap3A_1127 = tpu.vector_load %arg15[%swap3A_1125, %swap3A_1126] {strides = array<i32>} : memref<128x128xf32, #tpu.memory_space<vmem>>, vector<16xf32>,
        tpu.vector_store %arg15[%swap3A_1125, %swap3A_1126], %mul3A_1124 {strides = array<i32>} : memref<128x128xf32, #tpu.memory_space<vmem>>, vector<16xf32>,
        %get3A_1128 = arith.index_cast %add3A_1097 : i32 to index
        %get3A_1129 = arith.constant 64 : index
        %get3A_1130 = tpu.vector_load %arg15[%get3A_1128, %get3A_1129] {strides = array<i32>} : memref<128x128xf32, #tpu.memory_space<vmem>>, vector<16xf32>,
        %mul3A_1131 = arith.mulf %get3A_1130, %gather3A_1099 : vector<16xf32>
        %swap3A_1132 = arith.index_cast %add3A_1097 : i32 to index
        %swap3A_1133 = arith.constant 64 : index
        %swap3A_1134 = tpu.vector_load %arg15[%swap3A_1132, %swap3A_1133] {strides = array<i32>} : memref<128x128xf32, #tpu.memory_space<vmem>>, vector<16xf32>,
        tpu.vector_store %arg15[%swap3A_1132, %swap3A_1133], %mul3A_1131 {strides = array<i32>} : memref<128x128xf32, #tpu.memory_space<vmem>>, vector<16xf32>,
        %get3A_1135 = arith.index_cast %add3A_1097 : i32 to index
        %get3A_1136 = arith.constant 80 : index
        %get3A_1137 = tpu.vector_load %arg15[%get3A_1135, %get3A_1136] {strides = array<i32>} : memref<128x128xf32, #tpu.memory_space<vmem>>, vector<16xf32>,
        %mul3A_1138 = arith.mulf %get3A_1137, %gather3A_1099 : vector<16xf32>
        %swap3A_1139 = arith.index_cast %add3A_1097 : i32 to index
        %swap3A_1140 = arith.constant 80 : index
        %swap3A_1141 = tpu.vector_load %arg15[%swap3A_1139, %swap3A_1140] {strides = array<i32>} : memref<128x128xf32, #tpu.memory_space<vmem>>, vector<16xf32>,
        tpu.vector_store %arg15[%swap3A_1139, %swap3A_1140], %mul3A_1138 {strides = array<i32>} : memref<128x128xf32, #tpu.memory_space<vmem>>, vector<16xf32>,
        %get3A_1142 = arith.index_cast %add3A_1097 : i32 to index
        %get3A_1143 = arith.constant 96 : index
        %get3A_1144 = tpu.vector_load %arg15[%get3A_1142, %get3A_1143] {strides = array<i32>} : memref<128x128xf32, #tpu.memory_space<vmem>>, vector<16xf32>,
        %mul3A_1145 = arith.mulf %get3A_1144, %gather3A_1099 : vector<16xf32>
        %swap3A_1146 = arith.index_cast %add3A_1097 : i32 to index
        %swap3A_1147 = arith.constant 96 : index
        %swap3A_1148 = tpu.vector_load %arg15[%swap3A_1146, %swap3A_1147] {strides = array<i32>} : memref<128x128xf32, #tpu.memory_space<vmem>>, vector<16xf32>,
        tpu.vector_store %arg15[%swap3A_1146, %swap3A_1147], %mul3A_1145 {strides = array<i32>} : memref<128x128xf32, #tpu.memory_space<vmem>>, vector<16xf32>,
        %get3A_1149 = arith.index_cast %add3A_1097 : i32 to index
        %get3A_1150 = arith.constant 112 : index
        %get3A_1151 = tpu.vector_load %arg15[%get3A_1149, %get3A_1150] {strides = array<i32>} : memref<128x128xf32, #tpu.memory_space<vmem>>, vector<16xf32>,
        %mul3A_1152 = arith.mulf %get3A_1151, %gather3A_1099 : vector<16xf32>
        %swap3A_1153 = arith.index_cast %add3A_1097 : i32 to index
        %swap3A_1154 = arith.constant 112 : index
        %swap3A_1155 = tpu.vector_load %arg15[%swap3A_1153, %swap3A_1154] {strides = array<i32>} : memref<128x128xf32, #tpu.memory_space<vmem>>, vector<16xf32>,
        tpu.vector_store %arg15[%swap3A_1153, %swap3A_1154], %mul3A_1152 {strides = array<i32>} : memref<128x128xf32, #tpu.memory_space<vmem>>, vector<16xf32>,
        %mul3A_1156 = arith.constant 16 : i32
        %mul3A_1157 = arith.muli %scan3A_287, %mul3A_1156 : i32
        %add3A_1158 = arith.constant 14 : i32
        %add3A_1159 = arith.addi %mul3A_1157, %add3A_1158 : i32
        %broadcast_in_dim3A_1160 = vector.broadcast %add3A_1159 : i32 to vector<16xi32>
        %gather3A_1161 = tpu.vector_load_idx %arg14[%broadcast_in_dim3A_1160] : memref<128xf32, #tpu.memory_space<vmem>>[vector<16xi32>], vector<16xf32>,
        %get3A_1162 = arith.index_cast %add3A_1159 : i32 to index
        %get3A_1163 = arith.constant 0 : index
        %get3A_1164 = tpu.vector_load %arg15[%get3A_1162, %get3A_1163] {strides = array<i32>} : memref<128x128xf32, #tpu.memory_space<vmem>>, vector<16xf32>,
        %mul3A_1165 = arith.mulf %get3A_1164, %gather3A_1161 : vector<16xf32>
        %swap3A_1166 = arith.index_cast %add3A_1159 : i32 to index
        %swap3A_1167 = arith.constant 0 : index
        %swap3A_1168 = tpu.vector_load %arg15[%swap3A_1166, %swap3A_1167] {strides = array<i32>} : memref<128x128xf32, #tpu.memory_space<vmem>>, vector<16xf32>,
        tpu.vector_store %arg15[%swap3A_1166, %swap3A_1167], %mul3A_1165 {strides = array<i32>} : memref<128x128xf32, #tpu.memory_space<vmem>>, vector<16xf32>,
        %get3A_1169 = arith.index_cast %add3A_1159 : i32 to index
        %get3A_1170 = arith.constant 16 : index
        %get3A_1171 = tpu.vector_load %arg15[%get3A_1169, %get3A_1170] {strides = array<i32>} : memref<128x128xf32, #tpu.memory_space<vmem>>, vector<16xf32>,
        %mul3A_1172 = arith.mulf %get3A_1171, %gather3A_1161 : vector<16xf32>
        %swap3A_1173 = arith.index_cast %add3A_1159 : i32 to index
        %swap3A_1174 = arith.constant 16 : index
        %swap3A_1175 = tpu.vector_load %arg15[%swap3A_1173, %swap3A_1174] {strides = array<i32>} : memref<128x128xf32, #tpu.memory_space<vmem>>, vector<16xf32>,
        tpu.vector_store %arg15[%swap3A_1173, %swap3A_1174], %mul3A_1172 {strides = array<i32>} : memref<128x128xf32, #tpu.memory_space<vmem>>, vector<16xf32>,
        %get3A_1176 = arith.index_cast %add3A_1159 : i32 to index
        %get3A_1177 = arith.constant 32 : index
        %get3A_1178 = tpu.vector_load %arg15[%get3A_1176, %get3A_1177] {strides = array<i32>} : memref<128x128xf32, #tpu.memory_space<vmem>>, vector<16xf32>,
        %mul3A_1179 = arith.mulf %get3A_1178, %gather3A_1161 : vector<16xf32>
        %swap3A_1180 = arith.index_cast %add3A_1159 : i32 to index
        %swap3A_1181 = arith.constant 32 : index
        %swap3A_1182 = tpu.vector_load %arg15[%swap3A_1180, %swap3A_1181] {strides = array<i32>} : memref<128x128xf32, #tpu.memory_space<vmem>>, vector<16xf32>,
        tpu.vector_store %arg15[%swap3A_1180, %swap3A_1181], %mul3A_1179 {strides = array<i32>} : memref<128x128xf32, #tpu.memory_space<vmem>>, vector<16xf32>,
        %get3A_1183 = arith.index_cast %add3A_1159 : i32 to index
        %get3A_1184 = arith.constant 48 : index
        %get3A_1185 = tpu.vector_load %arg15[%get3A_1183, %get3A_1184] {strides = array<i32>} : memref<128x128xf32, #tpu.memory_space<vmem>>, vector<16xf32>,
        %mul3A_1186 = arith.mulf %get3A_1185, %gather3A_1161 : vector<16xf32>
        %swap3A_1187 = arith.index_cast %add3A_1159 : i32 to index
        %swap3A_1188 = arith.constant 48 : index
        %swap3A_1189 = tpu.vector_load %arg15[%swap3A_1187, %swap3A_1188] {strides = array<i32>} : memref<128x128xf32, #tpu.memory_space<vmem>>, vector<16xf32>,
        tpu.vector_store %arg15[%swap3A_1187, %swap3A_1188], %mul3A_1186 {strides = array<i32>} : memref<128x128xf32, #tpu.memory_space<vmem>>, vector<16xf32>,
        %get3A_1190 = arith.index_cast %add3A_1159 : i32 to index
        %get3A_1191 = arith.constant 64 : index
        %get3A_1192 = tpu.vector_load %arg15[%get3A_1190, %get3A_1191] {strides = array<i32>} : memref<128x128xf32, #tpu.memory_space<vmem>>, vector<16xf32>,
        %mul3A_1193 = arith.mulf %get3A_1192, %gather3A_1161 : vector<16xf32>
        %swap3A_1194 = arith.index_cast %add3A_1159 : i32 to index
        %swap3A_1195 = arith.constant 64 : index
        %swap3A_1196 = tpu.vector_load %arg15[%swap3A_1194, %swap3A_1195] {strides = array<i32>} : memref<128x128xf32, #tpu.memory_space<vmem>>, vector<16xf32>,
        tpu.vector_store %arg15[%swap3A_1194, %swap3A_1195], %mul3A_1193 {strides = array<i32>} : memref<128x128xf32, #tpu.memory_space<vmem>>, vector<16xf32>,
        %get3A_1197 = arith.index_cast %add3A_1159 : i32 to index
        %get3A_1198 = arith.constant 80 : index
        %get3A_1199 = tpu.vector_load %arg15[%get3A_1197, %get3A_1198] {strides = array<i32>} : memref<128x128xf32, #tpu.memory_space<vmem>>, vector<16xf32>,
        %mul3A_1200 = arith.mulf %get3A_1199, %gather3A_1161 : vector<16xf32>
        %swap3A_1201 = arith.index_cast %add3A_1159 : i32 to index
        %swap3A_1202 = arith.constant 80 : index
        %swap3A_1203 = tpu.vector_load %arg15[%swap3A_1201, %swap3A_1202] {strides = array<i32>} : memref<128x128xf32, #tpu.memory_space<vmem>>, vector<16xf32>,
        tpu.vector_store %arg15[%swap3A_1201, %swap3A_1202], %mul3A_1200 {strides = array<i32>} : memref<128x128xf32, #tpu.memory_space<vmem>>, vector<16xf32>,
        %get3A_1204 = arith.index_cast %add3A_1159 : i32 to index
        %get3A_1205 = arith.constant 96 : index
        %get3A_1206 = tpu.vector_load %arg15[%get3A_1204, %get3A_1205] {strides = array<i32>} : memref<128x128xf32, #tpu.memory_space<vmem>>, vector<16xf32>,
        %mul3A_1207 = arith.mulf %get3A_1206, %gather3A_1161 : vector<16xf32>
        %swap3A_1208 = arith.index_cast %add3A_1159 : i32 to index
        %swap3A_1209 = arith.constant 96 : index
        %swap3A_1210 = tpu.vector_load %arg15[%swap3A_1208, %swap3A_1209] {strides = array<i32>} : memref<128x128xf32, #tpu.memory_space<vmem>>, vector<16xf32>,
        tpu.vector_store %arg15[%swap3A_1208, %swap3A_1209], %mul3A_1207 {strides = array<i32>} : memref<128x128xf32, #tpu.memory_space<vmem>>, vector<16xf32>,
        %get3A_1211 = arith.index_cast %add3A_1159 : i32 to index
        %get3A_1212 = arith.constant 112 : index
        %get3A_1213 = tpu.vector_load %arg15[%get3A_1211, %get3A_1212] {strides = array<i32>} : memref<128x128xf32, #tpu.memory_space<vmem>>, vector<16xf32>,
        %mul3A_1214 = arith.mulf %get3A_1213, %gather3A_1161 : vector<16xf32>
        %swap3A_1215 = arith.index_cast %add3A_1159 : i32 to index
        %swap3A_1216 = arith.constant 112 : index
        %swap3A_1217 = tpu.vector_load %arg15[%swap3A_1215, %swap3A_1216] {strides = array<i32>} : memref<128x128xf32, #tpu.memory_space<vmem>>, vector<16xf32>,
        tpu.vector_store %arg15[%swap3A_1215, %swap3A_1216], %mul3A_1214 {strides = array<i32>} : memref<128x128xf32, #tpu.memory_space<vmem>>, vector<16xf32>,
        %mul3A_1218 = arith.constant 16 : i32
        %mul3A_1219 = arith.muli %scan3A_287, %mul3A_1218 : i32
        %add3A_1220 = arith.constant 15 : i32
        %add3A_1221 = arith.addi %mul3A_1219, %add3A_1220 : i32
        %broadcast_in_dim3A_1222 = vector.broadcast %add3A_1221 : i32 to vector<16xi32>
        %gather3A_1223 = tpu.vector_load_idx %arg14[%broadcast_in_dim3A_1222] : memref<128xf32, #tpu.memory_space<vmem>>[vector<16xi32>], vector<16xf32>,
        %get3A_1224 = arith.index_cast %add3A_1221 : i32 to index
        %get3A_1225 = arith.constant 0 : index
        %get3A_1226 = tpu.vector_load %arg15[%get3A_1224, %get3A_1225] {strides = array<i32>} : memref<128x128xf32, #tpu.memory_space<vmem>>, vector<16xf32>,
        %mul3A_1227 = arith.mulf %get3A_1226, %gather3A_1223 : vector<16xf32>
        %swap3A_1228 = arith.index_cast %add3A_1221 : i32 to index
        %swap3A_1229 = arith.constant 0 : index
        %swap3A_1230 = tpu.vector_load %arg15[%swap3A_1228, %swap3A_1229] {strides = array<i32>} : memref<128x128xf32, #tpu.memory_space<vmem>>, vector<16xf32>,
        tpu.vector_store %arg15[%swap3A_1228, %swap3A_1229], %mul3A_1227 {strides = array<i32>} : memref<128x128xf32, #tpu.memory_space<vmem>>, vector<16xf32>,
        %get3A_1231 = arith.index_cast %add3A_1221 : i32 to index
        %get3A_1232 = arith.constant 16 : index
        %get3A_1233 = tpu.vector_load %arg15[%get3A_1231, %get3A_1232] {strides = array<i32>} : memref<128x128xf32, #tpu.memory_space<vmem>>, vector<16xf32>,
        %mul3A_1234 = arith.mulf %get3A_1233, %gather3A_1223 : vector<16xf32>
        %swap3A_1235 = arith.index_cast %add3A_1221 : i32 to index
        %swap3A_1236 = arith.constant 16 : index
        %swap3A_1237 = tpu.vector_load %arg15[%swap3A_1235, %swap3A_1236] {strides = array<i32>} : memref<128x128xf32, #tpu.memory_space<vmem>>, vector<16xf32>,
        tpu.vector_store %arg15[%swap3A_1235, %swap3A_1236], %mul3A_1234 {strides = array<i32>} : memref<128x128xf32, #tpu.memory_space<vmem>>, vector<16xf32>,
        %get3A_1238 = arith.index_cast %add3A_1221 : i32 to index
        %get3A_1239 = arith.constant 32 : index
        %get3A_1240 = tpu.vector_load %arg15[%get3A_1238, %get3A_1239] {strides = array<i32>} : memref<128x128xf32, #tpu.memory_space<vmem>>, vector<16xf32>,
        %mul3A_1241 = arith.mulf %get3A_1240, %gather3A_1223 : vector<16xf32>
        %swap3A_1242 = arith.index_cast %add3A_1221 : i32 to index
        %swap3A_1243 = arith.constant 32 : index
        %swap3A_1244 = tpu.vector_load %arg15[%swap3A_1242, %swap3A_1243] {strides = array<i32>} : memref<128x128xf32, #tpu.memory_space<vmem>>, vector<16xf32>,
        tpu.vector_store %arg15[%swap3A_1242, %swap3A_1243], %mul3A_1241 {strides = array<i32>} : memref<128x128xf32, #tpu.memory_space<vmem>>, vector<16xf32>,
        %get3A_1245 = arith.index_cast %add3A_1221 : i32 to index
        %get3A_1246 = arith.constant 48 : index
        %get3A_1247 = tpu.vector_load %arg15[%get3A_1245, %get3A_1246] {strides = array<i32>} : memref<128x128xf32, #tpu.memory_space<vmem>>, vector<16xf32>,
        %mul3A_1248 = arith.mulf %get3A_1247, %gather3A_1223 : vector<16xf32>
        %swap3A_1249 = arith.index_cast %add3A_1221 : i32 to index
        %swap3A_1250 = arith.constant 48 : index
        %swap3A_1251 = tpu.vector_load %arg15[%swap3A_1249, %swap3A_1250] {strides = array<i32>} : memref<128x128xf32, #tpu.memory_space<vmem>>, vector<16xf32>,
        tpu.vector_store %arg15[%swap3A_1249, %swap3A_1250], %mul3A_1248 {strides = array<i32>} : memref<128x128xf32, #tpu.memory_space<vmem>>, vector<16xf32>,
        %get3A_1252 = arith.index_cast %add3A_1221 : i32 to index
        %get3A_1253 = arith.constant 64 : index
        %get3A_1254 = tpu.vector_load %arg15[%get3A_1252, %get3A_1253] {strides = array<i32>} : memref<128x128xf32, #tpu.memory_space<vmem>>, vector<16xf32>,
        %mul3A_1255 = arith.mulf %get3A_1254, %gather3A_1223 : vector<16xf32>
        %swap3A_1256 = arith.index_cast %add3A_1221 : i32 to index
        %swap3A_1257 = arith.constant 64 : index
        %swap3A_1258 = tpu.vector_load %arg15[%swap3A_1256, %swap3A_1257] {strides = array<i32>} : memref<128x128xf32, #tpu.memory_space<vmem>>, vector<16xf32>,
        tpu.vector_store %arg15[%swap3A_1256, %swap3A_1257], %mul3A_1255 {strides = array<i32>} : memref<128x128xf32, #tpu.memory_space<vmem>>, vector<16xf32>,
        %get3A_1259 = arith.index_cast %add3A_1221 : i32 to index
        %get3A_1260 = arith.constant 80 : index
        %get3A_1261 = tpu.vector_load %arg15[%get3A_1259, %get3A_1260] {strides = array<i32>} : memref<128x128xf32, #tpu.memory_space<vmem>>, vector<16xf32>,
        %mul3A_1262 = arith.mulf %get3A_1261, %gather3A_1223 : vector<16xf32>
        %swap3A_1263 = arith.index_cast %add3A_1221 : i32 to index
        %swap3A_1264 = arith.constant 80 : index
        %swap3A_1265 = tpu.vector_load %arg15[%swap3A_1263, %swap3A_1264] {strides = array<i32>} : memref<128x128xf32, #tpu.memory_space<vmem>>, vector<16xf32>,
        tpu.vector_store %arg15[%swap3A_1263, %swap3A_1264], %mul3A_1262 {strides = array<i32>} : memref<128x128xf32, #tpu.memory_space<vmem>>, vector<16xf32>,
        %get3A_1266 = arith.index_cast %add3A_1221 : i32 to index
        %get3A_1267 = arith.constant 96 : index
        %get3A_1268 = tpu.vector_load %arg15[%get3A_1266, %get3A_1267] {strides = array<i32>} : memref<128x128xf32, #tpu.memory_space<vmem>>, vector<16xf32>,
        %mul3A_1269 = arith.mulf %get3A_1268, %gather3A_1223 : vector<16xf32>
        %swap3A_1270 = arith.index_cast %add3A_1221 : i32 to index
        %swap3A_1271 = arith.constant 96 : index
        %swap3A_1272 = tpu.vector_load %arg15[%swap3A_1270, %swap3A_1271] {strides = array<i32>} : memref<128x128xf32, #tpu.memory_space<vmem>>, vector<16xf32>,
        tpu.vector_store %arg15[%swap3A_1270, %swap3A_1271], %mul3A_1269 {strides = array<i32>} : memref<128x128xf32, #tpu.memory_space<vmem>>, vector<16xf32>,
        %get3A_1273 = arith.index_cast %add3A_1221 : i32 to index
        %get3A_1274 = arith.constant 112 : index
        %get3A_1275 = tpu.vector_load %arg15[%get3A_1273, %get3A_1274] {strides = array<i32>} : memref<128x128xf32, #tpu.memory_space<vmem>>, vector<16xf32>,
        %mul3A_1276 = arith.mulf %get3A_1275, %gather3A_1223 : vector<16xf32>
        %swap3A_1277 = arith.index_cast %add3A_1221 : i32 to index
        %swap3A_1278 = arith.constant 112 : index
        %swap3A_1279 = tpu.vector_load %arg15[%swap3A_1277, %swap3A_1278] {strides = array<i32>} : memref<128x128xf32, #tpu.memory_space<vmem>>, vector<16xf32>,
        tpu.vector_store %arg15[%swap3A_1277, %swap3A_1278], %mul3A_1276 {strides = array<i32>} : memref<128x128xf32, #tpu.memory_space<vmem>>, vector<16xf32>,
      }
      %scan3A_285 = arith.constant 8 : i32
      %run_scoped3A = arith.constant 1 : i32
      "tpu.region"() ({
        %run_scoped3A_287 = tpu.sem_alloc : memref<!tpu.dma_semaphore, #tpu.memory_space<semaphore_mem>>
        %dma_start3A_288 = arith.constant 0 : i32
        %dma_start3A_289 = tpu.memref_slice %arg13[%run_scoped3A, %dma_start3A_288] : memref<3x128xi32, #tpu.memory_space<vmem>> -> memref<1x128xi32, #tpu.memory_space<vmem>>
        %dma_start3A_290 = tpu.memref_squeeze %dma_start3A_289 : memref<1x128xi32, #tpu.memory_space<vmem>> -> memref<128xi32, #tpu.memory_space<vmem>>
        %dma_start3A_291 = arith.constant 0 : i32
        %dma_start3A_292 = arith.constant 0 : i32
        %dma_start3A_293 = tpu.memref_slice %arg19[%dma_start3A_291, %dma_start3A_292] : memref<10240x128xf32, #tpu.memory_space<vmem_shared>> -> memref<10240x128xf32, #tpu.memory_space<vmem_shared>>
        tpu.enqueue_indirect_dma source(%arg15 : memref<128x128xf32, #tpu.memory_space<vmem>>) target(%dma_start3A_293 : memref<10240x128xf32, #tpu.memory_space<vmem_shared>>) offsets(%dma_start3A_290 : memref<128xi32, #tpu.memory_space<vmem>>) semaphore(%run_scoped3A_287 : memref<!tpu.dma_semaphore, #tpu.memory_space<semaphore_mem>>) {add = true}
        %dma_wait3A_294 = arith.constant 0 : i32
        %dma_wait3A_295 = tpu.memref_slice %arg13[%run_scoped3A, %dma_wait3A_294] : memref<3x128xi32, #tpu.memory_space<vmem>> -> memref<1x128xi32, #tpu.memory_space<vmem>>
        %dma_wait3A_296 = tpu.memref_squeeze %dma_wait3A_295 : memref<1x128xi32, #tpu.memory_space<vmem>> -> memref<128xi32, #tpu.memory_space<vmem>>
        %dma_wait3A_297 = arith.constant 0 : i32
        %dma_wait3A_298 = arith.constant 0 : i32
        %dma_wait3A_299 = tpu.memref_slice %arg19[%dma_wait3A_297, %dma_wait3A_298] : memref<10240x128xf32, #tpu.memory_space<vmem_shared>> -> memref<10240x128xf32, #tpu.memory_space<vmem_shared>>
        tpu.wait_indirect_dma semaphore(%run_scoped3A_287 : memref<!tpu.dma_semaphore, #tpu.memory_space<semaphore_mem>>) src(%arg15 : memref<128x128xf32, #tpu.memory_space<vmem>>) dst(%dma_wait3A_299 : memref<10240x128xf32, #tpu.memory_space<vmem_shared>>)
        tpu.yield
      }) : () -> ()
      %run_scoped3A_286 = arith.constant 1 : i32
      "tpu.region"() ({
        %run_scoped3A_287 = tpu.sem_alloc : memref<!tpu.dma_semaphore, #tpu.memory_space<semaphore_mem>>
        %dma_start3A_288 = arith.constant 0 : i32
        %dma_start3A_289 = tpu.memref_slice %arg13[%run_scoped3A_286, %dma_start3A_288] : memref<3x128xi32, #tpu.memory_space<vmem>> -> memref<1x128xi32, #tpu.memory_space<vmem>>
        %dma_start3A_290 = tpu.memref_squeeze %dma_start3A_289 : memref<1x128xi32, #tpu.memory_space<vmem>> -> memref<128xi32, #tpu.memory_space<vmem>>
        %dma_start3A_291 = arith.constant 0 : i32
        %dma_start3A_292 = tpu.memref_slice %arg20[%dma_start3A_291] : memref<10240xf32, #tpu.memory_space<vmem_shared>> -> memref<10240xf32, #tpu.memory_space<vmem_shared>>
        tpu.enqueue_indirect_dma source(%arg14 : memref<128xf32, #tpu.memory_space<vmem>>) target(%dma_start3A_292 : memref<10240xf32, #tpu.memory_space<vmem_shared>>) offsets(%dma_start3A_290 : memref<128xi32, #tpu.memory_space<vmem>>) semaphore(%run_scoped3A_287 : memref<!tpu.dma_semaphore, #tpu.memory_space<semaphore_mem>>) {add = true}
        %dma_wait3A_293 = arith.constant 0 : i32
        %dma_wait3A_294 = tpu.memref_slice %arg13[%run_scoped3A_286, %dma_wait3A_293] : memref<3x128xi32, #tpu.memory_space<vmem>> -> memref<1x128xi32, #tpu.memory_space<vmem>>
        %dma_wait3A_295 = tpu.memref_squeeze %dma_wait3A_294 : memref<1x128xi32, #tpu.memory_space<vmem>> -> memref<128xi32, #tpu.memory_space<vmem>>
        %dma_wait3A_296 = arith.constant 0 : i32
        %dma_wait3A_297 = tpu.memref_slice %arg20[%dma_wait3A_296] : memref<10240xf32, #tpu.memory_space<vmem_shared>> -> memref<10240xf32, #tpu.memory_space<vmem_shared>>
        tpu.wait_indirect_dma semaphore(%run_scoped3A_287 : memref<!tpu.dma_semaphore, #tpu.memory_space<semaphore_mem>>) src(%arg14 : memref<128xf32, #tpu.memory_space<vmem>>) dst(%dma_wait3A_297 : memref<10240xf32, #tpu.memory_space<vmem_shared>>)
        tpu.yield
      }) : () -> ()
    }
    %scan3A_48 = arith.constant 80 : i32
    %barrier3A_49 = arith.constant 0 : index
    tpu.barrier barrier_id(%barrier3A_49)
    %eq3A = arith.constant 0 : i32
    %eq3A_50 = arith.cmpi eq, %arg1, %eq3A : i32
    %convert_element_type3A = arith.extui %eq3A_50 : i1 to i32
    %cond3A = arith.constant 0 : i32
    %cond3A_51 = arith.cmpi ne, %convert_element_type3A, %cond3A : i32
    scf.if %cond3A_51 {
      "tpu.region"() ({
        %run_scoped3A = tpu.sem_alloc : memref<!tpu.dma_semaphore, #tpu.memory_space<semaphore_mem>>
        %dma_start3A_52 = arith.constant 0 : i32
        %dma_start3A_53 = arith.constant 0 : i32
        %dma_start3A_54 = tpu.memref_slice %arg8[%arg0, %dma_start3A_52, %dma_start3A_53] : memref<2x10000x128xf32, #tpu.memory_space<hbm>> -> memref<1x10000x128xf32, #tpu.memory_space<hbm>>
        %dma_start3A_55 = tpu.memref_squeeze %dma_start3A_54 : memref<1x10000x128xf32, #tpu.memory_space<hbm>> -> memref<10000x128xf32, #tpu.memory_space<hbm>>
        %dma_start3A_56 = arith.constant 0 : i32
        %dma_start3A_57 = arith.constant 0 : i32
        %dma_start3A_58 = tpu.memref_slice %arg19[%dma_start3A_56, %dma_start3A_57] : memref<10240x128xf32, #tpu.memory_space<vmem_shared>> -> memref<10000x128xf32, #tpu.memory_space<vmem_shared>>
        tpu.enqueue_dma source(%dma_start3A_58 : memref<10000x128xf32, #tpu.memory_space<vmem_shared>>) target(%dma_start3A_55 : memref<10000x128xf32, #tpu.memory_space<hbm>>) target_semaphore(%run_scoped3A : memref<!tpu.dma_semaphore, #tpu.memory_space<semaphore_mem>>)
        %dma_wait3A_59 = arith.constant 0 : i32
        %dma_wait3A_60 = arith.constant 0 : i32
        %dma_wait3A_61 = tpu.memref_slice %arg8[%arg0, %dma_wait3A_59, %dma_wait3A_60] : memref<2x10000x128xf32, #tpu.memory_space<hbm>> -> memref<1x10000x128xf32, #tpu.memory_space<hbm>>
        %dma_wait3A_62 = tpu.memref_squeeze %dma_wait3A_61 : memref<1x10000x128xf32, #tpu.memory_space<hbm>> -> memref<10000x128xf32, #tpu.memory_space<hbm>>
        %dma_wait3A_63 = arith.constant 0 : i32
        %dma_wait3A_64 = arith.constant 0 : i32
        %dma_wait3A_65 = tpu.memref_slice %arg19[%dma_wait3A_63, %dma_wait3A_64] : memref<10240x128xf32, #tpu.memory_space<vmem_shared>> -> memref<10000x128xf32, #tpu.memory_space<vmem_shared>>
        tpu.wait_dma2 semaphore(%run_scoped3A : memref<!tpu.dma_semaphore, #tpu.memory_space<semaphore_mem>>) src(%dma_wait3A_65 : memref<10000x128xf32, #tpu.memory_space<vmem_shared>>) dst(%dma_wait3A_62 : memref<10000x128xf32, #tpu.memory_space<hbm>>)
        tpu.yield
      }) : () -> ()
      "tpu.region"() ({
        %run_scoped3A = tpu.sem_alloc : memref<!tpu.dma_semaphore, #tpu.memory_space<semaphore_mem>>
        %dma_start3A_52 = arith.constant 0 : i32
        %dma_start3A_53 = tpu.memref_slice %arg9[%arg0, %dma_start3A_52] : memref<2x10240xf32, #tpu.memory_space<hbm>> -> memref<1x10240xf32, #tpu.memory_space<hbm>>
        %dma_start3A_54 = tpu.memref_squeeze %dma_start3A_53 : memref<1x10240xf32, #tpu.memory_space<hbm>> -> memref<10240xf32, #tpu.memory_space<hbm>>
        tpu.enqueue_dma source(%arg20 : memref<10240xf32, #tpu.memory_space<vmem_shared>>) target(%dma_start3A_54 : memref<10240xf32, #tpu.memory_space<hbm>>) target_semaphore(%run_scoped3A : memref<!tpu.dma_semaphore, #tpu.memory_space<semaphore_mem>>)
        %dma_wait3A_55 = arith.constant 0 : i32
        %dma_wait3A_56 = tpu.memref_slice %arg9[%arg0, %dma_wait3A_55] : memref<2x10240xf32, #tpu.memory_space<hbm>> -> memref<1x10240xf32, #tpu.memory_space<hbm>>
        %dma_wait3A_57 = tpu.memref_squeeze %dma_wait3A_56 : memref<1x10240xf32, #tpu.memory_space<hbm>> -> memref<10240xf32, #tpu.memory_space<hbm>>
        tpu.wait_dma2 semaphore(%run_scoped3A : memref<!tpu.dma_semaphore, #tpu.memory_space<semaphore_mem>>) src(%arg20 : memref<10240xf32, #tpu.memory_space<vmem_shared>>) dst(%dma_wait3A_57 : memref<10240xf32, #tpu.memory_space<hbm>>)
        tpu.yield
      }) : () -> ()
    } else {
    }
    return
  }
}

module attributes {stable_mosaic.version = 14 : i64} {
  func.func @_tc_pre_body(%arg0: memref<10000x128xf32, #tpu.memory_space<vmem>>, %arg1: memref<128x128xf32, #tpu.memory_space<vmem>>, %arg2: memref<1x128xf32, #tpu.memory_space<vmem>>, %arg3: memref<1x128xf32, #tpu.memory_space<vmem>>, %arg4: memref<64x10000xf32, #tpu.memory_space<vmem>>, %arg5: memref<10000x128xf32, #tpu.memory_space<vmem>>, %arg6: memref<10000x128xf32, #tpu.memory_space<vmem>>, %arg7: memref<10000x1xf32, #tpu.memory_space<vmem>>, %arg8: memref<10000x1xf32, #tpu.memory_space<vmem>>, %arg9: memref<64x128xf32, #tpu.memory_space<vmem>>) attributes {dimension_semantics = [], scalar_prefetch = 0 : i64, scratch_operands = 0 : i64, tpu.core_type = #tpu.core_type<tc>} {
    %get3A = arith.constant 0 : index
    %get3A_0 = arith.constant 0 : index
    %get3A_1 = vector.load %arg0[%get3A, %get3A_0] : memref<10000x128xf32, #tpu.memory_space<vmem>>, vector<10000x128xf32>
    %get3A_2 = arith.constant 0 : index
    %get3A_3 = arith.constant 0 : index
    %get3A_4 = vector.load %arg1[%get3A_2, %get3A_3] : memref<128x128xf32, #tpu.memory_space<vmem>>, vector<128x128xf32>
    %dot_general3A = arith.constant dense<0.000000e+00> : vector<10000x128xf32>
    %dot_general3A_5 = tpu.matmul %get3A_1, %get3A_4, %dot_general3A {dimension_numbers = #tpu.dot_dimension_numbers<[1], [0], [0], [1], [0, 0, 1, 1], [], []>, precision = #tpu.contract_precision<fp32>, transpose_lhs_hint = false} : vector<10000x128xf32>, vector<128x128xf32>, vector<10000x128xf32> -> vector<10000x128xf32>
    %swap3A = arith.constant 0 : index
    %swap3A_6 = arith.constant 0 : index
    %swap3A_7 = vector.load %arg6[%swap3A, %swap3A_6] : memref<10000x128xf32, #tpu.memory_space<vmem>>, vector<10000x128xf32>
    tpu.vector_store %arg6[%swap3A, %swap3A_6], %dot_general3A_5 {strides = array<i32>} : memref<10000x128xf32, #tpu.memory_space<vmem>>, vector<10000x128xf32>,
    %get3A_8 = arith.constant 0 : index
    %get3A_9 = arith.constant 0 : index
    %get3A_10 = vector.load %arg2[%get3A_8, %get3A_9] : memref<1x128xf32, #tpu.memory_space<vmem>>, vector<1x128xf32>
    %mul3A = vector.broadcast %get3A_10 : vector<1x128xf32> to vector<10000x128xf32>
    %mul3A_11 = arith.mulf %dot_general3A_5, %mul3A : vector<10000x128xf32>
    %reduce_sum3A = arith.constant dense<0.000000e+00> : vector<10000xf32>
    %reduce_sum3A_12 = vector.multi_reduction <add>, %mul3A_11, %reduce_sum3A [1] : vector<10000x128xf32> to vector<10000xf32>
    %broadcast_in_dim3A = vector.shape_cast %reduce_sum3A_12 : vector<10000xf32> to vector<10000x1xf32>
    %swap3A_13 = arith.constant 0 : index
    %swap3A_14 = arith.constant 0 : index
    %swap3A_15 = vector.load %arg7[%swap3A_13, %swap3A_14] : memref<10000x1xf32, #tpu.memory_space<vmem>>, vector<10000x1xf32>
    tpu.vector_store %arg7[%swap3A_13, %swap3A_14], %broadcast_in_dim3A {strides = array<i32>} : memref<10000x1xf32, #tpu.memory_space<vmem>>, vector<10000x1xf32>,
    %get3A_16 = arith.constant 0 : index
    %get3A_17 = arith.constant 0 : index
    %get3A_18 = vector.load %arg3[%get3A_16, %get3A_17] : memref<1x128xf32, #tpu.memory_space<vmem>>, vector<1x128xf32>
    %mul3A_19 = vector.broadcast %get3A_18 : vector<1x128xf32> to vector<10000x128xf32>
    %mul3A_20 = arith.mulf %dot_general3A_5, %mul3A_19 : vector<10000x128xf32>
    %reduce_sum3A_21 = arith.constant dense<0.000000e+00> : vector<10000xf32>
    %reduce_sum3A_22 = vector.multi_reduction <add>, %mul3A_20, %reduce_sum3A_21 [1] : vector<10000x128xf32> to vector<10000xf32>
    %broadcast_in_dim3A_23 = vector.shape_cast %reduce_sum3A_22 : vector<10000xf32> to vector<10000x1xf32>
    %swap3A_24 = arith.constant 0 : index
    %swap3A_25 = arith.constant 0 : index
    %swap3A_26 = vector.load %arg8[%swap3A_24, %swap3A_25] : memref<10000x1xf32, #tpu.memory_space<vmem>>, vector<10000x1xf32>
    tpu.vector_store %arg8[%swap3A_24, %swap3A_25], %broadcast_in_dim3A_23 {strides = array<i32>} : memref<10000x1xf32, #tpu.memory_space<vmem>>, vector<10000x1xf32>,
    %get3A_27 = arith.constant 0 : index
    %get3A_28 = arith.constant 0 : index
    %get3A_29 = vector.load %arg4[%get3A_27, %get3A_28] : memref<64x10000xf32, #tpu.memory_space<vmem>>, vector<64x10000xf32>
    %get3A_30 = arith.constant 0 : index
    %get3A_31 = arith.constant 0 : index
    %get3A_32 = vector.load %arg5[%get3A_30, %get3A_31] : memref<10000x128xf32, #tpu.memory_space<vmem>>, vector<10000x128xf32>
    %dot_general3A_33 = arith.constant dense<0.000000e+00> : vector<64x128xf32>
    %dot_general3A_34 = tpu.matmul %get3A_29, %get3A_32, %dot_general3A_33 {dimension_numbers = #tpu.dot_dimension_numbers<[1], [0], [0], [1], [0, 0, 1, 1], [], []>, precision = #tpu.contract_precision<fp32>, transpose_lhs_hint = false} : vector<64x10000xf32>, vector<10000x128xf32>, vector<64x128xf32> -> vector<64x128xf32>
    %swap3A_35 = arith.constant 0 : index
    %swap3A_36 = arith.constant 0 : index
    %swap3A_37 = vector.load %arg9[%swap3A_35, %swap3A_36] : memref<64x128xf32, #tpu.memory_space<vmem>>, vector<64x128xf32>
    tpu.vector_store %arg9[%swap3A_35, %swap3A_36], %dot_general3A_34 {strides = array<i32>} : memref<64x128xf32, #tpu.memory_space<vmem>>, vector<64x128xf32>,
    return
  }
}

module attributes {stable_mosaic.version = 14 : i64} {
  func.func @_tc_post_body(%arg0: memref<2x10000x128xf32, #tpu.memory_space<vmem>>, %arg1: memref<2x10000x1xf32, #tpu.memory_space<vmem>>, %arg2: memref<64x10000xf32, #tpu.memory_space<vmem>>, %arg3: memref<64x128xf32, #tpu.memory_space<vmem>>, %arg4: memref<64x1xi32, #tpu.memory_space<vmem>>, %arg5: memref<100x128xf32, #tpu.memory_space<vmem>>, %arg6: memref<64x1024xf32, #tpu.memory_space<vmem>>, %arg7: memref<1024x128xf32, #tpu.memory_space<vmem>>, %arg8: memref<128x10000xf32, #tpu.memory_space<vmem>>, %arg9: memref<64x10000xf32, #tpu.memory_space<vmem>>) attributes {dimension_semantics = [], scalar_prefetch = 0 : i64, scratch_operands = 0 : i64, tpu.core_type = #tpu.core_type<tc>} {
    %get3A = arith.constant 0 : index
    %get3A_0 = arith.constant 0 : index
    %get3A_1 = arith.constant 0 : index
    %get3A_2 = vector.load %arg0[%get3A, %get3A_0, %get3A_1] : memref<2x10000x128xf32, #tpu.memory_space<vmem>>, vector<1x10000x128xf32>
    %get3A_3 = vector.shape_cast %get3A_2 : vector<1x10000x128xf32> to vector<10000x128xf32>
    %get3A_4 = arith.constant 1 : index
    %get3A_5 = arith.constant 0 : index
    %get3A_6 = arith.constant 0 : index
    %get3A_7 = vector.load %arg0[%get3A_4, %get3A_5, %get3A_6] : memref<2x10000x128xf32, #tpu.memory_space<vmem>>, vector<1x10000x128xf32>
    %get3A_8 = vector.shape_cast %get3A_7 : vector<1x10000x128xf32> to vector<10000x128xf32>
    %add3A = arith.addf %get3A_3, %get3A_8 : vector<10000x128xf32>
    %get3A_9 = arith.constant 0 : index
    %get3A_10 = arith.constant 0 : index
    %get3A_11 = arith.constant 0 : index
    %get3A_12 = vector.load %arg1[%get3A_9, %get3A_10, %get3A_11] : memref<2x10000x1xf32, #tpu.memory_space<vmem>>, vector<1x10000x1xf32>
    %get3A_13 = vector.shape_cast %get3A_12 : vector<1x10000x1xf32> to vector<10000x1xf32>
    %get3A_14 = arith.constant 1 : index
    %get3A_15 = arith.constant 0 : index
    %get3A_16 = arith.constant 0 : index
    %get3A_17 = vector.load %arg1[%get3A_14, %get3A_15, %get3A_16] : memref<2x10000x1xf32, #tpu.memory_space<vmem>>, vector<1x10000x1xf32>
    %get3A_18 = vector.shape_cast %get3A_17 : vector<1x10000x1xf32> to vector<10000x1xf32>
    %add3A_19 = arith.addf %get3A_13, %get3A_18 : vector<10000x1xf32>
    %add3A_20 = arith.constant 9.99999971E-10 : f32
    %add3A_21 = vector.broadcast %add3A_20 : f32 to vector<10000x1xf32>
    %add3A_22 = arith.addf %add3A_19, %add3A_21 : vector<10000x1xf32>
    %div3A = vector.broadcast %add3A_22 : vector<10000x1xf32> to vector<10000x128xf32>
    %div3A_23 = arith.divf %add3A, %div3A : vector<10000x128xf32>
    %gt3A = arith.constant 0.000000e+00 : f32
    %gt3A_24 = vector.broadcast %gt3A : f32 to vector<10000x128xf32>
    %gt3A_25 = arith.cmpf ogt, %div3A_23, %gt3A_24 : vector<10000x128xf32>
    %exp3A = math.exp %div3A_23 : vector<10000x128xf32>
    %sub3A = arith.constant 1.000000e+00 : f32
    %sub3A_26 = vector.broadcast %sub3A : f32 to vector<10000x128xf32>
    %sub3A_27 = arith.subf %exp3A, %sub3A_26 : vector<10000x128xf32>
    %select_n3A = arith.select %gt3A_25, %div3A_23, %sub3A_27 : vector<10000x128xi1>, vector<10000x128xf32>
    %get3A_28 = arith.constant 0 : index
    %get3A_29 = arith.constant 0 : index
    %get3A_30 = vector.load %arg2[%get3A_28, %get3A_29] : memref<64x10000xf32, #tpu.memory_space<vmem>>, vector<64x10000xf32>
    %dot_general3A = arith.constant dense<0.000000e+00> : vector<64x128xf32>
    %dot_general3A_31 = tpu.matmul %get3A_30, %select_n3A, %dot_general3A {dimension_numbers = #tpu.dot_dimension_numbers<[1], [0], [0], [1], [0, 0, 1, 1], [], []>, precision = #tpu.contract_precision<fp32>, transpose_lhs_hint = false} : vector<64x10000xf32>, vector<10000x128xf32>, vector<64x128xf32> -> vector<64x128xf32>
    %get3A_32 = arith.constant 0 : index
    %get3A_33 = arith.constant 0 : index
    %get3A_34 = vector.load %arg4[%get3A_32, %get3A_33] : memref<64x1xi32, #tpu.memory_space<vmem>>, vector<64x1xi32>
    %iota3A = tpu.iota {dimensions = array<i32: 1>} : vector<64x100xi32>
    %eq3A = vector.broadcast %get3A_34 : vector<64x1xi32> to vector<64x100xi32>
    %eq3A_35 = arith.cmpi eq, %eq3A, %iota3A : vector<64x100xi32>
    %convert_element_type3A = arith.extui %eq3A_35 : vector<64x100xi1> to vector<64x100xi32>
    %convert_element_type3A_36 = arith.sitofp %convert_element_type3A : vector<64x100xi32> to vector<64x100xf32>
    %get3A_37 = arith.constant 0 : index
    %get3A_38 = arith.constant 0 : index
    %get3A_39 = vector.load %arg5[%get3A_37, %get3A_38] : memref<100x128xf32, #tpu.memory_space<vmem>>, vector<100x128xf32>
    %dot_general3A_40 = arith.constant dense<0.000000e+00> : vector<64x128xf32>
    %dot_general3A_41 = tpu.matmul %convert_element_type3A_36, %get3A_39, %dot_general3A_40 {dimension_numbers = #tpu.dot_dimension_numbers<[1], [0], [0], [1], [0, 0, 1, 1], [], []>, precision = #tpu.contract_precision<fp32>, transpose_lhs_hint = false} : vector<64x100xf32>, vector<100x128xf32>, vector<64x128xf32> -> vector<64x128xf32>
    %get3A_42 = arith.constant 0 : index
    %get3A_43 = arith.constant 0 : index
    %get3A_44 = vector.load %arg6[%get3A_42, %get3A_43] : memref<64x1024xf32, #tpu.memory_space<vmem>>, vector<64x1024xf32>
    %get3A_45 = arith.constant 0 : index
    %get3A_46 = arith.constant 0 : index
    %get3A_47 = vector.load %arg7[%get3A_45, %get3A_46] : memref<1024x128xf32, #tpu.memory_space<vmem>>, vector<1024x128xf32>
    %dot_general3A_48 = arith.constant dense<0.000000e+00> : vector<64x128xf32>
    %dot_general3A_49 = tpu.matmul %get3A_44, %get3A_47, %dot_general3A_48 {dimension_numbers = #tpu.dot_dimension_numbers<[1], [0], [0], [1], [0, 0, 1, 1], [], []>, precision = #tpu.contract_precision<fp32>, transpose_lhs_hint = false} : vector<64x1024xf32>, vector<1024x128xf32>, vector<64x128xf32> -> vector<64x128xf32>
    %get3A_50 = arith.constant 0 : index
    %get3A_51 = arith.constant 0 : index
    %get3A_52 = vector.load %arg3[%get3A_50, %get3A_51] : memref<64x128xf32, #tpu.memory_space<vmem>>, vector<64x128xf32>
    %add3A_53 = arith.addf %get3A_52, %dot_general3A_31 : vector<64x128xf32>
    %add3A_54 = arith.addf %add3A_53, %dot_general3A_41 : vector<64x128xf32>
    %add3A_55 = arith.addf %add3A_54, %dot_general3A_49 : vector<64x128xf32>
    %max3A = arith.constant 0.000000e+00 : f32
    %max3A_56 = vector.broadcast %max3A : f32 to vector<64x128xf32>
    %max3A_57 = arith.maximumf %add3A_55, %max3A_56 : vector<64x128xf32>
    %get3A_58 = arith.constant 0 : index
    %get3A_59 = arith.constant 0 : index
    %get3A_60 = vector.load %arg8[%get3A_58, %get3A_59] : memref<128x10000xf32, #tpu.memory_space<vmem>>, vector<128x10000xf32>
    %dot_general3A_61 = arith.constant dense<0.000000e+00> : vector<64x10000xf32>
    %dot_general3A_62 = tpu.matmul %max3A_57, %get3A_60, %dot_general3A_61 {dimension_numbers = #tpu.dot_dimension_numbers<[1], [0], [0], [1], [0, 0, 1, 1], [], []>, precision = #tpu.contract_precision<fp32>, transpose_lhs_hint = false} : vector<64x128xf32>, vector<128x10000xf32>, vector<64x10000xf32> -> vector<64x10000xf32>
    %swap3A = arith.constant 0 : index
    %swap3A_63 = arith.constant 0 : index
    %swap3A_64 = vector.load %arg9[%swap3A, %swap3A_63] : memref<64x10000xf32, #tpu.memory_space<vmem>>, vector<64x10000xf32>
    tpu.vector_store %arg9[%swap3A, %swap3A_63], %dot_general3A_62 {strides = array<i32>} : memref<64x10000xf32, #tpu.memory_space<vmem>>, vector<64x10000xf32>,
    return
  }
}

</mosaic_0001>

<sc_bundles>
// kernel: kernel.5.cloned.1.call-start
scs
__scs_entry_jumppad:
0x0: {  	(pc) =	sbr.rel $0x88, $3  }
0x1: {  	(tag) =	ssettag $0x0;
	lr =	simm.s32 $0x1  }
0x2: {  	[smem:$0x3F92] =	sst lr;
	_ =	strace $0xD0000000  }
0x3: {  	_ = 	snop  }
0x4: {  	_ = 	snop  }
0x5: {  	_ = 	snop  }
0x6: {  	_ = 	snop  }
0x7: {  	_ = 	snop  }
__scs_overlays_trampoline_lowered:
0x8: {  	[smem:$0x3FA1] =	sst s0  }
0x9: {  	[smem:$0x3FA2] =	sst s1  }
0xa: {  	[smem:$0x3FA3] =	sst s2  }
0xb: {  	[smem:$0x3FA4] =	sst s3  }
0xc: {  	[smem:$0x3FA5] =	sst s4  }
0xd: {  	[smem:$0x3FA6] =	sst s5  }
0xe: {  	[smem:$0x3FA7] =	sst s6  }
0xf: {  	[smem:$0x3FA8] =	sst s7  }
0x10: {  	[smem:$0x3FA9] =	sst s8  }
0x11: {  	[smem:$0x3FAA] =	sst s9;
	s0 =	simm.s32 @!p0 $0x0  }
0x12: {  	s1 =	sld [smem:$0x3F90];
	s0 =	simm.s32 @p0 $0x1  }
0x13: {  	[smem:$0x3FAB] =	sst s0;
	s0 =	simm.s32 @!p1 $0x0  }
0x14: {  	s2 =	sld [smem:$0x3F8F];
	s0 =	simm.s32 @p1 $0x1  }
0x15: {  	[smem:$0x3FAC] =	sst s0;
	s0 =	simm.s32 @!p2 $0x0  }
0x16: {  	s3 =	sld [smem:$0x3FDB];
	s0 =	simm.s32 @p2 $0x1  }
0x17: {  	s4 =	simm.s32 $0x1BF5;
	[smem:$0x3FAE] =	sst s0  }
0x18: {  	s0 =	sld [smem:$0x3F91];
	_ =	swait.ge [sflag:s4], $0x0  }
0x19: {  	s7 =	sld [smem:$0x3F92]  }
0x1a: {  	s8 =	sadd.s32 $0xFFFFE003, lr  }
0x1b: {  	s9 =	sadd.s32 $0xFFFFFEF7, lr;
	s5 =	simm.s32 $0xFFFFFFFF;
	p2 =	slt.u32 s8, $0xFFFFF086  }
0x1c: {  	p1 =	slt.u32 s9, $0xF7A;
	s5 =	simm.s32 @!p2 $0x0  }
0x1d: {  	s5 =	simm.s32 @p1 $0x1;
	p0 =	seq.s32 s7, s2  }
0x1e: {  	s7 =	smul.u32 @!p0 $0xF7A, s2;
	p2 =	seq.s32 @!p0 s5, $0x0  }
0x1f: {  	s9 =	smul.u32 $0xF7A, s1;
	s8 =	simm.s32 @!p0 $0x1BF5;
	p2 =	por !p2, p0  }
0x20: {  	[sflag:s8] =	ssyncset.s32 @!p0 $0xFFFFF086;
	s6 =	sadd.s32 @!p0 s3, s7;
	s7 =	simm.s32 @!p0 $0x108  }
0x21: {  	s3 =	sadd.s32 s3, s9;
	s6 =	sadd.s32 @!p0 $0x88, s6;
	s7 =	simm.s32 @p2 $0x1082  }
0x22: {  	[simem:s7], [sflag:s8] =	dma.local @!p0 [hbm:s6], $0xF7A  }
0x23: {  	s9 =	sor.u32 $0xD0000000, s2;
	s6 =	simm.s32 $0x108;
	_ =	swait.ge @!p0 [sflag:s8], $0x0  }
0x24: {  	s3 =	sadd.s32 $0x88, s3;
	s6 =	simm.s32 @!p1 $0x1082;
	[sflag:s4] =	ssyncset.s32 $0xFFFFF086  }
0x25: {  	[simem:s6], [sflag:s4] =	dma.local [hbm:s3], $0xF7A  }
0x26: {  	[smem:$0x3F92] =	sst s1;
	(tag) =	ssettag s2;
	_ =	strace s9  }
0x27: {  	s1 =	sld [smem:$0x3FA2]  }
0x28: {  	s2 =	sld [smem:$0x3FA3]  }
0x29: {  	s4 =	sld [smem:$0x3FA5]  }
0x2a: {  	p0 =	seq.s32 s5, $0x0;
	s5 =	sld [smem:$0x3FA6]  }
0x2b: {  	s6 =	sld [smem:$0x3FA7]  }
0x2c: {  	s7 =	sld [smem:$0x3FA8]  }
0x2d: {  	s3 =	simm.s32 $0x108;
	s8 =	sld [smem:$0x3FA9]  }
0x2e: {  	s3 =	simm.s32 @!p0 $0x1082;
	s9 =	sld [smem:$0x3FAA]  }
0x2f: {  	lr =	sadd.s32 s0, s3;
	s0 =	sld [smem:$0x3FA1]  }
0x30: {  	s3 =	sld [smem:$0x3FA4]  }
0x31: {  	[smem:$0x3FAD] =	sst s10  }
0x32: {  	s10 =	sld [smem:$0x3FAB];
	_ =	sdelay $0x3  }
0x33: {  	p0 =	seq.s32 s10, $0x1;
	s10 =	sld [smem:$0x3FAD];
	_ =	sdelay $0x3  }
0x34: {  	[smem:$0x3FAD] =	sst s10  }
0x35: {  	s10 =	sld [smem:$0x3FAC];
	_ =	sdelay $0x3  }
0x36: {  	p1 =	seq.s32 s10, $0x1;
	s10 =	sld [smem:$0x3FAD];
	_ =	sdelay $0x3  }
0x37: {  	[smem:$0x3FAD] =	sst s10  }
0x38: {  	s10 =	sld [smem:$0x3FAE]  }
0x39: {  	_ = 	snop;
	(pc) =	sbr.ind lr, $3  }
0x3a: {  	_ = 	snop  }
0x3b: {  	_ = 	snop  }
0x3c: {  	p2 =	seq.s32 s10, $0x1;
	s10 =	sld [smem:$0x3FAD]  }
0x3d: {  	_ =	shalt  }
0x3e: {  	_ =	shalt  }
0x3f: {  	_ =	shalt  }
0x40: {  	_ =	shalt  }
0x41: {  	_ =	shalt  }
0x42: {  	_ =	shalt  }
0x43: {  	_ =	shalt  }
0x44: {  	_ =	shalt  }
0x45: {  	_ =	shalt  }
0x46: {  	_ =	shalt  }
0x47: {  	_ =	shalt  }
0x48: {  	_ =	shalt  }
0x49: {  	_ =	shalt  }
0x4a: {  	_ =	shalt  }
0x4b: {  	_ =	shalt  }
0x4c: {  	_ =	shalt  }
0x4d: {  	_ =	shalt  }
0x4e: {  	_ =	shalt  }
0x4f: {  	_ =	shalt  }
0x50: {  	_ =	shalt  }
0x51: {  	_ =	shalt  }
0x52: {  	_ =	shalt  }
0x53: {  	_ =	shalt  }
0x54: {  	_ =	shalt  }
0x55: {  	_ =	shalt  }
0x56: {  	_ =	shalt  }
0x57: {  	_ =	shalt  }
0x58: {  	_ =	shalt  }
0x59: {  	_ =	shalt  }
0x5a: {  	_ =	shalt  }
0x5b: {  	_ =	shalt  }
0x5c: {  	_ =	shalt  }
0x5d: {  	_ =	shalt  }
0x5e: {  	_ =	shalt  }
0x5f: {  	_ =	shalt  }
0x60: {  	_ =	shalt  }
0x61: {  	_ =	shalt  }
0x62: {  	_ =	shalt  }
0x63: {  	_ =	shalt  }
0x64: {  	_ =	shalt  }
0x65: {  	_ =	shalt  }
0x66: {  	_ =	shalt  }
0x67: {  	_ =	shalt  }
0x68: {  	_ =	shalt  }
0x69: {  	_ =	shalt  }
0x6a: {  	_ =	shalt  }
0x6b: {  	_ =	shalt  }
0x6c: {  	_ =	shalt  }
0x6d: {  	_ =	shalt  }
0x6e: {  	_ =	shalt  }
0x6f: {  	_ =	shalt  }
0x70: {  	_ =	shalt  }
0x71: {  	_ =	shalt  }
0x72: {  	_ =	shalt  }
0x73: {  	_ =	shalt  }
0x74: {  	_ =	shalt  }
0x75: {  	_ =	shalt  }
0x76: {  	_ =	shalt  }
0x77: {  	_ =	shalt  }
0x78: {  	_ =	shalt  }
0x79: {  	_ =	shalt  }
0x7a: {  	_ =	shalt  }
0x7b: {  	_ =	shalt  }
0x7c: {  	_ =	shalt  }
0x7d: {  	_ =	shalt  }
0x7e: {  	_ =	shalt  }
0x7f: {  	_ =	shalt  }
0x80: {  	_ =	shalt  }
0x81: {  	_ =	shalt  }
0x82: {  	_ =	shalt  }
0x83: {  	_ =	shalt  }
0x84: {  	_ =	shalt  }
0x85: {  	_ =	shalt  }
0x86: {  	_ =	shalt  }
0x87: {  	_ =	shalt  }
.Lfunc_end0:
.L_simem_size_0:
called_computation_lowered:
.L_overlay_start_0:
0x88: {  	s2 =	sld [smem:$0x3FD9]  }
0x89: {  	s3 =	sld [smem:$0x3FFE];
	_ =	sdelay $0x1  }
0x8a: {  	s1 =	srdreg.scid  }
0x8b: {  	s0 =	sand.u32 $0x1, s1  }
0x8c: {  	s17 =	sshll.u32 s0, $0xA;
	s2 =	sadd.s32 s3, s2  }
0x8d: {  	s2 =	sadd.s32 s2, s17  }
0x8e: {  	[smem:$0x3FB9] =	sst s2  }
0x8f: {  	_ = 	snop  }
0x90: {  	s2 =	sld [smem:$0x3FC6]  }
0x91: {  	s18 =	sld [smem:$0x3FD0];
	(tm) =	ssettm $0x1  }
0x92: {  	s4 =	sld [smem:$0x3FFB];
	_ =	sdelay $0x3  }
0x93: {  	_ =	strace s4  }
0x94: {  	s4 =	sld [smem:$0x3FFC];
	_ =	sdelay $0x3  }
0x95: {  	_ =	strace s4  }
0x96: {  	s4 =	sld [smem:$0x3FFD];
	_ =	sdelay $0x3  }
0x97: {  	_ =	strace s4  }
0x98: {  	_ =	strace $0x8FFFFFFF  }
0x99: {  	s19 =	sld [smem:$0x3FDB];
	_ =	sdelay $0x1  }
0x9a: {  	s5 =	simm.s32 $_scs_section_size  }
0x9b: {  	s6 =	simm.s32 $_size__tile_overlayer_lowered;
	s7 =	simm.s32 $_tile_overlayer_lowered  }
0x9c: {  	s22 =	simm.s32 $0x1BFF;
	s21 =	sshll.u32 s7, $0x1;
	s4 =	sadd.s32 s5, s19  }
0x9d: {  	s8 =	simm.s32 $0x0;
	s20 =	sshll.u32 s6, $0x1;
	s6 =	sadd.s32 s21, s4  }
0x9e: {  	[timem:s8], [sflag:s22] =	dma.local [hbm:s6], s20  }
0x9f: {  	_ =	swait.ge [sflag:s22], s20  }
0xa0: {  	s5 =	ssub.s32 $0x0, s20;
	[sflag:s22] =	ssyncset.done $0x0  }
0xa1: {  	[sflag:s22] =	ssyncadd.s32 s5;
	_ =	sdelay $0x1  }
0xa2: {  	s23 =	simm.s32 $0x1B8B  }
0xa3: {  	_ =	swait.ge [sflag:s23], $0x1  }
0xa4: {  	[sflag:s23] =	ssyncset.done $0x0  }
0xa5: {  	s25 =	simm.s32 $0x1B8E;
	s24 =	sld [smem:$0x3FFE];
	[sflag:s23] =	ssyncadd.s32 $0xFFFFFFFF  }
0xa6: {  	s26 =	simm.s32 $execute0_lowered;
	[smem:$0x3FD2] =	sst s25  }
0xa7: {  	s6 =	sshll.u32 s26, $0x1;
	_ =	strace $0x80000046;
	[dreg:$0x1] =	wrdreg $0xFFFFFFFF  }
0xa8: {  	s28 =	simm.s32 $_size_execute0_lowered;
	s4 =	sadd.s32 s4, s6;
	[dreg:$0x0] =	wrdreg $0x0  }
0xa9: {  	s6 =	sshll.u32 s28, $0x1;
	[dreg:$0x2] =	wrdreg s4  }
0xaa: {  	[dreg:$0x3] =	wrdreg s6  }
0xab: {  	[dreg:$0x4] =	wrdreg $0xC0  }
0xac: {  	_ =	task [dreg:s8], $0x5FFFF  }
0xad: {  	[dreg:$0x1] =	wrdreg $0xFFFFFFFF  }
0xae: {  	[dreg:$0x0] =	wrdreg $0x60  }
0xaf: {  	[dreg:$0x2] =	wrdreg s24  }
0xb0: {  	[dreg:$0x3] =	wrdreg s2  }
0xb1: {  	[dreg:$0x4] =	wrdreg s18  }
0xb2: {  	[dreg:$0x5] =	wrdreg $0x9C800  }
0xb3: {  	[dreg:$0x6] =	wrdreg $0x1DC800  }
0xb4: {  	[dreg:$0x7] =	wrdreg $0x9  }
0xb5: {  	_ =	task.clear_ibuf [dreg:s8], $0x8FFFF;
	_ =	strace $0x90000046  }
0xb6: {  	s29 =	simm.s32 $0x9;
	_ =	strace $0x80000048  }
0xb7: {  	_ =	swait.ge [sflag:s29], $0x1  }
0xb8: {  	[sflag:s29] =	ssyncadd.s32 $0xFFFFFFFF  }
0xb9: {  	_ =	strace $0x90000048  }
0xba: {  	_ =	sfence  }
0xbb: {  	s30 =	sld [smem:$0x0];
	_ =	sdelay $0x2  }
0xbc: {  	s31 =	sshll.u32 s1, $0xD;
	s1 =	sshrl.u32 s1, $0x2  }
0xbd: {  	s3 =	sand.u32 $0x4000, s31;
	s1 =	sadd.s32 s1, s30  }
0xbe: {  	s0 =	sor.u32 s3, s0;
	s1 =	sshll.u32 s1, $0x11  }
0xbf: {  	s0 =	sor.u32 s1, s0  }
0xc0: {  	s0 =	sadd.s32 $0x8F2B, s0  }
0xc1: {  	[sflag:s0] =	ssyncadd.remote.s32 $0x1  }
0xc2: {  	_ =	sfence.sel $0xFFFF  }
0xc3: {  	[dreg:$0x0] =	wrdreg $0xFFFFFFFF;
	(pc) =	sbr.abs _section_cstart, $3  }
0xc4: {  	[dreg:$0x1] =	wrdreg $0xFFFFFFFF  }
0xc5: {  	_ =	task.clear_ibuf [dreg:s8], $0x2FFFF;
	_ =	strace $0x9FFFFFFF  }
0xc6: {  	(tm) =	ssettm $0x7FFFFFFF  }
0xc7: {  	_ =	shalt  }
tec
execute0_lowered:
.L_overlay_start_1:
0x0: {  	(tag) =	ssettag $0x1  }
0x1: {  	s0 =	rddreg [dreg:$0x0]  }
0x2: {  	s1 =	rddreg [dreg:$0x2]  }
0x3: {  	s2 =	rddreg [dreg:$0x3]  }
0x4: {  	s3 =	rddreg [dreg:$0x4]  }
0x5: {  	s4 =	simm.s32 $0x0;
	s6 =	srdreg.scid;
	s23 =	stileid.u32  }
0x6: {  	s21 =	simm.s32 $0x5180;
	s22 =	simm.s32 $0x2;
	s28 =	simm.s32 $0x1  }
0x7: {  	s29 =	simm.s32 $0x4F00;
	s30 =	simm.s32 $0x80;
	s31 =	simm.s32 $0x5100  }
0x8: {  	[smem:$0x7FF] =	sst s4;
	s5 =	sadd.s32 $0x1E00, s0;
	s7 =	sand.u32 $0x1, s6  }
0x9: {  	s6 =	sadd.s32 $0x68400, s0;
	s9 =	sadd.s32 $0x29000, s0;
	s24 =	sadd.s32 $0x29600, s0  }
0xa: {  	s10 =	smul.u32 $0x50000, s23;
	_ =	strace $0x80000047;
	[dreg:$0x6] =	wrdreg s9  }
0xb: {  	s25 =	sadd.s32 $0x29C00, s0;
	s14 =	smul.u32 $0xA00, s23;
	[dreg:$0x7] =	wrdreg s24  }
0xc: {  	p0 =	sne.s32 s23, $0x0;
	s8 =	smul.u32 $0x27100, s7;
	[dreg:$0x8] =	wrdreg s25  }
0xd: {  	s11 =	sshll.u32 s7, $0x4;
	s7 =	ssub.s32 $0x2, s7;
	s24 =	simm.s32 $0x2780  }
0xe: {  	s25 =	simm.s32 $0x9400;
	s10 =	sshrl.u32 s10, $0x2;
	s12 =	sshrl.u32 s7, $0x1  }
0xf: {  	s17 =	sor.u32 s23, s11;
	s15 =	sshrl.u32 s14, $0x2;
	s8 =	sadd.s32 s8, s0  }
0x10: {  	s0 =	sadd.s32 s11, s0;
	s10 =	sadd.s32 s10, s2;
	s7 =	ssub.s32 s7, s12  }
0x11: {  	v2 =	vlaneseq.u32;
	s15 =	sadd.s32 s15, s3;
	s16 =	sshll.u32 s17, $0x8;
	s18 =	sshll.u32 s17, $0x4  }
0x12: {  	s17 =	smul.u32 $0x50, s17;
	s26 =	sadd.s32 $0x4000, s10;
	s12 =	sadd.s32 $0x8000, s10;
	v0 =	vmov s18;
	v1 =	vor.u32 s18, v2  }
0x13: {  	s13 =	sadd.s32 $0xC000, s10;
	s14 =	sadd.s32 $0x10000, s10;
	s16 =	sadd.s32 s1, s16;
	v1 =	vshrl.u32 v1, $0x3;
	v0 =	vshrl.u32 v0, $0x3  }
0x14: {  	vm0 =	vmmov $0xffff;
	s18 =	sadd.s32 $0x90E00, s8;
	s19 =	sadd.s32 $0x90400, s0;
	s20 =	smax.u32 s7, $0x1;
	v1 =	vand.u32 $0x7F, v1;
	v0 =	vand.u32 $0xFFFFF80, v0  }
0x15: {  	v2 =	vand.u32 $0x7, v2;
	s0 =	simm.s32 $0x4F80;
	[dreg:$0x9] =	wrdreg s26;
	s26 =	simm.s32 $0x9480;
	v0 =	vor.u32 v0, v1;
	v1 =	vimm.f32 $0.0e+00  }
.LBB2_1:
0x16: {  	s1 =	simm.s32 $0x0;
	s7 =	simm.s32 $0x200  }
.LBB2_2:
0x17: {  	p1 =	sne.s32 s7, $0xFE00;
	[tilespmem:s1+$0x51F0] =	vst v1  }
0x18: {  	[tilespmem:s1+$0x5180] =	vst v1  }
0x19: {  	[tilespmem:s1+$0x5190] =	vst v1  }
.Ltmp0:
0x1a: {  	[tilespmem:s1+$0x51A0] =	vst v1;
	(pc) =	sbr.rel @p1 .LBB2_2-.Ltmp0, $4  }
0x1b: {  	[tilespmem:s1+$0x51B0] =	vst v1  }
0x1c: {  	[tilespmem:s1+$0x51C0] =	vst v1  }
0x1d: {  	[tilespmem:s1+$0x51D0] =	vst v1  }
0x1e: {  	[tilespmem:s1+$0x51E0] =	vst v1;
	s1 =	sshra.s32 s7, $0x2;
	s7 =	sadd.s32 $0x200, s7  }
0x1f: {  	[tilespmem:s1+$0x51F0] =	vst v1  }
0x20: {  	[tilespmem:s1+$0x5180] =	vst v1  }
0x21: {  	[tilespmem:s1+$0x5190] =	vst v1  }
0x22: {  	[tilespmem:s1+$0x51A0] =	vst v1  }
0x23: {  	[tilespmem:s1+$0x51B0] =	vst v1  }
0x24: {  	[tilespmem:s1+$0x51C0] =	vst v1  }
0x25: {  	[tilespmem:s1+$0x51D0] =	vst v1  }
0x26: {  	[tilespmem:s1+$0x51E0] =	vst v1  }
0x27: {  	[tilespmem:$0x9180] =	vst v1  }
0x28: {  	[tilespmem:$0x9190] =	vst v1  }
0x29: {  	[tilespmem:$0x91A0] =	vst v1  }
0x2a: {  	[tilespmem:$0x91B0] =	vst v1  }
0x2b: {  	[tilespmem:$0x91C0] =	vst v1  }
0x2c: {  	[tilespmem:$0x91D0] =	vst v1  }
0x2d: {  	[tilespmem:$0x91E0] =	vst v1  }
0x2e: {  	[tilespmem:$0x91F0] =	vst v1  }
0x2f: {  	[tilespmem:$0x9200] =	vst v1  }
0x30: {  	[tilespmem:$0x9210] =	vst v1  }
0x31: {  	[tilespmem:$0x9220] =	vst v1  }
0x32: {  	[tilespmem:$0x9230] =	vst v1  }
0x33: {  	[tilespmem:$0x9240] =	vst v1  }
0x34: {  	[tilespmem:$0x9250] =	vst v1  }
0x35: {  	[tilespmem:$0x9260] =	vst v1  }
0x36: {  	[tilespmem:$0x9270] =	vst v1  }
0x37: {  	[tilespmem:$0x9280] =	vst v1  }
0x38: {  	[tilespmem:$0x9290] =	vst v1  }
0x39: {  	[tilespmem:$0x92A0] =	vst v1  }
0x3a: {  	[tilespmem:$0x92B0] =	vst v1  }
0x3b: {  	[tilespmem:$0x92C0] =	vst v1  }
0x3c: {  	[tilespmem:$0x92D0] =	vst v1  }
0x3d: {  	[tilespmem:$0x92E0] =	vst v1  }
0x3e: {  	[tilespmem:$0x92F0] =	vst v1  }
0x3f: {  	[tilespmem:$0x9300] =	vst v1  }
0x40: {  	[tilespmem:$0x9310] =	vst v1  }
0x41: {  	[tilespmem:$0x9320] =	vst v1  }
0x42: {  	[tilespmem:$0x9330] =	vst v1  }
0x43: {  	[tilespmem:$0x9340] =	vst v1  }
0x44: {  	[tilespmem:$0x9350] =	vst v1  }
0x45: {  	[tilespmem:$0x9360] =	vst v1  }
0x46: {  	[tilespmem:$0x9370] =	vst v1  }
0x47: {  	[tilespmem:$0x9380] =	vst v1  }
0x48: {  	[tilespmem:$0x9390] =	vst v1  }
0x49: {  	[tilespmem:$0x93A0] =	vst v1  }
0x4a: {  	[tilespmem:$0x93B0] =	vst v1  }
0x4b: {  	[tilespmem:$0x93C0] =	vst v1  }
0x4c: {  	[tilespmem:$0x93D0] =	vst v1  }
0x4d: {  	[tilespmem:$0x93E0] =	vst v1  }
0x4e: {  	[tilespmem:$0x93F0] =	vst v1  }
0x4f: {  	[spmem:s10] =	stream.linear.scatter [tilespmem:s21], [sflag:$0x2], $0x4000, $0x38;
	[tilespmem:$0x1DF00] =	vst v63  }
0x50: {  	_ =	swait.ge [sflag:s22], $0x4000  }
0x51: {  	[sflag:s22] =	ssyncset.done $0x0  }
0x52: {  	s7 =	rddreg [dreg:$0x9];
	[sflag:s22] =	ssyncadd.s32 $0xFFFFC000  }
0x53: {  	[spmem:s7] =	stream.linear.scatter [tilespmem:s21], [sflag:$0x2], $0x4000, $0x38;
	[tilespmem:$0x1DF00] =	vst v63  }
0x54: {  	_ =	swait.ge [sflag:s22], $0x4000  }
0x55: {  	[sflag:s22] =	ssyncset.done $0x0  }
0x56: {  	[sflag:s22] =	ssyncadd.s32 $0xFFFFC000  }
0x57: {  	[spmem:s12] =	stream.linear.scatter [tilespmem:s21], [sflag:$0x2], $0x4000, $0x38;
	[tilespmem:$0x1DF00] =	vst v63  }
0x58: {  	_ =	swait.ge [sflag:s22], $0x4000  }
0x59: {  	[sflag:s22] =	ssyncset.done $0x0  }
0x5a: {  	[sflag:s22] =	ssyncadd.s32 $0xFFFFC000  }
0x5b: {  	[spmem:s13] =	stream.linear.scatter [tilespmem:s21], [sflag:$0x2], $0x4000, $0x38;
	[tilespmem:$0x1DF00] =	vst v63  }
0x5c: {  	_ =	swait.ge [sflag:s22], $0x4000  }
0x5d: {  	[sflag:s22] =	ssyncset.done $0x0  }
0x5e: {  	[sflag:s22] =	ssyncadd.s32 $0xFFFFC000  }
0x5f: {  	[spmem:s14] =	stream.linear.scatter [tilespmem:s21], [sflag:$0x2], $0x4000, $0x38;
	[tilespmem:$0x1DF00] =	vst v63  }
0x60: {  	_ =	swait.ge [sflag:s22], $0x4000  }
0x61: {  	[sflag:s22] =	ssyncset.done $0x0  }
0x62: {  	s8 =	simm.s32 $0x9180;
	[sflag:s22] =	ssyncadd.s32 $0xFFFFC000  }
0x63: {  	[spmem:s15] =	stream.linear.scatter [tilespmem:s8], [sflag:$0x2], $0x280, $0x38;
	[tilespmem:$0x1DF00] =	vst v63  }
0x64: {  	_ =	swait.ge [sflag:s22], $0x280  }
0x65: {  	[sflag:s22] =	ssyncset.done $0x0  }
0x66: {  	s1 =	simm.s32 $0x0;
	s7 =	rddreg [dreg:$0x6];
	[sflag:s22] =	ssyncadd.s32 $0xFFFFFD80  }
0x67: {  	[tilespmem:s1], [sflag:$0x2] =	stream.linear.gather [hbm4b:s7+s1], $0x2780, $0x38;
	[tilespmem:$0x1DF00] =	vst v63  }
0x68: {  	_ =	swait.ge [sflag:s22], $0x2780  }
0x69: {  	[sflag:s22] =	ssyncset.done $0x0  }
0x6a: {  	s9 =	rddreg [dreg:$0x7];
	[sflag:s22] =	ssyncadd.s32 $0xFFFFD880  }
0x6b: {  	[tilespmem:s24], [sflag:$0x2] =	stream.linear.gather [hbm4b:s9+s1], $0x2780, $0x38;
	[tilespmem:$0x1DF00] =	vst v63  }
0x6c: {  	_ =	swait.ge [sflag:s22], $0x2780  }
0x6d: {  	[sflag:s22] =	ssyncset.done $0x0  }
0x6e: {  	[sflag:s22] =	ssyncadd.s32 $0xFFFFD880  }
0x6f: {  	s11 =	rddreg [dreg:$0x1]  }
0x70: {  	[tilespmem:s25], [sflag:$0x2] =	stream.linear.gather [hbm4b:s11+s1], $0x80, $0x38;
	[tilespmem:$0x1DF00] =	vst v63  }
0x71: {  	_ =	swait.ge [sflag:s22], $0x80  }
0x72: {  	[sflag:s22] =	ssyncset.done $0x0  }
0x73: {  	[sflag:s22] =	ssyncadd.s32 $0xFFFFFF80  }
0x74: {  	v3 =	vld.idx.msk [tilespmem:v0+s25+$0x0], $0xffff;
	_ =	sdelay $0x4  }
0x75: {  	v3 =	vshll.u32 v3, $0x3  }
0x76: {  	v3 =	vor.u32 v2, v3;
	_ =	sdelay $0x3  }
0x77: {  	s23 =	rddreg [dreg:$0x8]  }
0x78: {  	[tilespmem:s26], [sflag:$0x1] =	stream.indirect_vreg.gather [hbm4b:s23+s1], $0x80, v3, vm0, $0xb8;
	[tilespmem:$0x1DF00] =	vst v63  }
0x79: {  	_ =	swait.ge [sflag:s28], $0x800  }
0x7a: {  	[sflag:s28] =	ssyncset.done $0x0  }
0x7b: {  	[sflag:s28] =	ssyncadd.s32 $0xFFFFF800  }
0x7c: {  	[hbm4b:s16+s1] =	stream.linear.scatter [tilespmem:s26], [sflag:$0x2], $0x800, $0x38;
	[tilespmem:$0x1DF00] =	vst v63  }
0x7d: {  	_ =	swait.ge [sflag:s22], $0x800  }
0x7e: {  	[sflag:s22] =	ssyncset.done $0x0  }
0x7f: {  	[sflag:s22] =	ssyncadd.s32 $0xFFFFF800  }
0x80: {  	s23 =	simm.s32 $0x0;
	[bflag:$0x0] =	sbarrier.arrive $0xFFFF  }
.LBB2_4:
0x81: {  	s7 =	sadd.s32 s17, s23  }
0x82: {  	s7 =	sshll.u32 s7, $0x6  }
0x83: {  	s7 =	sadd.s32 s6, s7  }
0x84: {  	[tilespmem:s29], [sflag:$0x2] =	stream.linear.gather [hbm4b:s7+s1], $0x180, $0x38;
	[tilespmem:$0x1DF00] =	vst v63  }
0x85: {  	_ =	swait.ge [sflag:s22], $0x180  }
0x86: {  	[sflag:s22] =	ssyncset.done $0x0  }
0x87: {  	[sflag:s22] =	ssyncadd.s32 $0xFFFFFE80  }
0x88: {  	[tilespmem:s21], [sflag:$0x1] =	stream.indirect.gather [hbm4b:s5+s30], $0x80, s29, s30, $0xb8;
	[tilespmem:$0x1DF00] =	vst v63  }
0x89: {  	_ =	swait.ge [sflag:s28], $0x4000  }
0x8a: {  	[sflag:s28] =	ssyncset.done $0x0  }
0x8b: {  	[sflag:s28] =	ssyncadd.s32 $0xFFFFC000  }
0x8c: {  	v3 =	vld [tilespmem:$0x4F00]  }
0x8d: {  	v4 =	vld [tilespmem:$0x4F80];
	_ =	sdelay $0x6  }
0x8e: {  	v3 =	vld.idx.msk [tilespmem:v3+s1+$0x0], $0xffff  }
0x8f: {  	v4 =	vld.idx.msk [tilespmem:v4+s24+$0x0], $0xffff;
	_ =	sdelay $0x4  }
0x90: {  	v3 =	vadd.f32 v4, v3;
	_ =	sdelay $0x1  }
0x91: {  	v4 =	vmul.f32 $2.000000030e-01, v3  }
0x92: {  	vm1 =	vge.f32 v3, $0.0e+00  }
0x93: {  	v3 =	vsel vm1, v3, v4  }
0x94: {  	v3 =	vmul.f32 $1.442695020e+00, v3;
	_ =	sdelay $0x1  }
0x95: {  	(erf) = vpow2.f32 v3;
	_ =	sdelay $0x3  }
0x96: {  	v37 =	vld [tilespmem:$0x4F10]  }
0x97: {  	v3 =	vld [tilespmem:$0x5000]  }
0x98: {  	v5 =	vld [tilespmem:$0x4F90];
	_ =	sdelay $0x2  }
0x99: {  	v6 =	vpop (erf)  }
0x9a: {  	v3 =	vmul.f32 v6, v3;
	_ =	sdelay $0x1  }
0x9b: {  	[tilespmem:$0x5100] =	vst v3  }
0x9c: {  	v3 =	vld.idx.msk [tilespmem:v37+s1+$0x0], $0xffff  }
0x9d: {  	v38 =	vld.idx.msk [tilespmem:v5+s24+$0x0], $0xffff;
	_ =	sdelay $0x4  }
0x9e: {  	v3 =	vadd.f32 v38, v3;
	_ =	sdelay $0x1  }
0x9f: {  	v4 =	vmul.f32 $2.000000030e-01, v3  }
0xa0: {  	vm1 =	vge.f32 v3, $0.0e+00  }
0xa1: {  	v3 =	vsel vm1, v3, v4  }
0xa2: {  	v3 =	vmul.f32 $1.442695020e+00, v3;
	_ =	sdelay $0x1  }
0xa3: {  	(erf) = vpow2.f32 v3;
	_ =	sdelay $0x3  }
0xa4: {  	v39 =	vld [tilespmem:$0x4F20]  }
0xa5: {  	v3 =	vld [tilespmem:$0x5010]  }
0xa6: {  	v40 =	vld [tilespmem:$0x4FA0];
	_ =	sdelay $0x2  }
0xa7: {  	v41 =	vpop (erf)  }
0xa8: {  	v3 =	vmul.f32 v41, v3;
	_ =	sdelay $0x1  }
0xa9: {  	[tilespmem:$0x5110] =	vst v3  }
0xaa: {  	v3 =	vld.idx.msk [tilespmem:v39+s1+$0x0], $0xffff  }
0xab: {  	v42 =	vld.idx.msk [tilespmem:v40+s24+$0x0], $0xffff;
	_ =	sdelay $0x4  }
0xac: {  	v3 =	vadd.f32 v42, v3;
	_ =	sdelay $0x1  }
0xad: {  	v4 =	vmul.f32 $2.000000030e-01, v3  }
0xae: {  	vm1 =	vge.f32 v3, $0.0e+00  }
0xaf: {  	v3 =	vsel vm1, v3, v4  }
0xb0: {  	v3 =	vmul.f32 $1.442695020e+00, v3;
	_ =	sdelay $0x1  }
0xb1: {  	(erf) = vpow2.f32 v3;
	_ =	sdelay $0x3  }
0xb2: {  	v43 =	vld [tilespmem:$0x4F30]  }
0xb3: {  	v3 =	vld [tilespmem:$0x5020]  }
0xb4: {  	v44 =	vld [tilespmem:$0x4FB0];
	_ =	sdelay $0x2  }
0xb5: {  	v45 =	vpop (erf)  }
0xb6: {  	v3 =	vmul.f32 v45, v3;
	_ =	sdelay $0x1  }
0xb7: {  	[tilespmem:$0x5120] =	vst v3  }
0xb8: {  	v3 =	vld.idx.msk [tilespmem:v43+s1+$0x0], $0xffff  }
0xb9: {  	v46 =	vld.idx.msk [tilespmem:v44+s24+$0x0], $0xffff;
	_ =	sdelay $0x4  }
0xba: {  	v3 =	vadd.f32 v46, v3;
	_ =	sdelay $0x1  }
0xbb: {  	v4 =	vmul.f32 $2.000000030e-01, v3  }
0xbc: {  	vm1 =	vge.f32 v3, $0.0e+00  }
0xbd: {  	v3 =	vsel vm1, v3, v4  }
0xbe: {  	v3 =	vmul.f32 $1.442695020e+00, v3;
	_ =	sdelay $0x1  }
0xbf: {  	(erf) = vpow2.f32 v3;
	_ =	sdelay $0x3  }
0xc0: {  	v47 =	vld [tilespmem:$0x4F40]  }
0xc1: {  	v3 =	vld [tilespmem:$0x5030]  }
0xc2: {  	v48 =	vld [tilespmem:$0x4FC0];
	_ =	sdelay $0x2  }
0xc3: {  	v49 =	vpop (erf)  }
0xc4: {  	v3 =	vmul.f32 v49, v3;
	_ =	sdelay $0x1  }
0xc5: {  	[tilespmem:$0x5130] =	vst v3  }
0xc6: {  	v3 =	vld.idx.msk [tilespmem:v47+s1+$0x0], $0xffff  }
0xc7: {  	v50 =	vld.idx.msk [tilespmem:v48+s24+$0x0], $0xffff;
	_ =	sdelay $0x4  }
0xc8: {  	v3 =	vadd.f32 v50, v3;
	_ =	sdelay $0x1  }
0xc9: {  	v4 =	vmul.f32 $2.000000030e-01, v3  }
0xca: {  	vm1 =	vge.f32 v3, $0.0e+00  }
0xcb: {  	v3 =	vsel vm1, v3, v4  }
0xcc: {  	v3 =	vmul.f32 $1.442695020e+00, v3;
	_ =	sdelay $0x1  }
0xcd: {  	(erf) = vpow2.f32 v3;
	_ =	sdelay $0x3  }
0xce: {  	v51 =	vld [tilespmem:$0x4F50]  }
0xcf: {  	v3 =	vld [tilespmem:$0x5040]  }
0xd0: {  	v52 =	vld [tilespmem:$0x4FD0];
	_ =	sdelay $0x2  }
0xd1: {  	v53 =	vpop (erf)  }
0xd2: {  	v3 =	vmul.f32 v53, v3;
	_ =	sdelay $0x1  }
0xd3: {  	[tilespmem:$0x5140] =	vst v3  }
0xd4: {  	v3 =	vld.idx.msk [tilespmem:v51+s1+$0x0], $0xffff  }
0xd5: {  	v54 =	vld.idx.msk [tilespmem:v52+s24+$0x0], $0xffff;
	_ =	sdelay $0x4  }
0xd6: {  	v3 =	vadd.f32 v54, v3;
	_ =	sdelay $0x1  }
0xd7: {  	v4 =	vmul.f32 $2.000000030e-01, v3  }
0xd8: {  	vm1 =	vge.f32 v3, $0.0e+00  }
0xd9: {  	v3 =	vsel vm1, v3, v4  }
0xda: {  	v3 =	vmul.f32 $1.442695020e+00, v3;
	_ =	sdelay $0x1  }
0xdb: {  	(erf) = vpow2.f32 v3;
	_ =	sdelay $0x3  }
0xdc: {  	v55 =	vld [tilespmem:$0x4F60]  }
0xdd: {  	v3 =	vld [tilespmem:$0x5050]  }
0xde: {  	v56 =	vld [tilespmem:$0x4FE0];
	_ =	sdelay $0x2  }
0xdf: {  	v57 =	vpop (erf)  }
0xe0: {  	v3 =	vmul.f32 v57, v3;
	_ =	sdelay $0x1  }
0xe1: {  	[tilespmem:$0x5150] =	vst v3  }
0xe2: {  	v3 =	vld.idx.msk [tilespmem:v55+s1+$0x0], $0xffff  }
0xe3: {  	v58 =	vld.idx.msk [tilespmem:v56+s24+$0x0], $0xffff;
	_ =	sdelay $0x4  }
0xe4: {  	v3 =	vadd.f32 v58, v3;
	_ =	sdelay $0x1  }
0xe5: {  	v4 =	vmul.f32 $2.000000030e-01, v3  }
0xe6: {  	vm1 =	vge.f32 v3, $0.0e+00  }
0xe7: {  	v3 =	vsel vm1, v3, v4  }
0xe8: {  	v3 =	vmul.f32 $1.442695020e+00, v3;
	_ =	sdelay $0x1  }
0xe9: {  	(erf) = vpow2.f32 v3;
	_ =	sdelay $0x3  }
0xea: {  	v59 =	vld [tilespmem:$0x4F70]  }
0xeb: {  	v3 =	vld [tilespmem:$0x5060]  }
0xec: {  	v60 =	vld [tilespmem:$0x4FF0];
	_ =	sdelay $0x2  }
0xed: {  	v61 =	vpop (erf)  }
0xee: {  	v3 =	vmul.f32 v61, v3;
	_ =	sdelay $0x1  }
0xef: {  	[tilespmem:$0x5160] =	vst v3  }
0xf0: {  	v3 =	vld.idx.msk [tilespmem:v59+s1+$0x0], $0xffff  }
0xf1: {  	v62 =	vld.idx.msk [tilespmem:v60+s24+$0x0], $0xffff;
	_ =	sdelay $0x4  }
0xf2: {  	v3 =	vadd.f32 v62, v3;
	_ =	sdelay $0x1  }
0xf3: {  	v4 =	vmul.f32 $2.000000030e-01, v3  }
0xf4: {  	vm1 =	vge.f32 v3, $0.0e+00  }
0xf5: {  	v3 =	vsel vm1, v3, v4  }
0xf6: {  	v3 =	vmul.f32 $1.442695020e+00, v3;
	_ =	sdelay $0x1  }
0xf7: {  	(erf) = vpow2.f32 v3;
	_ =	sdelay $0x4  }
0xf8: {  	v3 =	vld [tilespmem:$0x5070];
	_ =	sdelay $0x3  }
0xf9: {  	v63 =	vpop (erf)  }
0xfa: {  	v3 =	vmul.f32 v63, v3;
	_ =	sdelay $0x1  }
0xfb: {  	s7 =	simm.s32 $0x0;
	[tilespmem:$0x5170] =	vst v3  }
.LBB2_5:
0xfc: {  	s8 =	sshll.u32 s7, $0x4  }
0xfd: {  	v3 =	vmov s8  }
0xfe: {  	v3 =	vbroadcast v3, $0x0;
	_ =	sdelay $0x2  }
0xff: {  	s9 =	sshll.u32 s7, $0xB  }
0x100: {  	s9 =	sand.u32 $0x3FFFF800, s9  }
0x101: {  	v4 =	vld [tilespmem:s9+$0x5180]  }
0x102: {  	v3 =	vld.idx.msk [tilespmem:v3+s31+$0x0], $0xffff  }
0x103: {  	v5 =	vld [tilespmem:s9+$0x5190]  }
0x104: {  	v6 =	vld [tilespmem:s9+$0x51A0]  }
0x105: {  	v7 =	vld [tilespmem:s9+$0x51B0]  }
0x106: {  	v8 =	vld [tilespmem:s9+$0x51C0]  }
0x107: {  	v9 =	vld [tilespmem:s9+$0x51D0];
	v4 =	vmul.f32 v4, v3  }
0x108: {  	v10 =	vld [tilespmem:s9+$0x51E0];
	v5 =	vmul.f32 v5, v3  }
0x109: {  	v37 =	vld [tilespmem:s9+$0x51F0];
	v36 =	vmul.f32 v6, v3;
	[tilespmem:s9+$0x5180] =	vst v4  }
0x10a: {  	s11 =	sor.u32 $0x1, s8;
	v38 =	vmul.f32 v7, v3;
	[tilespmem:s9+$0x5190] =	vst v5  }
0x10b: {  	v39 =	vmov s11;
	v40 =	vmul.f32 v8, v3;
	[tilespmem:s9+$0x51A0] =	vst v36  }
0x10c: {  	v7 =	vbroadcast v39, $0x0;
	v41 =	vmul.f32 v9, v3;
	[tilespmem:s9+$0x51B0] =	vst v38  }
0x10d: {  	v42 =	vmul.f32 v10, v3;
	[tilespmem:s9+$0x51C0] =	vst v40  }
0x10e: {  	v3 =	vmul.f32 v37, v3;
	[tilespmem:s9+$0x51D0] =	vst v41  }
0x10f: {  	s11 =	sshll.u32 s11, $0x7;
	[tilespmem:s9+$0x51E0] =	vst v42  }
0x110: {  	[tilespmem:s9+$0x51F0] =	vst v3;
	s9 =	sand.u32 $0x3FFFF880, s11  }
0x111: {  	v4 =	vld [tilespmem:s9+$0x5180]  }
0x112: {  	v3 =	vld.idx.msk [tilespmem:v7+s31+$0x0], $0xffff  }
0x113: {  	v5 =	vld [tilespmem:s9+$0x5190]  }
0x114: {  	v43 =	vld [tilespmem:s9+$0x51A0]  }
0x115: {  	v44 =	vld [tilespmem:s9+$0x51B0]  }
0x116: {  	v45 =	vld [tilespmem:s9+$0x51C0]  }
0x117: {  	v46 =	vld [tilespmem:s9+$0x51D0];
	v4 =	vmul.f32 v4, v3  }
0x118: {  	v47 =	vld [tilespmem:s9+$0x51E0];
	v5 =	vmul.f32 v5, v3  }
0x119: {  	s11 =	sor.u32 $0x2, s8;
	v49 =	vld [tilespmem:s9+$0x51F0];
	v48 =	vmul.f32 v43, v3;
	[tilespmem:s9+$0x5180] =	vst v4  }
0x11a: {  	v51 =	vmov s11;
	v50 =	vmul.f32 v44, v3;
	[tilespmem:s9+$0x5190] =	vst v5  }
0x11b: {  	v7 =	vbroadcast v51, $0x0;
	v52 =	vmul.f32 v45, v3;
	[tilespmem:s9+$0x51A0] =	vst v48  }
0x11c: {  	v53 =	vmul.f32 v46, v3;
	[tilespmem:s9+$0x51B0] =	vst v50  }
0x11d: {  	v54 =	vmul.f32 v47, v3;
	[tilespmem:s9+$0x51C0] =	vst v52  }
0x11e: {  	v3 =	vmul.f32 v49, v3;
	[tilespmem:s9+$0x51D0] =	vst v53  }
0x11f: {  	[tilespmem:s9+$0x51E0] =	vst v54  }
0x120: {  	s11 =	sshll.u32 s11, $0x7;
	[tilespmem:s9+$0x51F0] =	vst v3  }
0x121: {  	s9 =	sand.u32 $0x3FFFF900, s11;
	v3 =	vld.idx.msk [tilespmem:v7+s31+$0x0], $0xffff  }
0x122: {  	v4 =	vld [tilespmem:s9+$0x5180]  }
0x123: {  	v5 =	vld [tilespmem:s9+$0x5190]  }
0x124: {  	v55 =	vld [tilespmem:s9+$0x51A0]  }
0x125: {  	v56 =	vld [tilespmem:s9+$0x51B0]  }
0x126: {  	v57 =	vld [tilespmem:s9+$0x51C0]  }
0x127: {  	v58 =	vld [tilespmem:s9+$0x51D0];
	v4 =	vmul.f32 v4, v3  }
0x128: {  	v59 =	vld [tilespmem:s9+$0x51E0];
	v5 =	vmul.f32 v5, v3  }
0x129: {  	s11 =	sor.u32 $0x3, s8;
	v61 =	vld [tilespmem:s9+$0x51F0];
	v60 =	vmul.f32 v55, v3;
	[tilespmem:s9+$0x5180] =	vst v4  }
0x12a: {  	v63 =	vmov s11;
	v62 =	vmul.f32 v56, v3;
	[tilespmem:s9+$0x5190] =	vst v5  }
0x12b: {  	v7 =	vbroadcast v63, $0x0;
	v11 =	vmul.f32 v57, v3;
	[tilespmem:s9+$0x51A0] =	vst v60  }
0x12c: {  	v12 =	vmul.f32 v58, v3;
	[tilespmem:s9+$0x51B0] =	vst v62  }
0x12d: {  	v13 =	vmul.f32 v59, v3;
	[tilespmem:s9+$0x51C0] =	vst v11  }
0x12e: {  	v3 =	vmul.f32 v61, v3;
	[tilespmem:s9+$0x51D0] =	vst v12  }
0x12f: {  	[tilespmem:s9+$0x51E0] =	vst v13  }
0x130: {  	s11 =	sshll.u32 s11, $0x7;
	[tilespmem:s9+$0x51F0] =	vst v3  }
0x131: {  	s9 =	sand.u32 $0x3FFFF980, s11;
	v3 =	vld.idx.msk [tilespmem:v7+s31+$0x0], $0xffff  }
0x132: {  	v4 =	vld [tilespmem:s9+$0x5180]  }
0x133: {  	v5 =	vld [tilespmem:s9+$0x5190]  }
0x134: {  	v14 =	vld [tilespmem:s9+$0x51A0]  }
0x135: {  	v15 =	vld [tilespmem:s9+$0x51B0]  }
0x136: {  	v16 =	vld [tilespmem:s9+$0x51C0]  }
0x137: {  	v17 =	vld [tilespmem:s9+$0x51D0];
	v4 =	vmul.f32 v4, v3  }
0x138: {  	v18 =	vld [tilespmem:s9+$0x51E0];
	v5 =	vmul.f32 v5, v3  }
0x139: {  	s11 =	sor.u32 $0x4, s8;
	v20 =	vld [tilespmem:s9+$0x51F0];
	v19 =	vmul.f32 v14, v3;
	[tilespmem:s9+$0x5180] =	vst v4  }
0x13a: {  	v22 =	vmov s11;
	v21 =	vmul.f32 v15, v3;
	[tilespmem:s9+$0x5190] =	vst v5  }
0x13b: {  	v7 =	vbroadcast v22, $0x0;
	v23 =	vmul.f32 v16, v3;
	[tilespmem:s9+$0x51A0] =	vst v19  }
0x13c: {  	v24 =	vmul.f32 v17, v3;
	[tilespmem:s9+$0x51B0] =	vst v21  }
0x13d: {  	v25 =	vmul.f32 v18, v3;
	[tilespmem:s9+$0x51C0] =	vst v23  }
0x13e: {  	v3 =	vmul.f32 v20, v3;
	[tilespmem:s9+$0x51D0] =	vst v24  }
0x13f: {  	[tilespmem:s9+$0x51E0] =	vst v25  }
0x140: {  	s11 =	sshll.u32 s11, $0x7;
	[tilespmem:s9+$0x51F0] =	vst v3  }
0x141: {  	s9 =	sand.u32 $0x3FFFFA00, s11;
	v3 =	vld.idx.msk [tilespmem:v7+s31+$0x0], $0xffff  }
0x142: {  	v4 =	vld [tilespmem:s9+$0x5180]  }
0x143: {  	v5 =	vld [tilespmem:s9+$0x5190]  }
0x144: {  	v26 =	vld [tilespmem:s9+$0x51A0]  }
0x145: {  	v27 =	vld [tilespmem:s9+$0x51B0]  }
0x146: {  	v28 =	vld [tilespmem:s9+$0x51C0]  }
0x147: {  	v29 =	vld [tilespmem:s9+$0x51D0];
	v4 =	vmul.f32 v4, v3  }
0x148: {  	v30 =	vld [tilespmem:s9+$0x51E0];
	v5 =	vmul.f32 v5, v3  }
0x149: {  	s11 =	sor.u32 $0x5, s8;
	v32 =	vld [tilespmem:s9+$0x51F0];
	v31 =	vmul.f32 v26, v3;
	[tilespmem:s9+$0x5180] =	vst v4  }
0x14a: {  	v34 =	vmov s11;
	v33 =	vmul.f32 v27, v3;
	[tilespmem:s9+$0x5190] =	vst v5  }
0x14b: {  	v7 =	vbroadcast v34, $0x0;
	v35 =	vmul.f32 v28, v3;
	[tilespmem:s9+$0x51A0] =	vst v31  }
0x14c: {  	v36 =	vmul.f32 v29, v3;
	[tilespmem:s9+$0x51B0] =	vst v33  }
0x14d: {  	v37 =	vmul.f32 v30, v3;
	[tilespmem:s9+$0x51C0] =	vst v35  }
0x14e: {  	v3 =	vmul.f32 v32, v3;
	[tilespmem:s9+$0x51D0] =	vst v36  }
0x14f: {  	[tilespmem:s9+$0x51E0] =	vst v37  }
0x150: {  	s11 =	sshll.u32 s11, $0x7;
	[tilespmem:s9+$0x51F0] =	vst v3  }
0x151: {  	s9 =	sand.u32 $0x3FFFFA80, s11;
	v3 =	vld.idx.msk [tilespmem:v7+s31+$0x0], $0xffff  }
0x152: {  	v4 =	vld [tilespmem:s9+$0x5180]  }
0x153: {  	v5 =	vld [tilespmem:s9+$0x5190]  }
0x154: {  	v38 =	vld [tilespmem:s9+$0x51A0]  }
0x155: {  	v39 =	vld [tilespmem:s9+$0x51B0]  }
0x156: {  	v40 =	vld [tilespmem:s9+$0x51C0]  }
0x157: {  	v41 =	vld [tilespmem:s9+$0x51D0];
	v4 =	vmul.f32 v4, v3  }
0x158: {  	v42 =	vld [tilespmem:s9+$0x51E0];
	v5 =	vmul.f32 v5, v3  }
0x159: {  	s11 =	sor.u32 $0x6, s8;
	v44 =	vld [tilespmem:s9+$0x51F0];
	v43 =	vmul.f32 v38, v3;
	[tilespmem:s9+$0x5180] =	vst v4  }
0x15a: {  	v46 =	vmov s11;
	v45 =	vmul.f32 v39, v3;
	[tilespmem:s9+$0x5190] =	vst v5  }
0x15b: {  	v7 =	vbroadcast v46, $0x0;
	v47 =	vmul.f32 v40, v3;
	[tilespmem:s9+$0x51A0] =	vst v43  }
0x15c: {  	v48 =	vmul.f32 v41, v3;
	[tilespmem:s9+$0x51B0] =	vst v45  }
0x15d: {  	v49 =	vmul.f32 v42, v3;
	[tilespmem:s9+$0x51C0] =	vst v47  }
0x15e: {  	v3 =	vmul.f32 v44, v3;
	[tilespmem:s9+$0x51D0] =	vst v48  }
0x15f: {  	[tilespmem:s9+$0x51E0] =	vst v49  }
0x160: {  	s11 =	sshll.u32 s11, $0x7;
	[tilespmem:s9+$0x51F0] =	vst v3  }
0x161: {  	s9 =	sand.u32 $0x3FFFFB00, s11;
	v3 =	vld.idx.msk [tilespmem:v7+s31+$0x0], $0xffff  }
0x162: {  	v4 =	vld [tilespmem:s9+$0x5180]  }
0x163: {  	v5 =	vld [tilespmem:s9+$0x5190]  }
0x164: {  	v50 =	vld [tilespmem:s9+$0x51A0]  }
0x165: {  	v51 =	vld [tilespmem:s9+$0x51B0]  }
0x166: {  	v52 =	vld [tilespmem:s9+$0x51C0]  }
0x167: {  	v53 =	vld [tilespmem:s9+$0x51D0];
	v4 =	vmul.f32 v4, v3  }
0x168: {  	v54 =	vld [tilespmem:s9+$0x51E0];
	v5 =	vmul.f32 v5, v3  }
0x169: {  	s11 =	sor.u32 $0x7, s8;
	v56 =	vld [tilespmem:s9+$0x51F0];
	v55 =	vmul.f32 v50, v3;
	[tilespmem:s9+$0x5180] =	vst v4  }
0x16a: {  	v58 =	vmov s11;
	v57 =	vmul.f32 v51, v3;
	[tilespmem:s9+$0x5190] =	vst v5  }
0x16b: {  	v7 =	vbroadcast v58, $0x0;
	v59 =	vmul.f32 v52, v3;
	[tilespmem:s9+$0x51A0] =	vst v55  }
0x16c: {  	v60 =	vmul.f32 v53, v3;
	[tilespmem:s9+$0x51B0] =	vst v57  }
0x16d: {  	v61 =	vmul.f32 v54, v3;
	[tilespmem:s9+$0x51C0] =	vst v59  }
0x16e: {  	v3 =	vmul.f32 v56, v3;
	[tilespmem:s9+$0x51D0] =	vst v60  }
0x16f: {  	[tilespmem:s9+$0x51E0] =	vst v61  }
0x170: {  	s11 =	sshll.u32 s11, $0x7;
	[tilespmem:s9+$0x51F0] =	vst v3  }
0x171: {  	s9 =	sand.u32 $0x3FFFFB80, s11;
	v3 =	vld.idx.msk [tilespmem:v7+s31+$0x0], $0xffff  }
0x172: {  	v4 =	vld [tilespmem:s9+$0x5180]  }
0x173: {  	v5 =	vld [tilespmem:s9+$0x5190]  }
0x174: {  	v62 =	vld [tilespmem:s9+$0x51A0]  }
0x175: {  	v63 =	vld [tilespmem:s9+$0x51B0]  }
0x176: {  	v12 =	vld [tilespmem:s9+$0x51C0]  }
0x177: {  	v13 =	vld [tilespmem:s9+$0x51D0];
	v4 =	vmul.f32 v4, v3  }
0x178: {  	v14 =	vld [tilespmem:s9+$0x51E0];
	v5 =	vmul.f32 v5, v3  }
0x179: {  	s11 =	sor.u32 $0x8, s8;
	v16 =	vld [tilespmem:s9+$0x51F0];
	v15 =	vmul.f32 v62, v3;
	[tilespmem:s9+$0x5180] =	vst v4  }
0x17a: {  	v18 =	vmov s11;
	v17 =	vmul.f32 v63, v3;
	[tilespmem:s9+$0x5190] =	vst v5  }
0x17b: {  	v7 =	vbroadcast v18, $0x0;
	v19 =	vmul.f32 v12, v3;
	[tilespmem:s9+$0x51A0] =	vst v15  }
0x17c: {  	v20 =	vmul.f32 v13, v3;
	[tilespmem:s9+$0x51B0] =	vst v17  }
0x17d: {  	v21 =	vmul.f32 v14, v3;
	[tilespmem:s9+$0x51C0] =	vst v19  }
0x17e: {  	v3 =	vmul.f32 v16, v3;
	[tilespmem:s9+$0x51D0] =	vst v20  }
0x17f: {  	[tilespmem:s9+$0x51E0] =	vst v21  }
0x180: {  	s11 =	sshll.u32 s11, $0x7;
	[tilespmem:s9+$0x51F0] =	vst v3  }
0x181: {  	s9 =	sand.u32 $0x3FFFFC00, s11;
	v3 =	vld.idx.msk [tilespmem:v7+s31+$0x0], $0xffff  }
0x182: {  	v4 =	vld [tilespmem:s9+$0x5180]  }
0x183: {  	v5 =	vld [tilespmem:s9+$0x5190]  }
0x184: {  	v22 =	vld [tilespmem:s9+$0x51A0]  }
0x185: {  	v23 =	vld [tilespmem:s9+$0x51B0]  }
0x186: {  	v24 =	vld [tilespmem:s9+$0x51C0]  }
0x187: {  	v25 =	vld [tilespmem:s9+$0x51D0];
	v4 =	vmul.f32 v4, v3  }
0x188: {  	v26 =	vld [tilespmem:s9+$0x51E0];
	v5 =	vmul.f32 v5, v3  }
0x189: {  	s11 =	sor.u32 $0x9, s8;
	v28 =	vld [tilespmem:s9+$0x51F0];
	v27 =	vmul.f32 v22, v3;
	[tilespmem:s9+$0x5180] =	vst v4  }
0x18a: {  	v30 =	vmov s11;
	v29 =	vmul.f32 v23, v3;
	[tilespmem:s9+$0x5190] =	vst v5  }
0x18b: {  	v7 =	vbroadcast v30, $0x0;
	v31 =	vmul.f32 v24, v3;
	[tilespmem:s9+$0x51A0] =	vst v27  }
0x18c: {  	v32 =	vmul.f32 v25, v3;
	[tilespmem:s9+$0x51B0] =	vst v29  }
0x18d: {  	v33 =	vmul.f32 v26, v3;
	[tilespmem:s9+$0x51C0] =	vst v31  }
0x18e: {  	v3 =	vmul.f32 v28, v3;
	[tilespmem:s9+$0x51D0] =	vst v32  }
0x18f: {  	[tilespmem:s9+$0x51E0] =	vst v33  }
0x190: {  	s11 =	sshll.u32 s11, $0x7;
	[tilespmem:s9+$0x51F0] =	vst v3  }
0x191: {  	s9 =	sand.u32 $0x3FFFFC80, s11;
	v3 =	vld.idx.msk [tilespmem:v7+s31+$0x0], $0xffff  }
0x192: {  	v4 =	vld [tilespmem:s9+$0x5180]  }
0x193: {  	v5 =	vld [tilespmem:s9+$0x5190]  }
0x194: {  	v34 =	vld [tilespmem:s9+$0x51A0]  }
0x195: {  	v35 =	vld [tilespmem:s9+$0x51B0]  }
0x196: {  	v36 =	vld [tilespmem:s9+$0x51C0]  }
0x197: {  	v37 =	vld [tilespmem:s9+$0x51D0];
	v4 =	vmul.f32 v4, v3  }
0x198: {  	v38 =	vld [tilespmem:s9+$0x51E0];
	v5 =	vmul.f32 v5, v3  }
0x199: {  	s11 =	sor.u32 $0xA, s8;
	v40 =	vld [tilespmem:s9+$0x51F0];
	v39 =	vmul.f32 v34, v3;
	[tilespmem:s9+$0x5180] =	vst v4  }
0x19a: {  	v42 =	vmov s11;
	v41 =	vmul.f32 v35, v3;
	[tilespmem:s9+$0x5190] =	vst v5  }
0x19b: {  	v7 =	vbroadcast v42, $0x0;
	v43 =	vmul.f32 v36, v3;
	[tilespmem:s9+$0x51A0] =	vst v39  }
0x19c: {  	v44 =	vmul.f32 v37, v3;
	[tilespmem:s9+$0x51B0] =	vst v41  }
0x19d: {  	v45 =	vmul.f32 v38, v3;
	[tilespmem:s9+$0x51C0] =	vst v43  }
0x19e: {  	v3 =	vmul.f32 v40, v3;
	[tilespmem:s9+$0x51D0] =	vst v44  }
0x19f: {  	[tilespmem:s9+$0x51E0] =	vst v45  }
0x1a0: {  	s11 =	sshll.u32 s11, $0x7;
	[tilespmem:s9+$0x51F0] =	vst v3  }
0x1a1: {  	s9 =	sand.u32 $0x3FFFFD00, s11;
	v3 =	vld.idx.msk [tilespmem:v7+s31+$0x0], $0xffff  }
0x1a2: {  	v4 =	vld [tilespmem:s9+$0x5180]  }
0x1a3: {  	v5 =	vld [tilespmem:s9+$0x5190]  }
0x1a4: {  	v46 =	vld [tilespmem:s9+$0x51A0]  }
0x1a5: {  	v47 =	vld [tilespmem:s9+$0x51B0]  }
0x1a6: {  	v48 =	vld [tilespmem:s9+$0x51C0]  }
0x1a7: {  	v49 =	vld [tilespmem:s9+$0x51D0];
	v4 =	vmul.f32 v4, v3  }
0x1a8: {  	v50 =	vld [tilespmem:s9+$0x51E0];
	v5 =	vmul.f32 v5, v3  }
0x1a9: {  	s11 =	sor.u32 $0xB, s8;
	v52 =	vld [tilespmem:s9+$0x51F0];
	v51 =	vmul.f32 v46, v3;
	[tilespmem:s9+$0x5180] =	vst v4  }
0x1aa: {  	v54 =	vmov s11;
	v53 =	vmul.f32 v47, v3;
	[tilespmem:s9+$0x5190] =	vst v5  }
0x1ab: {  	v7 =	vbroadcast v54, $0x0;
	v55 =	vmul.f32 v48, v3;
	[tilespmem:s9+$0x51A0] =	vst v51  }
0x1ac: {  	v56 =	vmul.f32 v49, v3;
	[tilespmem:s9+$0x51B0] =	vst v53  }
0x1ad: {  	v57 =	vmul.f32 v50, v3;
	[tilespmem:s9+$0x51C0] =	vst v55  }
0x1ae: {  	v3 =	vmul.f32 v52, v3;
	[tilespmem:s9+$0x51D0] =	vst v56  }
0x1af: {  	[tilespmem:s9+$0x51E0] =	vst v57  }
0x1b0: {  	s11 =	sshll.u32 s11, $0x7;
	[tilespmem:s9+$0x51F0] =	vst v3  }
0x1b1: {  	s9 =	sand.u32 $0x3FFFFD80, s11;
	v3 =	vld.idx.msk [tilespmem:v7+s31+$0x0], $0xffff  }
0x1b2: {  	v4 =	vld [tilespmem:s9+$0x5180]  }
0x1b3: {  	v5 =	vld [tilespmem:s9+$0x5190]  }
0x1b4: {  	v58 =	vld [tilespmem:s9+$0x51A0]  }
0x1b5: {  	v59 =	vld [tilespmem:s9+$0x51B0]  }
0x1b6: {  	v60 =	vld [tilespmem:s9+$0x51C0]  }
0x1b7: {  	v61 =	vld [tilespmem:s9+$0x51D0];
	v4 =	vmul.f32 v4, v3  }
0x1b8: {  	v62 =	vld [tilespmem:s9+$0x51E0];
	v5 =	vmul.f32 v5, v3  }
0x1b9: {  	s11 =	sor.u32 $0xC, s8;
	v11 =	vld [tilespmem:s9+$0x51F0];
	v63 =	vmul.f32 v58, v3;
	[tilespmem:s9+$0x5180] =	vst v4  }
0x1ba: {  	v13 =	vmov s11;
	v12 =	vmul.f32 v59, v3;
	[tilespmem:s9+$0x5190] =	vst v5  }
0x1bb: {  	v7 =	vbroadcast v13, $0x0;
	v14 =	vmul.f32 v60, v3;
	[tilespmem:s9+$0x51A0] =	vst v63  }
0x1bc: {  	v15 =	vmul.f32 v61, v3;
	[tilespmem:s9+$0x51B0] =	vst v12  }
0x1bd: {  	v16 =	vmul.f32 v62, v3;
	[tilespmem:s9+$0x51C0] =	vst v14  }
0x1be: {  	v3 =	vmul.f32 v11, v3;
	[tilespmem:s9+$0x51D0] =	vst v15  }
0x1bf: {  	[tilespmem:s9+$0x51E0] =	vst v16  }
0x1c0: {  	s11 =	sshll.u32 s11, $0x7;
	[tilespmem:s9+$0x51F0] =	vst v3  }
0x1c1: {  	s9 =	sand.u32 $0x3FFFFE00, s11;
	v3 =	vld.idx.msk [tilespmem:v7+s31+$0x0], $0xffff  }
0x1c2: {  	v4 =	vld [tilespmem:s9+$0x5180]  }
0x1c3: {  	v5 =	vld [tilespmem:s9+$0x5190]  }
0x1c4: {  	v17 =	vld [tilespmem:s9+$0x51A0]  }
0x1c5: {  	v18 =	vld [tilespmem:s9+$0x51B0]  }
0x1c6: {  	v19 =	vld [tilespmem:s9+$0x51C0]  }
0x1c7: {  	v20 =	vld [tilespmem:s9+$0x51D0];
	v4 =	vmul.f32 v4, v3  }
0x1c8: {  	v21 =	vld [tilespmem:s9+$0x51E0];
	v5 =	vmul.f32 v5, v3  }
0x1c9: {  	s11 =	sor.u32 $0xD, s8;
	v23 =	vld [tilespmem:s9+$0x51F0];
	v22 =	vmul.f32 v17, v3;
	[tilespmem:s9+$0x5180] =	vst v4  }
0x1ca: {  	v25 =	vmov s11;
	v24 =	vmul.f32 v18, v3;
	[tilespmem:s9+$0x5190] =	vst v5  }
0x1cb: {  	v7 =	vbroadcast v25, $0x0;
	v26 =	vmul.f32 v19, v3;
	[tilespmem:s9+$0x51A0] =	vst v22  }
0x1cc: {  	v27 =	vmul.f32 v20, v3;
	[tilespmem:s9+$0x51B0] =	vst v24  }
0x1cd: {  	v28 =	vmul.f32 v21, v3;
	[tilespmem:s9+$0x51C0] =	vst v26  }
0x1ce: {  	v3 =	vmul.f32 v23, v3;
	[tilespmem:s9+$0x51D0] =	vst v27  }
0x1cf: {  	[tilespmem:s9+$0x51E0] =	vst v28  }
0x1d0: {  	s11 =	sshll.u32 s11, $0x7;
	[tilespmem:s9+$0x51F0] =	vst v3  }
0x1d1: {  	s9 =	sand.u32 $0x3FFFFE80, s11;
	v3 =	vld.idx.msk [tilespmem:v7+s31+$0x0], $0xffff  }
0x1d2: {  	v4 =	vld [tilespmem:s9+$0x5180]  }
0x1d3: {  	v5 =	vld [tilespmem:s9+$0x5190]  }
0x1d4: {  	v29 =	vld [tilespmem:s9+$0x51A0]  }
0x1d5: {  	v30 =	vld [tilespmem:s9+$0x51B0]  }
0x1d6: {  	v31 =	vld [tilespmem:s9+$0x51C0]  }
0x1d7: {  	v32 =	vld [tilespmem:s9+$0x51D0];
	v4 =	vmul.f32 v4, v3  }
0x1d8: {  	v33 =	vld [tilespmem:s9+$0x51E0];
	v5 =	vmul.f32 v5, v3  }
0x1d9: {  	s8 =	sor.u32 $0xE, s8;
	v35 =	vld [tilespmem:s9+$0x51F0];
	v34 =	vmul.f32 v29, v3;
	[tilespmem:s9+$0x5180] =	vst v4  }
0x1da: {  	v37 =	vmov s8;
	v36 =	vmul.f32 v30, v3;
	[tilespmem:s9+$0x5190] =	vst v5  }
0x1db: {  	v7 =	vbroadcast v37, $0x0;
	v38 =	vmul.f32 v31, v3;
	[tilespmem:s9+$0x51A0] =	vst v34  }
0x1dc: {  	v39 =	vmul.f32 v32, v3;
	[tilespmem:s9+$0x51B0] =	vst v36  }
0x1dd: {  	v40 =	vmul.f32 v33, v3;
	[tilespmem:s9+$0x51C0] =	vst v38  }
0x1de: {  	v3 =	vmul.f32 v35, v3;
	[tilespmem:s9+$0x51D0] =	vst v39  }
0x1df: {  	[tilespmem:s9+$0x51E0] =	vst v40  }
0x1e0: {  	s8 =	sshll.u32 s8, $0x7;
	[tilespmem:s9+$0x51F0] =	vst v3  }
0x1e1: {  	s8 =	sand.u32 $0x3FFFFF00, s8;
	v3 =	vld.idx.msk [tilespmem:v7+s31+$0x0], $0xffff  }
0x1e2: {  	v4 =	vld [tilespmem:s8+$0x5180]  }
0x1e3: {  	v5 =	vld [tilespmem:s8+$0x5190]  }
0x1e4: {  	v41 =	vld [tilespmem:s8+$0x51A0]  }
0x1e5: {  	v42 =	vld [tilespmem:s8+$0x51B0]  }
0x1e6: {  	v43 =	vld [tilespmem:s8+$0x51C0]  }
0x1e7: {  	v44 =	vld [tilespmem:s8+$0x51D0];
	v4 =	vmul.f32 v4, v3  }
0x1e8: {  	v45 =	vld [tilespmem:s8+$0x51E0];
	v5 =	vmul.f32 v5, v3  }
0x1e9: {  	v47 =	vld [tilespmem:s8+$0x51F0];
	v46 =	vmul.f32 v41, v3;
	[tilespmem:s8+$0x5180] =	vst v4  }
0x1ea: {  	v48 =	vmul.f32 v42, v3;
	[tilespmem:s8+$0x5190] =	vst v5  }
0x1eb: {  	s11 =	sshllo.u32 s7, $0x4;
	v49 =	vmul.f32 v43, v3;
	[tilespmem:s8+$0x51A0] =	vst v46  }
0x1ec: {  	v51 =	vmov s11;
	v50 =	vmul.f32 v44, v3;
	[tilespmem:s8+$0x51B0] =	vst v48  }
0x1ed: {  	v52 =	vmul.f32 v45, v3;
	[tilespmem:s8+$0x51C0] =	vst v49  }
0x1ee: {  	v3 =	vmul.f32 v47, v3;
	[tilespmem:s8+$0x51D0] =	vst v50  }
0x1ef: {  	[tilespmem:s8+$0x51E0] =	vst v52  }
0x1f0: {  	s11 =	sshll.u32 s11, $0x7;
	[tilespmem:s8+$0x51F0] =	vst v3  }
0x1f1: {  	s8 =	sand.u32 $0x3FFFFF80, s11;
	v3 =	vld.idx.msk [tilespmem:v51+s31+$0x0], $0xffff  }
0x1f2: {  	v4 =	vld [tilespmem:s8+$0x5180]  }
0x1f3: {  	v5 =	vld [tilespmem:s8+$0x5190]  }
0x1f4: {  	v53 =	vld [tilespmem:s8+$0x51A0]  }
0x1f5: {  	v54 =	vld [tilespmem:s8+$0x51B0]  }
0x1f6: {  	v55 =	vld [tilespmem:s8+$0x51C0]  }
0x1f7: {  	v56 =	vld [tilespmem:s8+$0x51D0];
	v4 =	vmul.f32 v4, v3  }
0x1f8: {  	v57 =	vld [tilespmem:s8+$0x51E0];
	v5 =	vmul.f32 v5, v3  }
0x1f9: {  	v59 =	vld [tilespmem:s8+$0x51F0];
	v58 =	vmul.f32 v53, v3;
	[tilespmem:s8+$0x5180] =	vst v4  }
0x1fa: {  	v60 =	vmul.f32 v54, v3;
	[tilespmem:s8+$0x5190] =	vst v5  }
0x1fb: {  	p1 =	sne.s32 s7, $0x7;
	v61 =	vmul.f32 v55, v3;
	[tilespmem:s8+$0x51A0] =	vst v58  }
.Ltmp1:
0x1fc: {  	v62 =	vmul.f32 v56, v3;
	[tilespmem:s8+$0x51B0] =	vst v60;
	(pc) =	sbr.rel @p1 .LBB2_5-.Ltmp1, $4  }
0x1fd: {  	v63 =	vmul.f32 v57, v3;
	[tilespmem:s8+$0x51C0] =	vst v61  }
0x1fe: {  	v3 =	vmul.f32 v59, v3;
	[tilespmem:s8+$0x51D0] =	vst v62  }
0x1ff: {  	[tilespmem:s8+$0x51E0] =	vst v63  }
0x200: {  	s7 =	sadd.s32 $0x1, s7;
	[tilespmem:s8+$0x51F0] =	vst v3  }
0x201: {  	[spmem:s2] =	stream.indirect.scatter.add.f32 [tilespmem:s21], [sflag:$0x2], $0x80, s0, s30, $0xb8;
	[tilespmem:$0x1DF00] =	vst v63  }
0x202: {  	s23 =	sadd.s32 $0x1, s23;
	_ =	swait.ge [sflag:s22], $0x4000  }
0x203: {  	p1 =	sne.s32 s23, $0x50;
	[sflag:s22] =	ssyncset.done $0x0  }
.Ltmp2:
0x204: {  	[sflag:s22] =	ssyncadd.s32 $0xFFFFC000;
	(pc) =	sbr.rel @p1 .LBB2_4-.Ltmp2, $4  }
0x205: {  	[spmem:s3] =	stream.indirect.scatter.add.f32 [tilespmem:s31], [sflag:$0x2], $0x1, s0, s30, $0xb8;
	[tilespmem:$0x1DF00] =	vst v63  }
0x206: {  	_ =	swait.ge [sflag:s22], $0x80  }
0x207: {  	[sflag:s22] =	ssyncset.done $0x0  }
0x208: {  	[sflag:s22] =	ssyncadd.s32 $0xFFFFFF80  }
0x209: {  	[bflag:$0x0] =	sbarrier.arrive $0xFFFF;
	s1 =	sshrl.u32 @!p0 s2, $0x3;
	s7 =	simm.s32 @!p0 $0x1C02  }
0x20a: {  	[hbm:s18], [sflag:s7] =	dma.local @!p0 [spmem:s1], $0x27100  }
0x20b: {  	s8 =	sshrl.u32 @!p0 s3, $0x3;
	s1 =	simm.s32 @!p0 $0x2  }
0x20c: {  	s9 =	simm.s32 @!p0 $0x1;
	s4 =	sadd.s32 $0x1, s4;
	_ =	swait.ge @!p0 [sflag:s1], $0x27100  }
0x20d: {  	s11 =	simm.s32 @!p0 $0x20;
	p1 =	sne.s32 s4, s20;
	[sflag:s1] =	ssyncset.done @!p0 $0x0  }
.Ltmp3:
0x20e: {  	s23 =	simm.s32 @!p0 $0x10;
	[sflag:s1] =	ssyncadd.s32 @!p0 $0xFFFD8F00;
	(pc) =	sbr.rel @p1 .LBB2_1-.Ltmp3, $4  }
0x20f: {  	[hbm:s19@s11], [sflag:s7] =	dma.strided @!p0 [spmem:s8@s23], $0x500, s9, $0x10   }
0x210: {  	_ =	swait.ge @!p0 [sflag:s1], $0x500  }
0x211: {  	[sflag:s1] =	ssyncset.done @!p0 $0x0  }
0x212: {  	[sflag:s1] =	ssyncadd.s32 @!p0 $0xFFFFFB00  }
0x213: {  	_ =	sfence.sel $0x180000  }
0x214: {  	[bflag:$0x0] =	sbarrier.arrive $0xFFFF  }
0x215: {  	_ =	strace $0x90000047  }
0x216: {  	[bflag:$0x2] =	sbarrier.arrive $0xFFFF  }
0x217: {  	s0 =	rddreg [dreg:$0x5]  }
0x218: {  	s0 =	sadd.s32 @!p0 $0x100000, s0  }
0x219: {  	[sflag:s0] =	ssyncadd.tile.s32 @!p0 $0x1;
	_ =	shalt  }
.Lfunc_end2:
_tile_overlayer_lowered:
.L_overlay_start_2:
0x21a: {  	(tag) =	ssettag $0x2  }
0x21b: {  	s0 =	rddreg [dreg:$0x0];
	s2 =	stileid.u32  }
0x21c: {  	s1 =	rddreg [dreg:$0x1];
	p0 =	sne.s32 s2, $0x0  }
0x21d: {  	s3 =	rddreg [dreg:$0x2];
	[bflag:$0x3] =	sbarrier.arrive $0xFFFF;
	s2 =	simm.s32 @!p0 $0x1C02  }
0x21e: {  	[timem:s3], [sflag:s2] =	dma.local @!p0 [hbm:s0], s1  }
0x21f: {  	s0 =	simm.s32 @!p0 $0x2  }
0x220: {  	_ =	swait.ge @!p0 [sflag:s0], s1  }
0x221: {  	s1 =	ssub.s32 @!p0 $0x0, s1;
	[sflag:s0] =	ssyncset.done @!p0 $0x0  }
0x222: {  	[sflag:s0] =	ssyncadd.s32 @!p0 s1  }
0x223: {  	[bflag:$0x3] =	sbarrier.arrive $0xFFFF  }
0x224: {  	_ =	shalt  }

</sc_bundles>
